<compile_context>
chip_gen: v7x
topology: tpu7x:2x2x1
jax: 0.10.2.dev20260603
libtpu: 0.0.44.dev20260713+nightly
codegen_flags: <defaults>
</compile_context>

<pallas_src>
import functools

import numpy as np
import jax
import jax.numpy as jnp
from jax import lax
from jax.experimental import pallas as pl
from jax.experimental.pallas import tpu as pltpu
from jax.experimental.pallas import tpu_sc as plsc

B = 2
W = 28
H = 28
D = 1536
M = 16384
N = B * W * H
WH = W * H
K_NN = 9
C = 8
OUT = 224
SIGMA = 4.0
KSIZE = 33
MT = 1024
GRID1 = M // MT
MT2 = 1024
GRID2 = M // MT2
RC = 112
RCB = 256
RM = 224
CH = 2048
BIGI = 2**30
dn_c1 = (((1,), (1,)), ((), ()))


def _k1_body(emb_ref, bank_ref, minc_ref, loc_ref, e2_ref, eh_ref, bh_ref,
             m2_ref, s_ref):
    i = pl.program_id(0)

    @pl.when(i == 0)
    def _():
        def init_chunk(k, carry):
            sl = pl.ds(k * RC, RC)
            e = emb_ref[sl, :]
            eh_ref[sl, :] = e.astype(jnp.bfloat16)
            e2_ref[sl, :] = jnp.sum(e * e, axis=1, keepdims=True)
            minc_ref[sl, :] = jnp.full((RC, 1), -3e38, jnp.float32)
            loc_ref[sl, :] = jnp.zeros((RC, 1), jnp.int32)
            return carry

        for k in range(N // RC):
            init_chunk(k, 0)

    def bank_chunk(j, carry):
        sl = pl.ds(j * RCB, RCB)
        bh = bank_ref[sl, :].astype(jnp.bfloat16)
        bh_ref[sl, :] = bh
        m2_ref[0:1, pl.ds(j * RCB, RCB)] = lax.dot_general(
            jnp.full((1, D), 0.5, jnp.bfloat16), bh * bh, dn_c1,
            preferred_element_type=jnp.float32)
        return carry

    for j in range(MT // RCB):
        bank_chunk(j, 0)

    s_ref[...] = lax.dot_general(eh_ref[...], bh_ref[...], dn_c1,
                                 preferred_element_type=jnp.float32)

    def row_chunk(r, carry):
        sl = pl.ds(r * RM, RM)
        t = s_ref[sl, :] - m2_ref[0:1, :]
        tmax = jnp.max(t, axis=1, keepdims=True)
        cols = lax.broadcasted_iota(jnp.int32, t.shape, 1) + i * MT
        tidx = jnp.min(jnp.where(t == tmax, cols, BIGI), axis=1, keepdims=True)
        better = tmax > minc_ref[sl, :]
        loc_ref[sl, :] = jnp.where(better, tidx, loc_ref[sl, :])
        minc_ref[sl, :] = jnp.where(better, tmax, minc_ref[sl, :])
        return carry

    for r in range(N // RM):
        row_chunk(r, 0)


_k1 = pl.pallas_call(
    _k1_body,
    grid=(GRID1,),
    in_specs=[
        pl.BlockSpec((N, D), lambda i: (0, 0)),
        pl.BlockSpec((MT, D), lambda i: (i, 0)),
    ],
    out_specs=[
        pl.BlockSpec((N, 1), lambda i: (0, 0)),
        pl.BlockSpec((N, 1), lambda i: (0, 0)),
        pl.BlockSpec((N, 1), lambda i: (0, 0)),
    ],
    out_shape=[
        jax.ShapeDtypeStruct((N, 1), jnp.float32),
        jax.ShapeDtypeStruct((N, 1), jnp.int32),
        jax.ShapeDtypeStruct((N, 1), jnp.float32),
    ],
    scratch_shapes=[
        pltpu.VMEM((N, D), jnp.bfloat16),
        pltpu.VMEM((MT, D), jnp.bfloat16),
        pltpu.VMEM((1, MT), jnp.float32),
        pltpu.VMEM((N, MT), jnp.float32),
    ],
)


def _k2a_body(minc_ref, e2_ref, loc_ref, ps_ref, scal_ref):
    d2p = jnp.maximum(e2_ref[...] - 2.0 * minc_ref[...], 1e-12)
    ps_ref[...] = jnp.sqrt(d2p)
    cols = lax.broadcasted_iota(jnp.int32, d2p.shape, 1)
    rows = lax.broadcasted_iota(jnp.int32, (B, 1), 0)
    cand = []
    spec_nn = None
    for k in range(C):
        mx = jnp.max(d2p, axis=1, keepdims=True)
        idx = jnp.min(jnp.where(d2p == mx, cols, BIGI), axis=1, keepdims=True)
        cand.append(idx + rows * WH)
        if k == 0:
            spec_nn = jnp.sum(jnp.where(cols == idx, loc_ref[...], 0),
                              axis=1, keepdims=True)
        d2p = jnp.where(cols == idx, -jnp.inf, d2p)
    cb = [jnp.concatenate([c[b:b + 1] for c in cand], axis=1) for b in range(B)]
    cb.append(jnp.concatenate([spec_nn[b:b + 1] for b in range(B)], axis=1))
    scal_ref[...] = jnp.concatenate(cb, axis=1)


_k2a = pl.pallas_call(
    _k2a_body,
    out_shape=[
        jax.ShapeDtypeStruct((B, WH), jnp.float32),
        jax.ShapeDtypeStruct((1, B * C + B), jnp.int32),
    ],
)


def _kb_body(s_ref, emb_ref, bank_ref, na_ref, nb_ref, out_ref, qs_ref,
             m2_ref):
    i = pl.program_id(0)

    @pl.when(i == 0)
    def _():
        for k in range(B * C):
            qs_ref[k:k + 1, :] = emb_ref[pl.ds(s_ref[k], 1), :]
        qs_ref[B * C:B * C + 1, :] = na_ref[pl.ds(s_ref[B * C] % 8, 1), :]
        qs_ref[B * C + 1:B * C + 2, :] = \
            nb_ref[pl.ds(s_ref[B * C + 1] % 8, 1), :]

    def bank_chunk(j, carry):
        sl = pl.ds(j * RCB, RCB)
        b = bank_ref[sl, :]
        m2_ref[0:1, pl.ds(j * RCB, RCB)] = lax.dot_general(
            jnp.ones((1, D), jnp.float32), b * b, dn_c1,
            preferred_element_type=jnp.float32)
        return carry

    lax.fori_loop(0, MT2 // RCB, bank_chunk, 0)
    q = qs_ref[...]
    q2 = jnp.sum(q * q, axis=1, keepdims=True)
    s = lax.dot_general(q, bank_ref[...], dn_c1,
                        preferred_element_type=jnp.float32)
    out_ref[...] = jnp.maximum(q2 + m2_ref[0:1, :] - 2.0 * s, 1e-12)


_NQ = B * C + B

_kb = pl.pallas_call(
    _kb_body,
    grid_spec=pltpu.PrefetchScalarGridSpec(
        num_scalar_prefetch=1,
        grid=(GRID2,),
        in_specs=[
            pl.BlockSpec((N, D), lambda i, s: (0, 0)),
            pl.BlockSpec((MT2, D), lambda i, s: (i, 0)),
            pl.BlockSpec((8, D), lambda i, s: (s[B * C] // 8, 0)),
            pl.BlockSpec((8, D), lambda i, s: (s[B * C + 1] // 8, 0)),
        ],
        out_specs=pl.BlockSpec((_NQ, MT2), lambda i, s: (0, i)),
        scratch_shapes=[
            pltpu.VMEM((_NQ, D), jnp.float32),
            pltpu.VMEM((1, MT2), jnp.float32),
        ],
    ),
    out_shape=jax.ShapeDtypeStruct((_NQ, M), jnp.float32),
)


def _kbsel_body(d2c_ref, pat_ref, dq_ref, scal_ref, score_ref, ok_ref):
    def rowmin_chunk(j, rm):
        v = jnp.min(d2c_ref[0:B * C, pl.ds(j * CH, CH)], axis=1,
                    keepdims=True)
        return jnp.minimum(rm, v)

    rm = lax.fori_loop(0, M // CH, rowmin_chunk,
                       jnp.full((B * C, 1), 3e38, jnp.float32))
    nn_idx, scores = [], []
    for b in range(B):
        rm8 = rm[b * C:(b + 1) * C, :]
        pid8 = pat_ref[b * C:(b + 1) * C, :]
        mx = jnp.max(rm8, axis=0, keepdims=True)
        wid = jnp.min(jnp.where(rm8 == mx, pid8, BIGI), axis=0, keepdims=True)
        flag = jnp.logical_and(rm8 == mx, pid8 == wid)
        scores.append(jnp.sqrt(mx))

        def arg_chunk(j, carry):
            mv, mi = carry
            blk = d2c_ref[b * C:(b + 1) * C, pl.ds(j * CH, CH)]
            wrow = jnp.min(jnp.where(flag, blk, 3e38), axis=0, keepdims=True)
            dq_ref[b:b + 1, pl.ds(j * CH, CH)] = jnp.sqrt(wrow)
            cm = jnp.min(wrow, axis=1, keepdims=True)
            cols = lax.broadcasted_iota(jnp.int32, wrow.shape, 1) + j * CH
            ci = jnp.min(jnp.where(wrow == cm, cols, BIGI), axis=1,
                         keepdims=True)
            better = cm < mv
            return (jnp.where(better, cm, mv), jnp.where(better, ci, mi))

        _, mi = lax.fori_loop(
            0, M // CH, arg_chunk,
            (jnp.full((1, 1), 3e38, jnp.float32),
             jnp.zeros((1, 1), jnp.int32)))
        nn_idx.append(mi)
    scal_ref[...] = jnp.concatenate(nn_idx, axis=1)
    score_ref[...] = jnp.concatenate(scores, axis=0)
    spec = [pat_ref[B * C + b:B * C + b + 1, :] for b in range(B)]
    oks = [nn_idx[b] == spec[b] for b in range(B)]
    ok = oks[0]
    for o in oks[1:]:
        ok = jnp.logical_and(ok, o)
    ok_ref[...] = ok.astype(jnp.int32)


_kbsel = pl.pallas_call(
    _kbsel_body,
    out_shape=[
        jax.ShapeDtypeStruct((B, M), jnp.float32),
        jax.ShapeDtypeStruct((1, B), jnp.int32),
        jax.ShapeDtypeStruct((B, 1), jnp.float32),
        jax.ShapeDtypeStruct((1, 1), jnp.int32),
    ],
)


def _kc_body(s_ref, bank_ref, ra_ref, rb_ref, out_ref, m2_ref):
    def bank_chunk(j, carry):
        sl = pl.ds(j * RCB, RCB)
        b = bank_ref[sl, :]
        m2_ref[0:1, pl.ds(j * RCB, RCB)] = lax.dot_general(
            jnp.ones((1, D), jnp.float32), b * b, dn_c1,
            preferred_element_type=jnp.float32)
        return carry

    lax.fori_loop(0, MT2 // RCB, bank_chunk, 0)
    q = jnp.concatenate(
        [ra_ref[pl.ds(s_ref[0] % 8, 1), :], rb_ref[pl.ds(s_ref[1] % 8, 1), :]],
        axis=0)
    q2 = jnp.sum(q * q, axis=1, keepdims=True)
    s = lax.dot_general(q, bank_ref[...], dn_c1,
                        preferred_element_type=jnp.float32)
    out_ref[...] = jnp.maximum(q2 + m2_ref[0:1, :] - 2.0 * s, 1e-12)


_kc = pl.pallas_call(
    _kc_body,
    grid_spec=pltpu.PrefetchScalarGridSpec(
        num_scalar_prefetch=1,
        grid=(GRID2,),
        in_specs=[
            pl.BlockSpec((MT2, D), lambda i, s: (i, 0)),
            pl.BlockSpec((8, D), lambda i, s: (s[0] // 8, 0)),
            pl.BlockSpec((8, D), lambda i, s: (s[1] // 8, 0)),
        ],
        out_specs=pl.BlockSpec((B, MT2), lambda i, s: (0, i)),
        scratch_shapes=[pltpu.VMEM((1, MT2), jnp.float32)],
    ),
    out_shape=jax.ShapeDtypeStruct((B, M), jnp.float32),
)


SC_CH = M // 16
_SC_TOPK_PAD = 16


SC_CAND = K_NN * 16


def _ksc_body(dnn_ref, ov_ref, oi_ref, v_ref, tv_ref, ti_ref):
    cid = lax.axis_index("c")
    sid = lax.axis_index("s")
    wid = sid * 2 + cid
    base = wid * SC_CH
    pltpu.sync_copy(dnn_ref.at[pl.ds(base, SC_CH)], v_ref)
    lanes = lax.iota(jnp.int32, 16)

    def scan_vreg(j, carry):
        ks = list(carry[:K_NN])
        vs = list(carry[K_NN:])
        y = v_ref[pl.ds(j * 16, 16)]
        yi = j * 16 + lanes + base
        for r in range(K_NN):
            swap = y < ks[r]
            nk = jnp.where(swap, y, ks[r])
            nv = jnp.where(swap, yi, vs[r])
            y = jnp.where(swap, ks[r], y)
            yi = jnp.where(swap, vs[r], yi)
            ks[r], vs[r] = nk, nv
        return tuple(ks) + tuple(vs)

    init = tuple(jnp.full((16,), 3e38, jnp.float32) for _ in range(K_NN)) + \
        tuple(jnp.full((16,), BIGI, jnp.int32) for _ in range(K_NN))
    res = lax.fori_loop(0, SC_CH // 16, scan_vreg, init)
    for r in range(K_NN):
        tv_ref[pl.ds(r * 16, 16)] = res[r]
        ti_ref[pl.ds(r * 16, 16)] = res[K_NN + r]
    pltpu.sync_copy(tv_ref, ov_ref.at[wid])
    pltpu.sync_copy(ti_ref, oi_ref.at[wid])


@functools.cache
def _get_ksc():
    return pl.kernel(
        _ksc_body,
        mesh=plsc.VectorSubcoreMesh(core_axis_name="c", subcore_axis_name="s"),
        out_type=[
            jax.ShapeDtypeStruct((32, SC_CAND), jnp.float32),
            jax.ShapeDtypeStruct((32, SC_CAND), jnp.int32),
        ],
        scratch_types=[
            pltpu.VMEM((SC_CH,), jnp.float32),
            pltpu.VMEM((SC_CAND,), jnp.float32),
            pltpu.VMEM((SC_CAND,), jnp.int32),
        ],
    )


def _k2c_body(lv_ref, li_ref, dq_ref, score_ref, an_ref):
    dists = []
    for b in range(B):
        v16 = lv_ref[b * 16:(b + 1) * 16, :]
        i16 = li_ref[b * 16:(b + 1) * 16, :] - b * M
        dqrow = dq_ref[b:b + 1, :]
        cols = lax.broadcasted_iota(jnp.int32, dqrow.shape, 1)
        for _ in range(K_NN):
            m = jnp.min(v16)
            si = jnp.min(jnp.where(v16 == m, i16, BIGI))
            v16 = jnp.where(jnp.logical_and(v16 == m, i16 == si), 3e38, v16)
            dists.append(jnp.sum(jnp.where(cols == si, dqrow, 0.0), axis=1,
                                 keepdims=True))
    dmat = jnp.concatenate(
        [jnp.concatenate(dists[b * K_NN:(b + 1) * K_NN], axis=1)
         for b in range(B)], axis=0)
    mx = jnp.max(dmat, axis=1, keepdims=True)
    e = jnp.exp(dmat - mx)
    p0 = e[:, 0:1] / jnp.sum(e, axis=1, keepdims=True)
    an_ref[...] = (1.0 - p0) * score_ref[...]


_k2c = pl.pallas_call(
    _k2c_body,
    out_shape=jax.ShapeDtypeStruct((B, 1), jnp.float32),
)


def _k3_body(ps_ref, a_ref, out_ref):
    a = a_ref[...]
    for b in range(B):
        p = ps_ref[b, :, :]
        t = jnp.dot(a, p, preferred_element_type=jnp.float32)
        out_ref[b, 0, :, :] = lax.dot_general(
            t, a, dn_c1, preferred_element_type=jnp.float32)


_k3 = pl.pallas_call(
    _k3_body,
    out_shape=jax.ShapeDtypeStruct((B, 1, OUT, OUT), jnp.float32),
)


@functools.cache
def _blur_upsample_matrix():
    t = np.arange(KSIZE, dtype=np.float64) - (KSIZE - 1) / 2.0
    g = np.exp(-0.5 * (t / SIGMA) ** 2)
    g = g / g.sum()
    pad = KSIZE // 2
    a = np.zeros((OUT, W), dtype=np.float64)
    for i in range(OUT):
        for k in range(KSIZE):
            p = i - pad + k
            if p < 0:
                p = -p
            elif p > OUT - 1:
                p = 2 * (OUT - 1) - p
            a[i, p * W // OUT] += g[k]
    return jnp.asarray(a.astype(np.float32))


def kernel(embedding, memory_bank):
    minc, loc, e2 = _k1(embedding, memory_bank)
    ps, scal = _k2a(minc.reshape(B, WH), e2.reshape(B, WH),
                    loc.reshape(B, WH))
    d2c = _kb(scal.reshape(_NQ), embedding, memory_bank, memory_bank,
              memory_bank)
    dq, nn_scal, score, ok = _kbsel(d2c, scal.reshape(_NQ, 1))
    dnn = lax.cond(
        ok[0, 0] > 0,
        lambda: d2c[B * C:B * C + B, :],
        lambda: _kc(nn_scal.reshape(B), memory_bank, memory_bank,
                    memory_bank))
    lv, li = _get_ksc()(dnn.reshape(B * M))
    an = _k2c(lv, li, dq, score)
    amap = _k3(ps.reshape(B, W, H), _blur_upsample_matrix())
    return amap, an.reshape(B)

# --- scband reference (transcript-rebuilt; emitter-appended) ---
"""Pipeline reference for scband-patchcore-model-51814485458959 (READ-ONLY COPY).

The authoritative reference and input builder live on the scoring server;
editing this copy changes nothing except your own understanding.
"""

import jax, jax.numpy as jnp
import numpy as np

B = 2
W = 28
H = 28
D = 1536
M = 16384
NUM_NEIGHBORS = 9
INPUT_SIZE = (224, 224)
SIGMA = 4.0
KSIZE = 2 * int(4.0 * SIGMA + 0.5) + 1  # 33, as in anomalib/kornia


def setup_inputs(seed: int = 0) -> dict:
    key = jax.random.key(seed)
    k1, k2 = jax.random.split(key)
    embedding = jax.random.normal(k1, (B * W * H, D), dtype=jnp.float32)
    memory_bank = jax.random.normal(k2, (M, D), dtype=jnp.float32)
    return {"embedding": embedding, "memory_bank": memory_bank}


def _cdist(a, b):
    # euclidean cdist via the ||a||^2 + ||b||^2 - 2ab matmul identity (p=2)
    a2 = jnp.sum(a * a, axis=-1, keepdims=True)
    b2 = jnp.sum(b * b, axis=-1)
    d2 = a2 + b2[None, :] - 2.0 * (a @ b.T)
    return jnp.sqrt(jnp.maximum(d2, 1e-12))


def _gaussian_kernel1d(ksize, sigma):
    x = jnp.arange(ksize, dtype=jnp.float32) - (ksize - 1) / 2.0
    g = jnp.exp(-0.5 * (x / sigma) ** 2)
    return g / jnp.sum(g)


def _gaussian_blur(x):
    # separable gaussian blur, reflect padding (kornia gaussian_blur2d semantics)
    k = _gaussian_kernel1d(KSIZE, SIGMA)
    pad = KSIZE // 2
    xp = jnp.pad(x, ((0, 0), (0, 0), (pad, pad), (0, 0)), mode='reflect')
    x = jax.lax.conv_general_dilated(xp, k.reshape(1, 1, KSIZE, 1), (1, 1), 'VALID', dimension_numbers=('NCHW', 'OIHW', 'NCHW'))
    xp = jnp.pad(x, ((0, 0), (0, 0), (0, 0), (pad, pad)), mode='reflect')
    x = jax.lax.conv_general_dilated(xp, k.reshape(1, 1, 1, KSIZE), (1, 1), 'VALID', dimension_numbers=('NCHW', 'OIHW', 'NCHW'))
    return x


def _compute_anomaly_score(patch_scores, locations, embedding, memory_bank):
    bsz, num_patches = patch_scores.shape
    max_patches_idx = jnp.argmax(patch_scores, axis=1)
    max_patches_features = embedding.reshape(bsz, num_patches, -1)[jnp.arange(bsz), max_patches_idx]  # [B, D]
    score = patch_scores[jnp.arange(bsz), max_patches_idx]  # [B]
    nn_index = locations[jnp.arange(bsz), max_patches_idx]  # [B]
    nn_sample = memory_bank[nn_index, :]  # [B, D]
    # k-NN of nn_sample in memory bank (indices only -> distances used just for ordering)
    d_nn = jax.lax.stop_gradient(_cdist(nn_sample, memory_bank))  # [B, M]
    _, support_samples = jax.lax.top_k(-d_nn, NUM_NEIGHBORS)  # smallest-k -> [B, k]
    support_feats = memory_bank[support_samples]  # [B, k, D]
    diff = max_patches_features[:, None, :] - support_feats
    distances = jnp.sqrt(jnp.maximum(jnp.sum(diff * diff, axis=-1), 1e-12))  # [B, k]
    weights = (1.0 - jax.nn.softmax(distances, axis=1))[:, 0]
    return weights * score


def reference(embedding, memory_bank):
    # eval-mode PatchCore path starting from the patch embedding
    # nearest_neighbors with n_neighbors=1
    dists = _cdist(embedding, memory_bank)  # [B*W*H, M]
    patch_scores = jnp.min(dists, axis=1)
    locations = jnp.argmin(dists, axis=1)
    patch_scores = patch_scores.reshape(B, -1)
    locations = locations.reshape(B, -1)
    anomaly_score = _compute_anomaly_score(patch_scores, locations, embedding, memory_bank)
    ps = patch_scores.reshape(B, 1, W, H)
    # AnomalyMapGenerator: nearest-neighbor upsample to input_size + gaussian blur (sigma=4)
    amap = jax.image.resize(ps, (B, 1, INPUT_SIZE[0], INPUT_SIZE[1]), method='nearest')
    amap = _gaussian_blur(amap)
    return amap, anomaly_score

if __name__ == "__main__":
    import jax
    _d = setup_inputs()
    print(jax.jit(kernel)(*tuple(_d.values())))

</pallas_src>

<mosaic_0001>
#map = affine_map<(d0, d1) -> (0)>
#map1 = affine_map<(d0, d1) -> (0, 0)>
module attributes {stable_mosaic.version = 14 : i64} {
  func.func @_ksc_body(%arg0: i32, %arg1: i32, %arg2: memref<32768xf32, #tpu.memory_space<hbm>>, %arg3: memref<32x144xf32, #tpu.memory_space<hbm>>, %arg4: memref<32x144xi32, #tpu.memory_space<hbm>>, %arg5: memref<1024xf32, #tpu.memory_space<vmem>>, %arg6: memref<144xf32, #tpu.memory_space<vmem>>, %arg7: memref<144xi32, #tpu.memory_space<vmem>>) attributes {dimension_semantics = [#tpu.dimension_semantics<core_parallel>, #tpu.dimension_semantics<subcore_parallel>], iteration_bounds = array<i64: 2, 16>, scalar_prefetch = 0 : i64, scratch_operands = 3 : i64, tpu.core_type = #tpu.core_type<sc_vector_subcore>, window_params = [{transform_indices = #map}, {transform_indices = #map1}, {transform_indices = #map1}]} {
    %mul3A = arith.constant 2 : i32
    %mul3A_0 = arith.muli %arg1, %mul3A : i32
    %add3A = arith.addi %mul3A_0, %arg0 : i32
    %mul3A_1 = arith.constant 1024 : i32
    %mul3A_2 = arith.muli %add3A, %mul3A_1 : i32
    "tpu.region"() ({
      %run_scoped3A = tpu.sem_alloc : memref<!tpu.dma_semaphore, #tpu.memory_space<semaphore_mem>>
      %dma_start3A = tpu.memref_slice %arg2[%mul3A_2] : memref<32768xf32, #tpu.memory_space<hbm>> -> memref<1024xf32, #tpu.memory_space<hbm>>
      %dma_start3A_114 = tpu.memref_slice %arg2[%mul3A_2] : memref<32768xf32, #tpu.memory_space<hbm>> -> memref<1024xf32, #tpu.memory_space<hbm>>
      tpu.enqueue_dma source(%dma_start3A_114 : memref<1024xf32, #tpu.memory_space<hbm>>) target(%arg5 : memref<1024xf32, #tpu.memory_space<vmem>>) target_semaphore(%run_scoped3A : memref<!tpu.dma_semaphore, #tpu.memory_space<semaphore_mem>>)
      %dma_wait3A = tpu.memref_slice %arg2[%mul3A_2] : memref<32768xf32, #tpu.memory_space<hbm>> -> memref<1024xf32, #tpu.memory_space<hbm>>
      %dma_wait3A_115 = tpu.memref_slice %arg2[%mul3A_2] : memref<32768xf32, #tpu.memory_space<hbm>> -> memref<1024xf32, #tpu.memory_space<hbm>>
      tpu.wait_dma2 semaphore(%run_scoped3A : memref<!tpu.dma_semaphore, #tpu.memory_space<semaphore_mem>>) src(%dma_wait3A_115 : memref<1024xf32, #tpu.memory_space<hbm>>) dst(%arg5 : memref<1024xf32, #tpu.memory_space<vmem>>)
      tpu.yield
    }) : () -> ()
    %iota3A = tpu.iota {dimensions = array<i32: 0>} : vector<16xi32>
    %broadcast_in_dim3A = arith.constant 3.000000e+38 : f32
    %broadcast_in_dim3A_3 = vector.broadcast %broadcast_in_dim3A : f32 to vector<16xf32>
    %broadcast_in_dim3A_4 = arith.constant 3.000000e+38 : f32
    %broadcast_in_dim3A_5 = vector.broadcast %broadcast_in_dim3A_4 : f32 to vector<16xf32>
    %broadcast_in_dim3A_6 = arith.constant 3.000000e+38 : f32
    %broadcast_in_dim3A_7 = vector.broadcast %broadcast_in_dim3A_6 : f32 to vector<16xf32>
    %broadcast_in_dim3A_8 = arith.constant 3.000000e+38 : f32
    %broadcast_in_dim3A_9 = vector.broadcast %broadcast_in_dim3A_8 : f32 to vector<16xf32>
    %broadcast_in_dim3A_10 = arith.constant 3.000000e+38 : f32
    %broadcast_in_dim3A_11 = vector.broadcast %broadcast_in_dim3A_10 : f32 to vector<16xf32>
    %broadcast_in_dim3A_12 = arith.constant 3.000000e+38 : f32
    %broadcast_in_dim3A_13 = vector.broadcast %broadcast_in_dim3A_12 : f32 to vector<16xf32>
    %broadcast_in_dim3A_14 = arith.constant 3.000000e+38 : f32
    %broadcast_in_dim3A_15 = vector.broadcast %broadcast_in_dim3A_14 : f32 to vector<16xf32>
    %broadcast_in_dim3A_16 = arith.constant 3.000000e+38 : f32
    %broadcast_in_dim3A_17 = vector.broadcast %broadcast_in_dim3A_16 : f32 to vector<16xf32>
    %broadcast_in_dim3A_18 = arith.constant 3.000000e+38 : f32
    %broadcast_in_dim3A_19 = vector.broadcast %broadcast_in_dim3A_18 : f32 to vector<16xf32>
    %broadcast_in_dim3A_20 = arith.constant 1073741824 : i32
    %broadcast_in_dim3A_21 = vector.broadcast %broadcast_in_dim3A_20 : i32 to vector<16xi32>
    %broadcast_in_dim3A_22 = arith.constant 1073741824 : i32
    %broadcast_in_dim3A_23 = vector.broadcast %broadcast_in_dim3A_22 : i32 to vector<16xi32>
    %broadcast_in_dim3A_24 = arith.constant 1073741824 : i32
    %broadcast_in_dim3A_25 = vector.broadcast %broadcast_in_dim3A_24 : i32 to vector<16xi32>
    %broadcast_in_dim3A_26 = arith.constant 1073741824 : i32
    %broadcast_in_dim3A_27 = vector.broadcast %broadcast_in_dim3A_26 : i32 to vector<16xi32>
    %broadcast_in_dim3A_28 = arith.constant 1073741824 : i32
    %broadcast_in_dim3A_29 = vector.broadcast %broadcast_in_dim3A_28 : i32 to vector<16xi32>
    %broadcast_in_dim3A_30 = arith.constant 1073741824 : i32
    %broadcast_in_dim3A_31 = vector.broadcast %broadcast_in_dim3A_30 : i32 to vector<16xi32>
    %broadcast_in_dim3A_32 = arith.constant 1073741824 : i32
    %broadcast_in_dim3A_33 = vector.broadcast %broadcast_in_dim3A_32 : i32 to vector<16xi32>
    %broadcast_in_dim3A_34 = arith.constant 1073741824 : i32
    %broadcast_in_dim3A_35 = vector.broadcast %broadcast_in_dim3A_34 : i32 to vector<16xi32>
    %broadcast_in_dim3A_36 = arith.constant 1073741824 : i32
    %broadcast_in_dim3A_37 = vector.broadcast %broadcast_in_dim3A_36 : i32 to vector<16xi32>
    %scan3A = arith.constant 0 : i32
    %scan3A_38 = arith.constant 64 : i32
    %scan3A_39 = arith.addi %scan3A, %scan3A_38 : i32
    %scan3A_40 = arith.constant 1 : i32
    %scan3A_41:18 = scf.for %scan3A_114 = %scan3A to %scan3A_39 step %scan3A_40 iter_args(%scan3A_115 = %broadcast_in_dim3A_3, %scan3A_116 = %broadcast_in_dim3A_5, %scan3A_117 = %broadcast_in_dim3A_7, %scan3A_118 = %broadcast_in_dim3A_9, %scan3A_119 = %broadcast_in_dim3A_11, %scan3A_120 = %broadcast_in_dim3A_13, %scan3A_121 = %broadcast_in_dim3A_15, %scan3A_122 = %broadcast_in_dim3A_17, %scan3A_123 = %broadcast_in_dim3A_19, %scan3A_124 = %broadcast_in_dim3A_21, %scan3A_125 = %broadcast_in_dim3A_23, %scan3A_126 = %broadcast_in_dim3A_25, %scan3A_127 = %broadcast_in_dim3A_27, %scan3A_128 = %broadcast_in_dim3A_29, %scan3A_129 = %broadcast_in_dim3A_31, %scan3A_130 = %broadcast_in_dim3A_33, %scan3A_131 = %broadcast_in_dim3A_35, %scan3A_132 = %broadcast_in_dim3A_37) -> (vector<16xf32>, vector<16xf32>, vector<16xf32>, vector<16xf32>, vector<16xf32>, vector<16xf32>, vector<16xf32>, vector<16xf32>, vector<16xf32>, vector<16xi32>, vector<16xi32>, vector<16xi32>, vector<16xi32>, vector<16xi32>, vector<16xi32>, vector<16xi32>, vector<16xi32>, vector<16xi32>)  : i32 {
      %mul3A_133 = arith.constant 16 : i32
      %mul3A_134 = arith.muli %scan3A_114, %mul3A_133 : i32
      %get3A = arith.index_cast %mul3A_134 : i32 to index
      %get3A_135 = tpu.vector_load %arg5[%get3A] {strides = array<i32>} : memref<1024xf32, #tpu.memory_space<vmem>>, vector<16xf32>,
      %get3A_136 = vector.shape_cast %get3A_135 : vector<16xf32> to vector<16xf32>
      %mul3A_137 = arith.constant 16 : i32
      %mul3A_138 = arith.muli %scan3A_114, %mul3A_137 : i32
      %add3A_139 = vector.broadcast %mul3A_138 : i32 to vector<16xi32>
      %add3A_140 = arith.addi %add3A_139, %iota3A : vector<16xi32>
      %add3A_141 = vector.broadcast %mul3A_2 : i32 to vector<16xi32>
      %add3A_142 = arith.addi %add3A_140, %add3A_141 : vector<16xi32>
      %lt3A = arith.cmpf olt, %get3A_136, %scan3A_115 : vector<16xf32>
      %select_n3A = arith.select %lt3A, %get3A_136, %scan3A_115 : vector<16xi1>, vector<16xf32>
      %select_n3A_143 = arith.select %lt3A, %add3A_142, %scan3A_124 : vector<16xi1>, vector<16xi32>
      %select_n3A_144 = arith.select %lt3A, %scan3A_115, %get3A_136 : vector<16xi1>, vector<16xf32>
      %select_n3A_145 = arith.select %lt3A, %scan3A_124, %add3A_142 : vector<16xi1>, vector<16xi32>
      %lt3A_146 = arith.cmpf olt, %select_n3A_144, %scan3A_116 : vector<16xf32>
      %select_n3A_147 = arith.select %lt3A_146, %select_n3A_144, %scan3A_116 : vector<16xi1>, vector<16xf32>
      %select_n3A_148 = arith.select %lt3A_146, %select_n3A_145, %scan3A_125 : vector<16xi1>, vector<16xi32>
      %select_n3A_149 = arith.select %lt3A_146, %scan3A_116, %select_n3A_144 : vector<16xi1>, vector<16xf32>
      %select_n3A_150 = arith.select %lt3A_146, %scan3A_125, %select_n3A_145 : vector<16xi1>, vector<16xi32>
      %lt3A_151 = arith.cmpf olt, %select_n3A_149, %scan3A_117 : vector<16xf32>
      %select_n3A_152 = arith.select %lt3A_151, %select_n3A_149, %scan3A_117 : vector<16xi1>, vector<16xf32>
      %select_n3A_153 = arith.select %lt3A_151, %select_n3A_150, %scan3A_126 : vector<16xi1>, vector<16xi32>
      %select_n3A_154 = arith.select %lt3A_151, %scan3A_117, %select_n3A_149 : vector<16xi1>, vector<16xf32>
      %select_n3A_155 = arith.select %lt3A_151, %scan3A_126, %select_n3A_150 : vector<16xi1>, vector<16xi32>
      %lt3A_156 = arith.cmpf olt, %select_n3A_154, %scan3A_118 : vector<16xf32>
      %select_n3A_157 = arith.select %lt3A_156, %select_n3A_154, %scan3A_118 : vector<16xi1>, vector<16xf32>
      %select_n3A_158 = arith.select %lt3A_156, %select_n3A_155, %scan3A_127 : vector<16xi1>, vector<16xi32>
      %select_n3A_159 = arith.select %lt3A_156, %scan3A_118, %select_n3A_154 : vector<16xi1>, vector<16xf32>
      %select_n3A_160 = arith.select %lt3A_156, %scan3A_127, %select_n3A_155 : vector<16xi1>, vector<16xi32>
      %lt3A_161 = arith.cmpf olt, %select_n3A_159, %scan3A_119 : vector<16xf32>
      %select_n3A_162 = arith.select %lt3A_161, %select_n3A_159, %scan3A_119 : vector<16xi1>, vector<16xf32>
      %select_n3A_163 = arith.select %lt3A_161, %select_n3A_160, %scan3A_128 : vector<16xi1>, vector<16xi32>
      %select_n3A_164 = arith.select %lt3A_161, %scan3A_119, %select_n3A_159 : vector<16xi1>, vector<16xf32>
      %select_n3A_165 = arith.select %lt3A_161, %scan3A_128, %select_n3A_160 : vector<16xi1>, vector<16xi32>
      %lt3A_166 = arith.cmpf olt, %select_n3A_164, %scan3A_120 : vector<16xf32>
      %select_n3A_167 = arith.select %lt3A_166, %select_n3A_164, %scan3A_120 : vector<16xi1>, vector<16xf32>
      %select_n3A_168 = arith.select %lt3A_166, %select_n3A_165, %scan3A_129 : vector<16xi1>, vector<16xi32>
      %select_n3A_169 = arith.select %lt3A_166, %scan3A_120, %select_n3A_164 : vector<16xi1>, vector<16xf32>
      %select_n3A_170 = arith.select %lt3A_166, %scan3A_129, %select_n3A_165 : vector<16xi1>, vector<16xi32>
      %lt3A_171 = arith.cmpf olt, %select_n3A_169, %scan3A_121 : vector<16xf32>
      %select_n3A_172 = arith.select %lt3A_171, %select_n3A_169, %scan3A_121 : vector<16xi1>, vector<16xf32>
      %select_n3A_173 = arith.select %lt3A_171, %select_n3A_170, %scan3A_130 : vector<16xi1>, vector<16xi32>
      %select_n3A_174 = arith.select %lt3A_171, %scan3A_121, %select_n3A_169 : vector<16xi1>, vector<16xf32>
      %select_n3A_175 = arith.select %lt3A_171, %scan3A_130, %select_n3A_170 : vector<16xi1>, vector<16xi32>
      %lt3A_176 = arith.cmpf olt, %select_n3A_174, %scan3A_122 : vector<16xf32>
      %select_n3A_177 = arith.select %lt3A_176, %select_n3A_174, %scan3A_122 : vector<16xi1>, vector<16xf32>
      %select_n3A_178 = arith.select %lt3A_176, %select_n3A_175, %scan3A_131 : vector<16xi1>, vector<16xi32>
      %select_n3A_179 = arith.select %lt3A_176, %scan3A_122, %select_n3A_174 : vector<16xi1>, vector<16xf32>
      %select_n3A_180 = arith.select %lt3A_176, %scan3A_131, %select_n3A_175 : vector<16xi1>, vector<16xi32>
      %lt3A_181 = arith.cmpf olt, %select_n3A_179, %scan3A_123 : vector<16xf32>
      %select_n3A_182 = arith.select %lt3A_181, %select_n3A_179, %scan3A_123 : vector<16xi1>, vector<16xf32>
      %select_n3A_183 = arith.select %lt3A_181, %select_n3A_180, %scan3A_132 : vector<16xi1>, vector<16xi32>
      %select_n3A_184 = arith.select %lt3A_181, %scan3A_123, %select_n3A_179 : vector<16xi1>, vector<16xf32>
      %select_n3A_185 = arith.select %lt3A_181, %scan3A_132, %select_n3A_180 : vector<16xi1>, vector<16xi32>
      scf.yield %select_n3A, %select_n3A_147, %select_n3A_152, %select_n3A_157, %select_n3A_162, %select_n3A_167, %select_n3A_172, %select_n3A_177, %select_n3A_182, %select_n3A_143, %select_n3A_148, %select_n3A_153, %select_n3A_158, %select_n3A_163, %select_n3A_168, %select_n3A_173, %select_n3A_178, %select_n3A_183 : vector<16xf32>, vector<16xf32>, vector<16xf32>, vector<16xf32>, vector<16xf32>, vector<16xf32>, vector<16xf32>, vector<16xf32>, vector<16xf32>, vector<16xi32>, vector<16xi32>, vector<16xi32>, vector<16xi32>, vector<16xi32>, vector<16xi32>, vector<16xi32>, vector<16xi32>, vector<16xi32>
    }
    %scan3A_42 = arith.constant 64 : i32
    %swap3A = arith.constant 0 : index
    %swap3A_43 = tpu.vector_load %arg6[%swap3A] {strides = array<i32>} : memref<144xf32, #tpu.memory_space<vmem>>, vector<16xf32>,
    %swap3A_44 = vector.shape_cast %swap3A_43 : vector<16xf32> to vector<16xf32>
    %swap3A_45 = vector.shape_cast %scan3A_41#0 : vector<16xf32> to vector<16xf32>
    tpu.vector_store %arg6[%swap3A], %swap3A_45 {strides = array<i32>} : memref<144xf32, #tpu.memory_space<vmem>>, vector<16xf32>,
    %swap3A_46 = arith.constant 0 : index
    %swap3A_47 = tpu.vector_load %arg7[%swap3A_46] {strides = array<i32>} : memref<144xi32, #tpu.memory_space<vmem>>, vector<16xi32>,
    %swap3A_48 = vector.shape_cast %swap3A_47 : vector<16xi32> to vector<16xi32>
    %swap3A_49 = vector.shape_cast %scan3A_41#9 : vector<16xi32> to vector<16xi32>
    tpu.vector_store %arg7[%swap3A_46], %swap3A_49 {strides = array<i32>} : memref<144xi32, #tpu.memory_space<vmem>>, vector<16xi32>,
    %swap3A_50 = arith.constant 16 : index
    %swap3A_51 = tpu.vector_load %arg6[%swap3A_50] {strides = array<i32>} : memref<144xf32, #tpu.memory_space<vmem>>, vector<16xf32>,
    %swap3A_52 = vector.shape_cast %swap3A_51 : vector<16xf32> to vector<16xf32>
    %swap3A_53 = vector.shape_cast %scan3A_41#1 : vector<16xf32> to vector<16xf32>
    tpu.vector_store %arg6[%swap3A_50], %swap3A_53 {strides = array<i32>} : memref<144xf32, #tpu.memory_space<vmem>>, vector<16xf32>,
    %swap3A_54 = arith.constant 16 : index
    %swap3A_55 = tpu.vector_load %arg7[%swap3A_54] {strides = array<i32>} : memref<144xi32, #tpu.memory_space<vmem>>, vector<16xi32>,
    %swap3A_56 = vector.shape_cast %swap3A_55 : vector<16xi32> to vector<16xi32>
    %swap3A_57 = vector.shape_cast %scan3A_41#10 : vector<16xi32> to vector<16xi32>
    tpu.vector_store %arg7[%swap3A_54], %swap3A_57 {strides = array<i32>} : memref<144xi32, #tpu.memory_space<vmem>>, vector<16xi32>,
    %swap3A_58 = arith.constant 32 : index
    %swap3A_59 = tpu.vector_load %arg6[%swap3A_58] {strides = array<i32>} : memref<144xf32, #tpu.memory_space<vmem>>, vector<16xf32>,
    %swap3A_60 = vector.shape_cast %swap3A_59 : vector<16xf32> to vector<16xf32>
    %swap3A_61 = vector.shape_cast %scan3A_41#2 : vector<16xf32> to vector<16xf32>
    tpu.vector_store %arg6[%swap3A_58], %swap3A_61 {strides = array<i32>} : memref<144xf32, #tpu.memory_space<vmem>>, vector<16xf32>,
    %swap3A_62 = arith.constant 32 : index
    %swap3A_63 = tpu.vector_load %arg7[%swap3A_62] {strides = array<i32>} : memref<144xi32, #tpu.memory_space<vmem>>, vector<16xi32>,
    %swap3A_64 = vector.shape_cast %swap3A_63 : vector<16xi32> to vector<16xi32>
    %swap3A_65 = vector.shape_cast %scan3A_41#11 : vector<16xi32> to vector<16xi32>
    tpu.vector_store %arg7[%swap3A_62], %swap3A_65 {strides = array<i32>} : memref<144xi32, #tpu.memory_space<vmem>>, vector<16xi32>,
    %swap3A_66 = arith.constant 48 : index
    %swap3A_67 = tpu.vector_load %arg6[%swap3A_66] {strides = array<i32>} : memref<144xf32, #tpu.memory_space<vmem>>, vector<16xf32>,
    %swap3A_68 = vector.shape_cast %swap3A_67 : vector<16xf32> to vector<16xf32>
    %swap3A_69 = vector.shape_cast %scan3A_41#3 : vector<16xf32> to vector<16xf32>
    tpu.vector_store %arg6[%swap3A_66], %swap3A_69 {strides = array<i32>} : memref<144xf32, #tpu.memory_space<vmem>>, vector<16xf32>,
    %swap3A_70 = arith.constant 48 : index
    %swap3A_71 = tpu.vector_load %arg7[%swap3A_70] {strides = array<i32>} : memref<144xi32, #tpu.memory_space<vmem>>, vector<16xi32>,
    %swap3A_72 = vector.shape_cast %swap3A_71 : vector<16xi32> to vector<16xi32>
    %swap3A_73 = vector.shape_cast %scan3A_41#12 : vector<16xi32> to vector<16xi32>
    tpu.vector_store %arg7[%swap3A_70], %swap3A_73 {strides = array<i32>} : memref<144xi32, #tpu.memory_space<vmem>>, vector<16xi32>,
    %swap3A_74 = arith.constant 64 : index
    %swap3A_75 = tpu.vector_load %arg6[%swap3A_74] {strides = array<i32>} : memref<144xf32, #tpu.memory_space<vmem>>, vector<16xf32>,
    %swap3A_76 = vector.shape_cast %swap3A_75 : vector<16xf32> to vector<16xf32>
    %swap3A_77 = vector.shape_cast %scan3A_41#4 : vector<16xf32> to vector<16xf32>
    tpu.vector_store %arg6[%swap3A_74], %swap3A_77 {strides = array<i32>} : memref<144xf32, #tpu.memory_space<vmem>>, vector<16xf32>,
    %swap3A_78 = arith.constant 64 : index
    %swap3A_79 = tpu.vector_load %arg7[%swap3A_78] {strides = array<i32>} : memref<144xi32, #tpu.memory_space<vmem>>, vector<16xi32>,
    %swap3A_80 = vector.shape_cast %swap3A_79 : vector<16xi32> to vector<16xi32>
    %swap3A_81 = vector.shape_cast %scan3A_41#13 : vector<16xi32> to vector<16xi32>
    tpu.vector_store %arg7[%swap3A_78], %swap3A_81 {strides = array<i32>} : memref<144xi32, #tpu.memory_space<vmem>>, vector<16xi32>,
    %swap3A_82 = arith.constant 80 : index
    %swap3A_83 = tpu.vector_load %arg6[%swap3A_82] {strides = array<i32>} : memref<144xf32, #tpu.memory_space<vmem>>, vector<16xf32>,
    %swap3A_84 = vector.shape_cast %swap3A_83 : vector<16xf32> to vector<16xf32>
    %swap3A_85 = vector.shape_cast %scan3A_41#5 : vector<16xf32> to vector<16xf32>
    tpu.vector_store %arg6[%swap3A_82], %swap3A_85 {strides = array<i32>} : memref<144xf32, #tpu.memory_space<vmem>>, vector<16xf32>,
    %swap3A_86 = arith.constant 80 : index
    %swap3A_87 = tpu.vector_load %arg7[%swap3A_86] {strides = array<i32>} : memref<144xi32, #tpu.memory_space<vmem>>, vector<16xi32>,
    %swap3A_88 = vector.shape_cast %swap3A_87 : vector<16xi32> to vector<16xi32>
    %swap3A_89 = vector.shape_cast %scan3A_41#14 : vector<16xi32> to vector<16xi32>
    tpu.vector_store %arg7[%swap3A_86], %swap3A_89 {strides = array<i32>} : memref<144xi32, #tpu.memory_space<vmem>>, vector<16xi32>,
    %swap3A_90 = arith.constant 96 : index
    %swap3A_91 = tpu.vector_load %arg6[%swap3A_90] {strides = array<i32>} : memref<144xf32, #tpu.memory_space<vmem>>, vector<16xf32>,
    %swap3A_92 = vector.shape_cast %swap3A_91 : vector<16xf32> to vector<16xf32>
    %swap3A_93 = vector.shape_cast %scan3A_41#6 : vector<16xf32> to vector<16xf32>
    tpu.vector_store %arg6[%swap3A_90], %swap3A_93 {strides = array<i32>} : memref<144xf32, #tpu.memory_space<vmem>>, vector<16xf32>,
    %swap3A_94 = arith.constant 96 : index
    %swap3A_95 = tpu.vector_load %arg7[%swap3A_94] {strides = array<i32>} : memref<144xi32, #tpu.memory_space<vmem>>, vector<16xi32>,
    %swap3A_96 = vector.shape_cast %swap3A_95 : vector<16xi32> to vector<16xi32>
    %swap3A_97 = vector.shape_cast %scan3A_41#15 : vector<16xi32> to vector<16xi32>
    tpu.vector_store %arg7[%swap3A_94], %swap3A_97 {strides = array<i32>} : memref<144xi32, #tpu.memory_space<vmem>>, vector<16xi32>,
    %swap3A_98 = arith.constant 112 : index
    %swap3A_99 = tpu.vector_load %arg6[%swap3A_98] {strides = array<i32>} : memref<144xf32, #tpu.memory_space<vmem>>, vector<16xf32>,
    %swap3A_100 = vector.shape_cast %swap3A_99 : vector<16xf32> to vector<16xf32>
    %swap3A_101 = vector.shape_cast %scan3A_41#7 : vector<16xf32> to vector<16xf32>
    tpu.vector_store %arg6[%swap3A_98], %swap3A_101 {strides = array<i32>} : memref<144xf32, #tpu.memory_space<vmem>>, vector<16xf32>,
    %swap3A_102 = arith.constant 112 : index
    %swap3A_103 = tpu.vector_load %arg7[%swap3A_102] {strides = array<i32>} : memref<144xi32, #tpu.memory_space<vmem>>, vector<16xi32>,
    %swap3A_104 = vector.shape_cast %swap3A_103 : vector<16xi32> to vector<16xi32>
    %swap3A_105 = vector.shape_cast %scan3A_41#16 : vector<16xi32> to vector<16xi32>
    tpu.vector_store %arg7[%swap3A_102], %swap3A_105 {strides = array<i32>} : memref<144xi32, #tpu.memory_space<vmem>>, vector<16xi32>,
    %swap3A_106 = arith.constant 128 : index
    %swap3A_107 = tpu.vector_load %arg6[%swap3A_106] {strides = array<i32>} : memref<144xf32, #tpu.memory_space<vmem>>, vector<16xf32>,
    %swap3A_108 = vector.shape_cast %swap3A_107 : vector<16xf32> to vector<16xf32>
    %swap3A_109 = vector.shape_cast %scan3A_41#8 : vector<16xf32> to vector<16xf32>
    tpu.vector_store %arg6[%swap3A_106], %swap3A_109 {strides = array<i32>} : memref<144xf32, #tpu.memory_space<vmem>>, vector<16xf32>,
    %swap3A_110 = arith.constant 128 : index
    %swap3A_111 = tpu.vector_load %arg7[%swap3A_110] {strides = array<i32>} : memref<144xi32, #tpu.memory_space<vmem>>, vector<16xi32>,
    %swap3A_112 = vector.shape_cast %swap3A_111 : vector<16xi32> to vector<16xi32>
    %swap3A_113 = vector.shape_cast %scan3A_41#17 : vector<16xi32> to vector<16xi32>
    tpu.vector_store %arg7[%swap3A_110], %swap3A_113 {strides = array<i32>} : memref<144xi32, #tpu.memory_space<vmem>>, vector<16xi32>,
    "tpu.region"() ({
      %run_scoped3A = tpu.sem_alloc : memref<!tpu.dma_semaphore, #tpu.memory_space<semaphore_mem>>
      %dma_start3A = arith.constant 0 : i32
      %dma_start3A_114 = tpu.memref_slice %arg3[%add3A, %dma_start3A] : memref<32x144xf32, #tpu.memory_space<hbm>> -> memref<1x144xf32, #tpu.memory_space<hbm>>
      %dma_start3A_115 = tpu.memref_squeeze %dma_start3A_114 : memref<1x144xf32, #tpu.memory_space<hbm>> -> memref<144xf32, #tpu.memory_space<hbm>>
      %dma_start3A_116 = arith.constant 0 : i32
      %dma_start3A_117 = tpu.memref_slice %arg3[%add3A, %dma_start3A_116] : memref<32x144xf32, #tpu.memory_space<hbm>> -> memref<1x144xf32, #tpu.memory_space<hbm>>
      %dma_start3A_118 = tpu.memref_squeeze %dma_start3A_117 : memref<1x144xf32, #tpu.memory_space<hbm>> -> memref<144xf32, #tpu.memory_space<hbm>>
      tpu.enqueue_dma source(%arg6 : memref<144xf32, #tpu.memory_space<vmem>>) target(%dma_start3A_118 : memref<144xf32, #tpu.memory_space<hbm>>) target_semaphore(%run_scoped3A : memref<!tpu.dma_semaphore, #tpu.memory_space<semaphore_mem>>)
      %dma_wait3A = arith.constant 0 : i32
      %dma_wait3A_119 = tpu.memref_slice %arg3[%add3A, %dma_wait3A] : memref<32x144xf32, #tpu.memory_space<hbm>> -> memref<1x144xf32, #tpu.memory_space<hbm>>
      %dma_wait3A_120 = tpu.memref_squeeze %dma_wait3A_119 : memref<1x144xf32, #tpu.memory_space<hbm>> -> memref<144xf32, #tpu.memory_space<hbm>>
      %dma_wait3A_121 = arith.constant 0 : i32
      %dma_wait3A_122 = tpu.memref_slice %arg3[%add3A, %dma_wait3A_121] : memref<32x144xf32, #tpu.memory_space<hbm>> -> memref<1x144xf32, #tpu.memory_space<hbm>>
      %dma_wait3A_123 = tpu.memref_squeeze %dma_wait3A_122 : memref<1x144xf32, #tpu.memory_space<hbm>> -> memref<144xf32, #tpu.memory_space<hbm>>
      tpu.wait_dma2 semaphore(%run_scoped3A : memref<!tpu.dma_semaphore, #tpu.memory_space<semaphore_mem>>) src(%arg6 : memref<144xf32, #tpu.memory_space<vmem>>) dst(%dma_wait3A_123 : memref<144xf32, #tpu.memory_space<hbm>>)
      tpu.yield
    }) : () -> ()
    "tpu.region"() ({
      %run_scoped3A = tpu.sem_alloc : memref<!tpu.dma_semaphore, #tpu.memory_space<semaphore_mem>>
      %dma_start3A = arith.constant 0 : i32
      %dma_start3A_114 = tpu.memref_slice %arg4[%add3A, %dma_start3A] : memref<32x144xi32, #tpu.memory_space<hbm>> -> memref<1x144xi32, #tpu.memory_space<hbm>>
      %dma_start3A_115 = tpu.memref_squeeze %dma_start3A_114 : memref<1x144xi32, #tpu.memory_space<hbm>> -> memref<144xi32, #tpu.memory_space<hbm>>
      %dma_start3A_116 = arith.constant 0 : i32
      %dma_start3A_117 = tpu.memref_slice %arg4[%add3A, %dma_start3A_116] : memref<32x144xi32, #tpu.memory_space<hbm>> -> memref<1x144xi32, #tpu.memory_space<hbm>>
      %dma_start3A_118 = tpu.memref_squeeze %dma_start3A_117 : memref<1x144xi32, #tpu.memory_space<hbm>> -> memref<144xi32, #tpu.memory_space<hbm>>
      tpu.enqueue_dma source(%arg7 : memref<144xi32, #tpu.memory_space<vmem>>) target(%dma_start3A_118 : memref<144xi32, #tpu.memory_space<hbm>>) target_semaphore(%run_scoped3A : memref<!tpu.dma_semaphore, #tpu.memory_space<semaphore_mem>>)
      %dma_wait3A = arith.constant 0 : i32
      %dma_wait3A_119 = tpu.memref_slice %arg4[%add3A, %dma_wait3A] : memref<32x144xi32, #tpu.memory_space<hbm>> -> memref<1x144xi32, #tpu.memory_space<hbm>>
      %dma_wait3A_120 = tpu.memref_squeeze %dma_wait3A_119 : memref<1x144xi32, #tpu.memory_space<hbm>> -> memref<144xi32, #tpu.memory_space<hbm>>
      %dma_wait3A_121 = arith.constant 0 : i32
      %dma_wait3A_122 = tpu.memref_slice %arg4[%add3A, %dma_wait3A_121] : memref<32x144xi32, #tpu.memory_space<hbm>> -> memref<1x144xi32, #tpu.memory_space<hbm>>
      %dma_wait3A_123 = tpu.memref_squeeze %dma_wait3A_122 : memref<1x144xi32, #tpu.memory_space<hbm>> -> memref<144xi32, #tpu.memory_space<hbm>>
      tpu.wait_dma2 semaphore(%run_scoped3A : memref<!tpu.dma_semaphore, #tpu.memory_space<semaphore_mem>>) src(%arg7 : memref<144xi32, #tpu.memory_space<vmem>>) dst(%dma_wait3A_123 : memref<144xi32, #tpu.memory_space<hbm>>)
      tpu.yield
    }) : () -> ()
    return
  }
}

module attributes {stable_mosaic.version = 14 : i64} {
  func.func @_k1_body(%arg0: i32, %arg1: memref<1568x1536xf32, #tpu.memory_space<vmem>>, %arg2: memref<1024x1536xf32, #tpu.memory_space<vmem>>, %arg3: memref<1568x1xf32, #tpu.memory_space<vmem>>, %arg4: memref<1568x1xi32, #tpu.memory_space<vmem>>, %arg5: memref<1568x1xf32, #tpu.memory_space<vmem>>, %arg6: memref<1568x1536xbf16, #tpu.memory_space<vmem>>, %arg7: memref<1024x1536xbf16, #tpu.memory_space<vmem>>, %arg8: memref<1x1024xf32, #tpu.memory_space<vmem>>, %arg9: memref<1568x1024xf32, #tpu.memory_space<vmem>>) attributes {dimension_semantics = [#tpu.dimension_semantics<arbitrary>], iteration_bounds = array<i64: 16>, scalar_prefetch = 0 : i64, scratch_operands = 4 : i64, tpu.core_type = #tpu.core_type<tc>, window_params = [{pipeline_mode = #tpu.pipeline_mode<synchronous>, transform_indices = @transform_0, window_bounds = array<i64: 1568, 1536>}, {transform_indices = @transform_1, window_bounds = array<i64: 1024, 1536>}, {pipeline_mode = #tpu.pipeline_mode<synchronous>, transform_indices = @transform_2, window_bounds = array<i64: 1568, 1>}, {pipeline_mode = #tpu.pipeline_mode<synchronous>, transform_indices = @transform_3, window_bounds = array<i64: 1568, 1>}, {pipeline_mode = #tpu.pipeline_mode<synchronous>, transform_indices = @transform_4, window_bounds = array<i64: 1568, 1>}]} {
    %eq3A = arith.constant 0 : i32
    %eq3A_0 = arith.cmpi eq, %arg0, %eq3A : i32
    %convert_element_type3A = arith.extui %eq3A_0 : i1 to i32
    %cond3A = arith.constant 0 : i32
    %cond3A_1 = arith.cmpi ne, %convert_element_type3A, %cond3A : i32
    scf.if %cond3A_1 {
      %get3A_354 = arith.constant 0 : index
      %get3A_355 = arith.constant 0 : index
      %get3A_356 = vector.load %arg1[%get3A_354, %get3A_355] : memref<1568x1536xf32, #tpu.memory_space<vmem>>, vector<112x1536xf32>
      %convert_element_type3A_357 = arith.truncf %get3A_356 : vector<112x1536xf32> to vector<112x1536xbf16>
      %swap3A_358 = arith.constant 0 : index
      %swap3A_359 = arith.constant 0 : index
      %swap3A_360 = vector.load %arg6[%swap3A_358, %swap3A_359] : memref<1568x1536xbf16, #tpu.memory_space<vmem>>, vector<112x1536xbf16>
      tpu.vector_store %arg6[%swap3A_358, %swap3A_359], %convert_element_type3A_357 {strides = array<i32>} : memref<1568x1536xbf16, #tpu.memory_space<vmem>>, vector<112x1536xbf16>,
      %mul3A_361 = arith.mulf %get3A_356, %get3A_356 : vector<112x1536xf32>
      %reduce_sum3A = arith.constant dense<0.000000e+00> : vector<112xf32>
      %reduce_sum3A_362 = vector.multi_reduction <add>, %mul3A_361, %reduce_sum3A [1] : vector<112x1536xf32> to vector<112xf32>
      %broadcast_in_dim3A_363 = vector.shape_cast %reduce_sum3A_362 : vector<112xf32> to vector<112x1xf32>
      %swap3A_364 = arith.constant 0 : index
      %swap3A_365 = arith.constant 0 : index
      %swap3A_366 = vector.load %arg5[%swap3A_364, %swap3A_365] : memref<1568x1xf32, #tpu.memory_space<vmem>>, vector<112x1xf32>
      tpu.vector_store %arg5[%swap3A_364, %swap3A_365], %broadcast_in_dim3A_363 {strides = array<i32>} : memref<1568x1xf32, #tpu.memory_space<vmem>>, vector<112x1xf32>,
      %broadcast_in_dim3A_367 = arith.constant -3.000000e+38 : f32
      %broadcast_in_dim3A_368 = vector.broadcast %broadcast_in_dim3A_367 : f32 to vector<112x1xf32>
      %swap3A_369 = arith.constant 0 : index
      %swap3A_370 = arith.constant 0 : index
      %swap3A_371 = vector.load %arg3[%swap3A_369, %swap3A_370] : memref<1568x1xf32, #tpu.memory_space<vmem>>, vector<112x1xf32>
      tpu.vector_store %arg3[%swap3A_369, %swap3A_370], %broadcast_in_dim3A_368 {strides = array<i32>} : memref<1568x1xf32, #tpu.memory_space<vmem>>, vector<112x1xf32>,
      %broadcast_in_dim3A_372 = arith.constant 0 : i32
      %broadcast_in_dim3A_373 = vector.broadcast %broadcast_in_dim3A_372 : i32 to vector<112x1xi32>
      %swap3A_374 = arith.constant 0 : index
      %swap3A_375 = arith.constant 0 : index
      %swap3A_376 = vector.load %arg4[%swap3A_374, %swap3A_375] : memref<1568x1xi32, #tpu.memory_space<vmem>>, vector<112x1xi32>
      tpu.vector_store %arg4[%swap3A_374, %swap3A_375], %broadcast_in_dim3A_373 {strides = array<i32>} : memref<1568x1xi32, #tpu.memory_space<vmem>>, vector<112x1xi32>,
      %get3A_377 = arith.constant 112 : index
      %get3A_378 = arith.constant 0 : index
      %get3A_379 = vector.load %arg1[%get3A_377, %get3A_378] : memref<1568x1536xf32, #tpu.memory_space<vmem>>, vector<112x1536xf32>
      %convert_element_type3A_380 = arith.truncf %get3A_379 : vector<112x1536xf32> to vector<112x1536xbf16>
      %swap3A_381 = arith.constant 112 : index
      %swap3A_382 = arith.constant 0 : index
      %swap3A_383 = vector.load %arg6[%swap3A_381, %swap3A_382] : memref<1568x1536xbf16, #tpu.memory_space<vmem>>, vector<112x1536xbf16>
      tpu.vector_store %arg6[%swap3A_381, %swap3A_382], %convert_element_type3A_380 {strides = array<i32>} : memref<1568x1536xbf16, #tpu.memory_space<vmem>>, vector<112x1536xbf16>,
      %mul3A_384 = arith.mulf %get3A_379, %get3A_379 : vector<112x1536xf32>
      %reduce_sum3A_385 = arith.constant dense<0.000000e+00> : vector<112xf32>
      %reduce_sum3A_386 = vector.multi_reduction <add>, %mul3A_384, %reduce_sum3A_385 [1] : vector<112x1536xf32> to vector<112xf32>
      %broadcast_in_dim3A_387 = vector.shape_cast %reduce_sum3A_386 : vector<112xf32> to vector<112x1xf32>
      %swap3A_388 = arith.constant 112 : index
      %swap3A_389 = arith.constant 0 : index
      %swap3A_390 = vector.load %arg5[%swap3A_388, %swap3A_389] : memref<1568x1xf32, #tpu.memory_space<vmem>>, vector<112x1xf32>
      tpu.vector_store %arg5[%swap3A_388, %swap3A_389], %broadcast_in_dim3A_387 {strides = array<i32>} : memref<1568x1xf32, #tpu.memory_space<vmem>>, vector<112x1xf32>,
      %broadcast_in_dim3A_391 = arith.constant -3.000000e+38 : f32
      %broadcast_in_dim3A_392 = vector.broadcast %broadcast_in_dim3A_391 : f32 to vector<112x1xf32>
      %swap3A_393 = arith.constant 112 : index
      %swap3A_394 = arith.constant 0 : index
      %swap3A_395 = vector.load %arg3[%swap3A_393, %swap3A_394] : memref<1568x1xf32, #tpu.memory_space<vmem>>, vector<112x1xf32>
      tpu.vector_store %arg3[%swap3A_393, %swap3A_394], %broadcast_in_dim3A_392 {strides = array<i32>} : memref<1568x1xf32, #tpu.memory_space<vmem>>, vector<112x1xf32>,
      %broadcast_in_dim3A_396 = arith.constant 0 : i32
      %broadcast_in_dim3A_397 = vector.broadcast %broadcast_in_dim3A_396 : i32 to vector<112x1xi32>
      %swap3A_398 = arith.constant 112 : index
      %swap3A_399 = arith.constant 0 : index
      %swap3A_400 = vector.load %arg4[%swap3A_398, %swap3A_399] : memref<1568x1xi32, #tpu.memory_space<vmem>>, vector<112x1xi32>
      tpu.vector_store %arg4[%swap3A_398, %swap3A_399], %broadcast_in_dim3A_397 {strides = array<i32>} : memref<1568x1xi32, #tpu.memory_space<vmem>>, vector<112x1xi32>,
      %get3A_401 = arith.constant 224 : index
      %get3A_402 = arith.constant 0 : index
      %get3A_403 = vector.load %arg1[%get3A_401, %get3A_402] : memref<1568x1536xf32, #tpu.memory_space<vmem>>, vector<112x1536xf32>
      %convert_element_type3A_404 = arith.truncf %get3A_403 : vector<112x1536xf32> to vector<112x1536xbf16>
      %swap3A_405 = arith.constant 224 : index
      %swap3A_406 = arith.constant 0 : index
      %swap3A_407 = vector.load %arg6[%swap3A_405, %swap3A_406] : memref<1568x1536xbf16, #tpu.memory_space<vmem>>, vector<112x1536xbf16>
      tpu.vector_store %arg6[%swap3A_405, %swap3A_406], %convert_element_type3A_404 {strides = array<i32>} : memref<1568x1536xbf16, #tpu.memory_space<vmem>>, vector<112x1536xbf16>,
      %mul3A_408 = arith.mulf %get3A_403, %get3A_403 : vector<112x1536xf32>
      %reduce_sum3A_409 = arith.constant dense<0.000000e+00> : vector<112xf32>
      %reduce_sum3A_410 = vector.multi_reduction <add>, %mul3A_408, %reduce_sum3A_409 [1] : vector<112x1536xf32> to vector<112xf32>
      %broadcast_in_dim3A_411 = vector.shape_cast %reduce_sum3A_410 : vector<112xf32> to vector<112x1xf32>
      %swap3A_412 = arith.constant 224 : index
      %swap3A_413 = arith.constant 0 : index
      %swap3A_414 = vector.load %arg5[%swap3A_412, %swap3A_413] : memref<1568x1xf32, #tpu.memory_space<vmem>>, vector<112x1xf32>
      tpu.vector_store %arg5[%swap3A_412, %swap3A_413], %broadcast_in_dim3A_411 {strides = array<i32>} : memref<1568x1xf32, #tpu.memory_space<vmem>>, vector<112x1xf32>,
      %broadcast_in_dim3A_415 = arith.constant -3.000000e+38 : f32
      %broadcast_in_dim3A_416 = vector.broadcast %broadcast_in_dim3A_415 : f32 to vector<112x1xf32>
      %swap3A_417 = arith.constant 224 : index
      %swap3A_418 = arith.constant 0 : index
      %swap3A_419 = vector.load %arg3[%swap3A_417, %swap3A_418] : memref<1568x1xf32, #tpu.memory_space<vmem>>, vector<112x1xf32>
      tpu.vector_store %arg3[%swap3A_417, %swap3A_418], %broadcast_in_dim3A_416 {strides = array<i32>} : memref<1568x1xf32, #tpu.memory_space<vmem>>, vector<112x1xf32>,
      %broadcast_in_dim3A_420 = arith.constant 0 : i32
      %broadcast_in_dim3A_421 = vector.broadcast %broadcast_in_dim3A_420 : i32 to vector<112x1xi32>
      %swap3A_422 = arith.constant 224 : index
      %swap3A_423 = arith.constant 0 : index
      %swap3A_424 = vector.load %arg4[%swap3A_422, %swap3A_423] : memref<1568x1xi32, #tpu.memory_space<vmem>>, vector<112x1xi32>
      tpu.vector_store %arg4[%swap3A_422, %swap3A_423], %broadcast_in_dim3A_421 {strides = array<i32>} : memref<1568x1xi32, #tpu.memory_space<vmem>>, vector<112x1xi32>,
      %get3A_425 = arith.constant 336 : index
      %get3A_426 = arith.constant 0 : index
      %get3A_427 = vector.load %arg1[%get3A_425, %get3A_426] : memref<1568x1536xf32, #tpu.memory_space<vmem>>, vector<112x1536xf32>
      %convert_element_type3A_428 = arith.truncf %get3A_427 : vector<112x1536xf32> to vector<112x1536xbf16>
      %swap3A_429 = arith.constant 336 : index
      %swap3A_430 = arith.constant 0 : index
      %swap3A_431 = vector.load %arg6[%swap3A_429, %swap3A_430] : memref<1568x1536xbf16, #tpu.memory_space<vmem>>, vector<112x1536xbf16>
      tpu.vector_store %arg6[%swap3A_429, %swap3A_430], %convert_element_type3A_428 {strides = array<i32>} : memref<1568x1536xbf16, #tpu.memory_space<vmem>>, vector<112x1536xbf16>,
      %mul3A_432 = arith.mulf %get3A_427, %get3A_427 : vector<112x1536xf32>
      %reduce_sum3A_433 = arith.constant dense<0.000000e+00> : vector<112xf32>
      %reduce_sum3A_434 = vector.multi_reduction <add>, %mul3A_432, %reduce_sum3A_433 [1] : vector<112x1536xf32> to vector<112xf32>
      %broadcast_in_dim3A_435 = vector.shape_cast %reduce_sum3A_434 : vector<112xf32> to vector<112x1xf32>
      %swap3A_436 = arith.constant 336 : index
      %swap3A_437 = arith.constant 0 : index
      %swap3A_438 = vector.load %arg5[%swap3A_436, %swap3A_437] : memref<1568x1xf32, #tpu.memory_space<vmem>>, vector<112x1xf32>
      tpu.vector_store %arg5[%swap3A_436, %swap3A_437], %broadcast_in_dim3A_435 {strides = array<i32>} : memref<1568x1xf32, #tpu.memory_space<vmem>>, vector<112x1xf32>,
      %broadcast_in_dim3A_439 = arith.constant -3.000000e+38 : f32
      %broadcast_in_dim3A_440 = vector.broadcast %broadcast_in_dim3A_439 : f32 to vector<112x1xf32>
      %swap3A_441 = arith.constant 336 : index
      %swap3A_442 = arith.constant 0 : index
      %swap3A_443 = vector.load %arg3[%swap3A_441, %swap3A_442] : memref<1568x1xf32, #tpu.memory_space<vmem>>, vector<112x1xf32>
      tpu.vector_store %arg3[%swap3A_441, %swap3A_442], %broadcast_in_dim3A_440 {strides = array<i32>} : memref<1568x1xf32, #tpu.memory_space<vmem>>, vector<112x1xf32>,
      %broadcast_in_dim3A_444 = arith.constant 0 : i32
      %broadcast_in_dim3A_445 = vector.broadcast %broadcast_in_dim3A_444 : i32 to vector<112x1xi32>
      %swap3A_446 = arith.constant 336 : index
      %swap3A_447 = arith.constant 0 : index
      %swap3A_448 = vector.load %arg4[%swap3A_446, %swap3A_447] : memref<1568x1xi32, #tpu.memory_space<vmem>>, vector<112x1xi32>
      tpu.vector_store %arg4[%swap3A_446, %swap3A_447], %broadcast_in_dim3A_445 {strides = array<i32>} : memref<1568x1xi32, #tpu.memory_space<vmem>>, vector<112x1xi32>,
      %get3A_449 = arith.constant 448 : index
      %get3A_450 = arith.constant 0 : index
      %get3A_451 = vector.load %arg1[%get3A_449, %get3A_450] : memref<1568x1536xf32, #tpu.memory_space<vmem>>, vector<112x1536xf32>
      %convert_element_type3A_452 = arith.truncf %get3A_451 : vector<112x1536xf32> to vector<112x1536xbf16>
      %swap3A_453 = arith.constant 448 : index
      %swap3A_454 = arith.constant 0 : index
      %swap3A_455 = vector.load %arg6[%swap3A_453, %swap3A_454] : memref<1568x1536xbf16, #tpu.memory_space<vmem>>, vector<112x1536xbf16>
      tpu.vector_store %arg6[%swap3A_453, %swap3A_454], %convert_element_type3A_452 {strides = array<i32>} : memref<1568x1536xbf16, #tpu.memory_space<vmem>>, vector<112x1536xbf16>,
      %mul3A_456 = arith.mulf %get3A_451, %get3A_451 : vector<112x1536xf32>
      %reduce_sum3A_457 = arith.constant dense<0.000000e+00> : vector<112xf32>
      %reduce_sum3A_458 = vector.multi_reduction <add>, %mul3A_456, %reduce_sum3A_457 [1] : vector<112x1536xf32> to vector<112xf32>
      %broadcast_in_dim3A_459 = vector.shape_cast %reduce_sum3A_458 : vector<112xf32> to vector<112x1xf32>
      %swap3A_460 = arith.constant 448 : index
      %swap3A_461 = arith.constant 0 : index
      %swap3A_462 = vector.load %arg5[%swap3A_460, %swap3A_461] : memref<1568x1xf32, #tpu.memory_space<vmem>>, vector<112x1xf32>
      tpu.vector_store %arg5[%swap3A_460, %swap3A_461], %broadcast_in_dim3A_459 {strides = array<i32>} : memref<1568x1xf32, #tpu.memory_space<vmem>>, vector<112x1xf32>,
      %broadcast_in_dim3A_463 = arith.constant -3.000000e+38 : f32
      %broadcast_in_dim3A_464 = vector.broadcast %broadcast_in_dim3A_463 : f32 to vector<112x1xf32>
      %swap3A_465 = arith.constant 448 : index
      %swap3A_466 = arith.constant 0 : index
      %swap3A_467 = vector.load %arg3[%swap3A_465, %swap3A_466] : memref<1568x1xf32, #tpu.memory_space<vmem>>, vector<112x1xf32>
      tpu.vector_store %arg3[%swap3A_465, %swap3A_466], %broadcast_in_dim3A_464 {strides = array<i32>} : memref<1568x1xf32, #tpu.memory_space<vmem>>, vector<112x1xf32>,
      %broadcast_in_dim3A_468 = arith.constant 0 : i32
      %broadcast_in_dim3A_469 = vector.broadcast %broadcast_in_dim3A_468 : i32 to vector<112x1xi32>
      %swap3A_470 = arith.constant 448 : index
      %swap3A_471 = arith.constant 0 : index
      %swap3A_472 = vector.load %arg4[%swap3A_470, %swap3A_471] : memref<1568x1xi32, #tpu.memory_space<vmem>>, vector<112x1xi32>
      tpu.vector_store %arg4[%swap3A_470, %swap3A_471], %broadcast_in_dim3A_469 {strides = array<i32>} : memref<1568x1xi32, #tpu.memory_space<vmem>>, vector<112x1xi32>,
      %get3A_473 = arith.constant 560 : index
      %get3A_474 = arith.constant 0 : index
      %get3A_475 = vector.load %arg1[%get3A_473, %get3A_474] : memref<1568x1536xf32, #tpu.memory_space<vmem>>, vector<112x1536xf32>
      %convert_element_type3A_476 = arith.truncf %get3A_475 : vector<112x1536xf32> to vector<112x1536xbf16>
      %swap3A_477 = arith.constant 560 : index
      %swap3A_478 = arith.constant 0 : index
      %swap3A_479 = vector.load %arg6[%swap3A_477, %swap3A_478] : memref<1568x1536xbf16, #tpu.memory_space<vmem>>, vector<112x1536xbf16>
      tpu.vector_store %arg6[%swap3A_477, %swap3A_478], %convert_element_type3A_476 {strides = array<i32>} : memref<1568x1536xbf16, #tpu.memory_space<vmem>>, vector<112x1536xbf16>,
      %mul3A_480 = arith.mulf %get3A_475, %get3A_475 : vector<112x1536xf32>
      %reduce_sum3A_481 = arith.constant dense<0.000000e+00> : vector<112xf32>
      %reduce_sum3A_482 = vector.multi_reduction <add>, %mul3A_480, %reduce_sum3A_481 [1] : vector<112x1536xf32> to vector<112xf32>
      %broadcast_in_dim3A_483 = vector.shape_cast %reduce_sum3A_482 : vector<112xf32> to vector<112x1xf32>
      %swap3A_484 = arith.constant 560 : index
      %swap3A_485 = arith.constant 0 : index
      %swap3A_486 = vector.load %arg5[%swap3A_484, %swap3A_485] : memref<1568x1xf32, #tpu.memory_space<vmem>>, vector<112x1xf32>
      tpu.vector_store %arg5[%swap3A_484, %swap3A_485], %broadcast_in_dim3A_483 {strides = array<i32>} : memref<1568x1xf32, #tpu.memory_space<vmem>>, vector<112x1xf32>,
      %broadcast_in_dim3A_487 = arith.constant -3.000000e+38 : f32
      %broadcast_in_dim3A_488 = vector.broadcast %broadcast_in_dim3A_487 : f32 to vector<112x1xf32>
      %swap3A_489 = arith.constant 560 : index
      %swap3A_490 = arith.constant 0 : index
      %swap3A_491 = vector.load %arg3[%swap3A_489, %swap3A_490] : memref<1568x1xf32, #tpu.memory_space<vmem>>, vector<112x1xf32>
      tpu.vector_store %arg3[%swap3A_489, %swap3A_490], %broadcast_in_dim3A_488 {strides = array<i32>} : memref<1568x1xf32, #tpu.memory_space<vmem>>, vector<112x1xf32>,
      %broadcast_in_dim3A_492 = arith.constant 0 : i32
      %broadcast_in_dim3A_493 = vector.broadcast %broadcast_in_dim3A_492 : i32 to vector<112x1xi32>
      %swap3A_494 = arith.constant 560 : index
      %swap3A_495 = arith.constant 0 : index
      %swap3A_496 = vector.load %arg4[%swap3A_494, %swap3A_495] : memref<1568x1xi32, #tpu.memory_space<vmem>>, vector<112x1xi32>
      tpu.vector_store %arg4[%swap3A_494, %swap3A_495], %broadcast_in_dim3A_493 {strides = array<i32>} : memref<1568x1xi32, #tpu.memory_space<vmem>>, vector<112x1xi32>,
      %get3A_497 = arith.constant 672 : index
      %get3A_498 = arith.constant 0 : index
      %get3A_499 = vector.load %arg1[%get3A_497, %get3A_498] : memref<1568x1536xf32, #tpu.memory_space<vmem>>, vector<112x1536xf32>
      %convert_element_type3A_500 = arith.truncf %get3A_499 : vector<112x1536xf32> to vector<112x1536xbf16>
      %swap3A_501 = arith.constant 672 : index
      %swap3A_502 = arith.constant 0 : index
      %swap3A_503 = vector.load %arg6[%swap3A_501, %swap3A_502] : memref<1568x1536xbf16, #tpu.memory_space<vmem>>, vector<112x1536xbf16>
      tpu.vector_store %arg6[%swap3A_501, %swap3A_502], %convert_element_type3A_500 {strides = array<i32>} : memref<1568x1536xbf16, #tpu.memory_space<vmem>>, vector<112x1536xbf16>,
      %mul3A_504 = arith.mulf %get3A_499, %get3A_499 : vector<112x1536xf32>
      %reduce_sum3A_505 = arith.constant dense<0.000000e+00> : vector<112xf32>
      %reduce_sum3A_506 = vector.multi_reduction <add>, %mul3A_504, %reduce_sum3A_505 [1] : vector<112x1536xf32> to vector<112xf32>
      %broadcast_in_dim3A_507 = vector.shape_cast %reduce_sum3A_506 : vector<112xf32> to vector<112x1xf32>
      %swap3A_508 = arith.constant 672 : index
      %swap3A_509 = arith.constant 0 : index
      %swap3A_510 = vector.load %arg5[%swap3A_508, %swap3A_509] : memref<1568x1xf32, #tpu.memory_space<vmem>>, vector<112x1xf32>
      tpu.vector_store %arg5[%swap3A_508, %swap3A_509], %broadcast_in_dim3A_507 {strides = array<i32>} : memref<1568x1xf32, #tpu.memory_space<vmem>>, vector<112x1xf32>,
      %broadcast_in_dim3A_511 = arith.constant -3.000000e+38 : f32
      %broadcast_in_dim3A_512 = vector.broadcast %broadcast_in_dim3A_511 : f32 to vector<112x1xf32>
      %swap3A_513 = arith.constant 672 : index
      %swap3A_514 = arith.constant 0 : index
      %swap3A_515 = vector.load %arg3[%swap3A_513, %swap3A_514] : memref<1568x1xf32, #tpu.memory_space<vmem>>, vector<112x1xf32>
      tpu.vector_store %arg3[%swap3A_513, %swap3A_514], %broadcast_in_dim3A_512 {strides = array<i32>} : memref<1568x1xf32, #tpu.memory_space<vmem>>, vector<112x1xf32>,
      %broadcast_in_dim3A_516 = arith.constant 0 : i32
      %broadcast_in_dim3A_517 = vector.broadcast %broadcast_in_dim3A_516 : i32 to vector<112x1xi32>
      %swap3A_518 = arith.constant 672 : index
      %swap3A_519 = arith.constant 0 : index
      %swap3A_520 = vector.load %arg4[%swap3A_518, %swap3A_519] : memref<1568x1xi32, #tpu.memory_space<vmem>>, vector<112x1xi32>
      tpu.vector_store %arg4[%swap3A_518, %swap3A_519], %broadcast_in_dim3A_517 {strides = array<i32>} : memref<1568x1xi32, #tpu.memory_space<vmem>>, vector<112x1xi32>,
      %get3A_521 = arith.constant 784 : index
      %get3A_522 = arith.constant 0 : index
      %get3A_523 = vector.load %arg1[%get3A_521, %get3A_522] : memref<1568x1536xf32, #tpu.memory_space<vmem>>, vector<112x1536xf32>
      %convert_element_type3A_524 = arith.truncf %get3A_523 : vector<112x1536xf32> to vector<112x1536xbf16>
      %swap3A_525 = arith.constant 784 : index
      %swap3A_526 = arith.constant 0 : index
      %swap3A_527 = vector.load %arg6[%swap3A_525, %swap3A_526] : memref<1568x1536xbf16, #tpu.memory_space<vmem>>, vector<112x1536xbf16>
      tpu.vector_store %arg6[%swap3A_525, %swap3A_526], %convert_element_type3A_524 {strides = array<i32>} : memref<1568x1536xbf16, #tpu.memory_space<vmem>>, vector<112x1536xbf16>,
      %mul3A_528 = arith.mulf %get3A_523, %get3A_523 : vector<112x1536xf32>
      %reduce_sum3A_529 = arith.constant dense<0.000000e+00> : vector<112xf32>
      %reduce_sum3A_530 = vector.multi_reduction <add>, %mul3A_528, %reduce_sum3A_529 [1] : vector<112x1536xf32> to vector<112xf32>
      %broadcast_in_dim3A_531 = vector.shape_cast %reduce_sum3A_530 : vector<112xf32> to vector<112x1xf32>
      %swap3A_532 = arith.constant 784 : index
      %swap3A_533 = arith.constant 0 : index
      %swap3A_534 = vector.load %arg5[%swap3A_532, %swap3A_533] : memref<1568x1xf32, #tpu.memory_space<vmem>>, vector<112x1xf32>
      tpu.vector_store %arg5[%swap3A_532, %swap3A_533], %broadcast_in_dim3A_531 {strides = array<i32>} : memref<1568x1xf32, #tpu.memory_space<vmem>>, vector<112x1xf32>,
      %broadcast_in_dim3A_535 = arith.constant -3.000000e+38 : f32
      %broadcast_in_dim3A_536 = vector.broadcast %broadcast_in_dim3A_535 : f32 to vector<112x1xf32>
      %swap3A_537 = arith.constant 784 : index
      %swap3A_538 = arith.constant 0 : index
      %swap3A_539 = vector.load %arg3[%swap3A_537, %swap3A_538] : memref<1568x1xf32, #tpu.memory_space<vmem>>, vector<112x1xf32>
      tpu.vector_store %arg3[%swap3A_537, %swap3A_538], %broadcast_in_dim3A_536 {strides = array<i32>} : memref<1568x1xf32, #tpu.memory_space<vmem>>, vector<112x1xf32>,
      %broadcast_in_dim3A_540 = arith.constant 0 : i32
      %broadcast_in_dim3A_541 = vector.broadcast %broadcast_in_dim3A_540 : i32 to vector<112x1xi32>
      %swap3A_542 = arith.constant 784 : index
      %swap3A_543 = arith.constant 0 : index
      %swap3A_544 = vector.load %arg4[%swap3A_542, %swap3A_543] : memref<1568x1xi32, #tpu.memory_space<vmem>>, vector<112x1xi32>
      tpu.vector_store %arg4[%swap3A_542, %swap3A_543], %broadcast_in_dim3A_541 {strides = array<i32>} : memref<1568x1xi32, #tpu.memory_space<vmem>>, vector<112x1xi32>,
      %get3A_545 = arith.constant 896 : index
      %get3A_546 = arith.constant 0 : index
      %get3A_547 = vector.load %arg1[%get3A_545, %get3A_546] : memref<1568x1536xf32, #tpu.memory_space<vmem>>, vector<112x1536xf32>
      %convert_element_type3A_548 = arith.truncf %get3A_547 : vector<112x1536xf32> to vector<112x1536xbf16>
      %swap3A_549 = arith.constant 896 : index
      %swap3A_550 = arith.constant 0 : index
      %swap3A_551 = vector.load %arg6[%swap3A_549, %swap3A_550] : memref<1568x1536xbf16, #tpu.memory_space<vmem>>, vector<112x1536xbf16>
      tpu.vector_store %arg6[%swap3A_549, %swap3A_550], %convert_element_type3A_548 {strides = array<i32>} : memref<1568x1536xbf16, #tpu.memory_space<vmem>>, vector<112x1536xbf16>,
      %mul3A_552 = arith.mulf %get3A_547, %get3A_547 : vector<112x1536xf32>
      %reduce_sum3A_553 = arith.constant dense<0.000000e+00> : vector<112xf32>
      %reduce_sum3A_554 = vector.multi_reduction <add>, %mul3A_552, %reduce_sum3A_553 [1] : vector<112x1536xf32> to vector<112xf32>
      %broadcast_in_dim3A_555 = vector.shape_cast %reduce_sum3A_554 : vector<112xf32> to vector<112x1xf32>
      %swap3A_556 = arith.constant 896 : index
      %swap3A_557 = arith.constant 0 : index
      %swap3A_558 = vector.load %arg5[%swap3A_556, %swap3A_557] : memref<1568x1xf32, #tpu.memory_space<vmem>>, vector<112x1xf32>
      tpu.vector_store %arg5[%swap3A_556, %swap3A_557], %broadcast_in_dim3A_555 {strides = array<i32>} : memref<1568x1xf32, #tpu.memory_space<vmem>>, vector<112x1xf32>,
      %broadcast_in_dim3A_559 = arith.constant -3.000000e+38 : f32
      %broadcast_in_dim3A_560 = vector.broadcast %broadcast_in_dim3A_559 : f32 to vector<112x1xf32>
      %swap3A_561 = arith.constant 896 : index
      %swap3A_562 = arith.constant 0 : index
      %swap3A_563 = vector.load %arg3[%swap3A_561, %swap3A_562] : memref<1568x1xf32, #tpu.memory_space<vmem>>, vector<112x1xf32>
      tpu.vector_store %arg3[%swap3A_561, %swap3A_562], %broadcast_in_dim3A_560 {strides = array<i32>} : memref<1568x1xf32, #tpu.memory_space<vmem>>, vector<112x1xf32>,
      %broadcast_in_dim3A_564 = arith.constant 0 : i32
      %broadcast_in_dim3A_565 = vector.broadcast %broadcast_in_dim3A_564 : i32 to vector<112x1xi32>
      %swap3A_566 = arith.constant 896 : index
      %swap3A_567 = arith.constant 0 : index
      %swap3A_568 = vector.load %arg4[%swap3A_566, %swap3A_567] : memref<1568x1xi32, #tpu.memory_space<vmem>>, vector<112x1xi32>
      tpu.vector_store %arg4[%swap3A_566, %swap3A_567], %broadcast_in_dim3A_565 {strides = array<i32>} : memref<1568x1xi32, #tpu.memory_space<vmem>>, vector<112x1xi32>,
      %get3A_569 = arith.constant 1008 : index
      %get3A_570 = arith.constant 0 : index
      %get3A_571 = vector.load %arg1[%get3A_569, %get3A_570] : memref<1568x1536xf32, #tpu.memory_space<vmem>>, vector<112x1536xf32>
      %convert_element_type3A_572 = arith.truncf %get3A_571 : vector<112x1536xf32> to vector<112x1536xbf16>
      %swap3A_573 = arith.constant 1008 : index
      %swap3A_574 = arith.constant 0 : index
      %swap3A_575 = vector.load %arg6[%swap3A_573, %swap3A_574] : memref<1568x1536xbf16, #tpu.memory_space<vmem>>, vector<112x1536xbf16>
      tpu.vector_store %arg6[%swap3A_573, %swap3A_574], %convert_element_type3A_572 {strides = array<i32>} : memref<1568x1536xbf16, #tpu.memory_space<vmem>>, vector<112x1536xbf16>,
      %mul3A_576 = arith.mulf %get3A_571, %get3A_571 : vector<112x1536xf32>
      %reduce_sum3A_577 = arith.constant dense<0.000000e+00> : vector<112xf32>
      %reduce_sum3A_578 = vector.multi_reduction <add>, %mul3A_576, %reduce_sum3A_577 [1] : vector<112x1536xf32> to vector<112xf32>
      %broadcast_in_dim3A_579 = vector.shape_cast %reduce_sum3A_578 : vector<112xf32> to vector<112x1xf32>
      %swap3A_580 = arith.constant 1008 : index
      %swap3A_581 = arith.constant 0 : index
      %swap3A_582 = vector.load %arg5[%swap3A_580, %swap3A_581] : memref<1568x1xf32, #tpu.memory_space<vmem>>, vector<112x1xf32>
      tpu.vector_store %arg5[%swap3A_580, %swap3A_581], %broadcast_in_dim3A_579 {strides = array<i32>} : memref<1568x1xf32, #tpu.memory_space<vmem>>, vector<112x1xf32>,
      %broadcast_in_dim3A_583 = arith.constant -3.000000e+38 : f32
      %broadcast_in_dim3A_584 = vector.broadcast %broadcast_in_dim3A_583 : f32 to vector<112x1xf32>
      %swap3A_585 = arith.constant 1008 : index
      %swap3A_586 = arith.constant 0 : index
      %swap3A_587 = vector.load %arg3[%swap3A_585, %swap3A_586] : memref<1568x1xf32, #tpu.memory_space<vmem>>, vector<112x1xf32>
      tpu.vector_store %arg3[%swap3A_585, %swap3A_586], %broadcast_in_dim3A_584 {strides = array<i32>} : memref<1568x1xf32, #tpu.memory_space<vmem>>, vector<112x1xf32>,
      %broadcast_in_dim3A_588 = arith.constant 0 : i32
      %broadcast_in_dim3A_589 = vector.broadcast %broadcast_in_dim3A_588 : i32 to vector<112x1xi32>
      %swap3A_590 = arith.constant 1008 : index
      %swap3A_591 = arith.constant 0 : index
      %swap3A_592 = vector.load %arg4[%swap3A_590, %swap3A_591] : memref<1568x1xi32, #tpu.memory_space<vmem>>, vector<112x1xi32>
      tpu.vector_store %arg4[%swap3A_590, %swap3A_591], %broadcast_in_dim3A_589 {strides = array<i32>} : memref<1568x1xi32, #tpu.memory_space<vmem>>, vector<112x1xi32>,
      %get3A_593 = arith.constant 1120 : index
      %get3A_594 = arith.constant 0 : index
      %get3A_595 = vector.load %arg1[%get3A_593, %get3A_594] : memref<1568x1536xf32, #tpu.memory_space<vmem>>, vector<112x1536xf32>
      %convert_element_type3A_596 = arith.truncf %get3A_595 : vector<112x1536xf32> to vector<112x1536xbf16>
      %swap3A_597 = arith.constant 1120 : index
      %swap3A_598 = arith.constant 0 : index
      %swap3A_599 = vector.load %arg6[%swap3A_597, %swap3A_598] : memref<1568x1536xbf16, #tpu.memory_space<vmem>>, vector<112x1536xbf16>
      tpu.vector_store %arg6[%swap3A_597, %swap3A_598], %convert_element_type3A_596 {strides = array<i32>} : memref<1568x1536xbf16, #tpu.memory_space<vmem>>, vector<112x1536xbf16>,
      %mul3A_600 = arith.mulf %get3A_595, %get3A_595 : vector<112x1536xf32>
      %reduce_sum3A_601 = arith.constant dense<0.000000e+00> : vector<112xf32>
      %reduce_sum3A_602 = vector.multi_reduction <add>, %mul3A_600, %reduce_sum3A_601 [1] : vector<112x1536xf32> to vector<112xf32>
      %broadcast_in_dim3A_603 = vector.shape_cast %reduce_sum3A_602 : vector<112xf32> to vector<112x1xf32>
      %swap3A_604 = arith.constant 1120 : index
      %swap3A_605 = arith.constant 0 : index
      %swap3A_606 = vector.load %arg5[%swap3A_604, %swap3A_605] : memref<1568x1xf32, #tpu.memory_space<vmem>>, vector<112x1xf32>
      tpu.vector_store %arg5[%swap3A_604, %swap3A_605], %broadcast_in_dim3A_603 {strides = array<i32>} : memref<1568x1xf32, #tpu.memory_space<vmem>>, vector<112x1xf32>,
      %broadcast_in_dim3A_607 = arith.constant -3.000000e+38 : f32
      %broadcast_in_dim3A_608 = vector.broadcast %broadcast_in_dim3A_607 : f32 to vector<112x1xf32>
      %swap3A_609 = arith.constant 1120 : index
      %swap3A_610 = arith.constant 0 : index
      %swap3A_611 = vector.load %arg3[%swap3A_609, %swap3A_610] : memref<1568x1xf32, #tpu.memory_space<vmem>>, vector<112x1xf32>
      tpu.vector_store %arg3[%swap3A_609, %swap3A_610], %broadcast_in_dim3A_608 {strides = array<i32>} : memref<1568x1xf32, #tpu.memory_space<vmem>>, vector<112x1xf32>,
      %broadcast_in_dim3A_612 = arith.constant 0 : i32
      %broadcast_in_dim3A_613 = vector.broadcast %broadcast_in_dim3A_612 : i32 to vector<112x1xi32>
      %swap3A_614 = arith.constant 1120 : index
      %swap3A_615 = arith.constant 0 : index
      %swap3A_616 = vector.load %arg4[%swap3A_614, %swap3A_615] : memref<1568x1xi32, #tpu.memory_space<vmem>>, vector<112x1xi32>
      tpu.vector_store %arg4[%swap3A_614, %swap3A_615], %broadcast_in_dim3A_613 {strides = array<i32>} : memref<1568x1xi32, #tpu.memory_space<vmem>>, vector<112x1xi32>,
      %get3A_617 = arith.constant 1232 : index
      %get3A_618 = arith.constant 0 : index
      %get3A_619 = vector.load %arg1[%get3A_617, %get3A_618] : memref<1568x1536xf32, #tpu.memory_space<vmem>>, vector<112x1536xf32>
      %convert_element_type3A_620 = arith.truncf %get3A_619 : vector<112x1536xf32> to vector<112x1536xbf16>
      %swap3A_621 = arith.constant 1232 : index
      %swap3A_622 = arith.constant 0 : index
      %swap3A_623 = vector.load %arg6[%swap3A_621, %swap3A_622] : memref<1568x1536xbf16, #tpu.memory_space<vmem>>, vector<112x1536xbf16>
      tpu.vector_store %arg6[%swap3A_621, %swap3A_622], %convert_element_type3A_620 {strides = array<i32>} : memref<1568x1536xbf16, #tpu.memory_space<vmem>>, vector<112x1536xbf16>,
      %mul3A_624 = arith.mulf %get3A_619, %get3A_619 : vector<112x1536xf32>
      %reduce_sum3A_625 = arith.constant dense<0.000000e+00> : vector<112xf32>
      %reduce_sum3A_626 = vector.multi_reduction <add>, %mul3A_624, %reduce_sum3A_625 [1] : vector<112x1536xf32> to vector<112xf32>
      %broadcast_in_dim3A_627 = vector.shape_cast %reduce_sum3A_626 : vector<112xf32> to vector<112x1xf32>
      %swap3A_628 = arith.constant 1232 : index
      %swap3A_629 = arith.constant 0 : index
      %swap3A_630 = vector.load %arg5[%swap3A_628, %swap3A_629] : memref<1568x1xf32, #tpu.memory_space<vmem>>, vector<112x1xf32>
      tpu.vector_store %arg5[%swap3A_628, %swap3A_629], %broadcast_in_dim3A_627 {strides = array<i32>} : memref<1568x1xf32, #tpu.memory_space<vmem>>, vector<112x1xf32>,
      %broadcast_in_dim3A_631 = arith.constant -3.000000e+38 : f32
      %broadcast_in_dim3A_632 = vector.broadcast %broadcast_in_dim3A_631 : f32 to vector<112x1xf32>
      %swap3A_633 = arith.constant 1232 : index
      %swap3A_634 = arith.constant 0 : index
      %swap3A_635 = vector.load %arg3[%swap3A_633, %swap3A_634] : memref<1568x1xf32, #tpu.memory_space<vmem>>, vector<112x1xf32>
      tpu.vector_store %arg3[%swap3A_633, %swap3A_634], %broadcast_in_dim3A_632 {strides = array<i32>} : memref<1568x1xf32, #tpu.memory_space<vmem>>, vector<112x1xf32>,
      %broadcast_in_dim3A_636 = arith.constant 0 : i32
      %broadcast_in_dim3A_637 = vector.broadcast %broadcast_in_dim3A_636 : i32 to vector<112x1xi32>
      %swap3A_638 = arith.constant 1232 : index
      %swap3A_639 = arith.constant 0 : index
      %swap3A_640 = vector.load %arg4[%swap3A_638, %swap3A_639] : memref<1568x1xi32, #tpu.memory_space<vmem>>, vector<112x1xi32>
      tpu.vector_store %arg4[%swap3A_638, %swap3A_639], %broadcast_in_dim3A_637 {strides = array<i32>} : memref<1568x1xi32, #tpu.memory_space<vmem>>, vector<112x1xi32>,
      %get3A_641 = arith.constant 1344 : index
      %get3A_642 = arith.constant 0 : index
      %get3A_643 = vector.load %arg1[%get3A_641, %get3A_642] : memref<1568x1536xf32, #tpu.memory_space<vmem>>, vector<112x1536xf32>
      %convert_element_type3A_644 = arith.truncf %get3A_643 : vector<112x1536xf32> to vector<112x1536xbf16>
      %swap3A_645 = arith.constant 1344 : index
      %swap3A_646 = arith.constant 0 : index
      %swap3A_647 = vector.load %arg6[%swap3A_645, %swap3A_646] : memref<1568x1536xbf16, #tpu.memory_space<vmem>>, vector<112x1536xbf16>
      tpu.vector_store %arg6[%swap3A_645, %swap3A_646], %convert_element_type3A_644 {strides = array<i32>} : memref<1568x1536xbf16, #tpu.memory_space<vmem>>, vector<112x1536xbf16>,
      %mul3A_648 = arith.mulf %get3A_643, %get3A_643 : vector<112x1536xf32>
      %reduce_sum3A_649 = arith.constant dense<0.000000e+00> : vector<112xf32>
      %reduce_sum3A_650 = vector.multi_reduction <add>, %mul3A_648, %reduce_sum3A_649 [1] : vector<112x1536xf32> to vector<112xf32>
      %broadcast_in_dim3A_651 = vector.shape_cast %reduce_sum3A_650 : vector<112xf32> to vector<112x1xf32>
      %swap3A_652 = arith.constant 1344 : index
      %swap3A_653 = arith.constant 0 : index
      %swap3A_654 = vector.load %arg5[%swap3A_652, %swap3A_653] : memref<1568x1xf32, #tpu.memory_space<vmem>>, vector<112x1xf32>
      tpu.vector_store %arg5[%swap3A_652, %swap3A_653], %broadcast_in_dim3A_651 {strides = array<i32>} : memref<1568x1xf32, #tpu.memory_space<vmem>>, vector<112x1xf32>,
      %broadcast_in_dim3A_655 = arith.constant -3.000000e+38 : f32
      %broadcast_in_dim3A_656 = vector.broadcast %broadcast_in_dim3A_655 : f32 to vector<112x1xf32>
      %swap3A_657 = arith.constant 1344 : index
      %swap3A_658 = arith.constant 0 : index
      %swap3A_659 = vector.load %arg3[%swap3A_657, %swap3A_658] : memref<1568x1xf32, #tpu.memory_space<vmem>>, vector<112x1xf32>
      tpu.vector_store %arg3[%swap3A_657, %swap3A_658], %broadcast_in_dim3A_656 {strides = array<i32>} : memref<1568x1xf32, #tpu.memory_space<vmem>>, vector<112x1xf32>,
      %broadcast_in_dim3A_660 = arith.constant 0 : i32
      %broadcast_in_dim3A_661 = vector.broadcast %broadcast_in_dim3A_660 : i32 to vector<112x1xi32>
      %swap3A_662 = arith.constant 1344 : index
      %swap3A_663 = arith.constant 0 : index
      %swap3A_664 = vector.load %arg4[%swap3A_662, %swap3A_663] : memref<1568x1xi32, #tpu.memory_space<vmem>>, vector<112x1xi32>
      tpu.vector_store %arg4[%swap3A_662, %swap3A_663], %broadcast_in_dim3A_661 {strides = array<i32>} : memref<1568x1xi32, #tpu.memory_space<vmem>>, vector<112x1xi32>,
      %get3A_665 = arith.constant 1456 : index
      %get3A_666 = arith.constant 0 : index
      %get3A_667 = vector.load %arg1[%get3A_665, %get3A_666] : memref<1568x1536xf32, #tpu.memory_space<vmem>>, vector<112x1536xf32>
      %convert_element_type3A_668 = arith.truncf %get3A_667 : vector<112x1536xf32> to vector<112x1536xbf16>
      %swap3A_669 = arith.constant 1456 : index
      %swap3A_670 = arith.constant 0 : index
      %swap3A_671 = vector.load %arg6[%swap3A_669, %swap3A_670] : memref<1568x1536xbf16, #tpu.memory_space<vmem>>, vector<112x1536xbf16>
      tpu.vector_store %arg6[%swap3A_669, %swap3A_670], %convert_element_type3A_668 {strides = array<i32>} : memref<1568x1536xbf16, #tpu.memory_space<vmem>>, vector<112x1536xbf16>,
      %mul3A_672 = arith.mulf %get3A_667, %get3A_667 : vector<112x1536xf32>
      %reduce_sum3A_673 = arith.constant dense<0.000000e+00> : vector<112xf32>
      %reduce_sum3A_674 = vector.multi_reduction <add>, %mul3A_672, %reduce_sum3A_673 [1] : vector<112x1536xf32> to vector<112xf32>
      %broadcast_in_dim3A_675 = vector.shape_cast %reduce_sum3A_674 : vector<112xf32> to vector<112x1xf32>
      %swap3A_676 = arith.constant 1456 : index
      %swap3A_677 = arith.constant 0 : index
      %swap3A_678 = vector.load %arg5[%swap3A_676, %swap3A_677] : memref<1568x1xf32, #tpu.memory_space<vmem>>, vector<112x1xf32>
      tpu.vector_store %arg5[%swap3A_676, %swap3A_677], %broadcast_in_dim3A_675 {strides = array<i32>} : memref<1568x1xf32, #tpu.memory_space<vmem>>, vector<112x1xf32>,
      %broadcast_in_dim3A_679 = arith.constant -3.000000e+38 : f32
      %broadcast_in_dim3A_680 = vector.broadcast %broadcast_in_dim3A_679 : f32 to vector<112x1xf32>
      %swap3A_681 = arith.constant 1456 : index
      %swap3A_682 = arith.constant 0 : index
      %swap3A_683 = vector.load %arg3[%swap3A_681, %swap3A_682] : memref<1568x1xf32, #tpu.memory_space<vmem>>, vector<112x1xf32>
      tpu.vector_store %arg3[%swap3A_681, %swap3A_682], %broadcast_in_dim3A_680 {strides = array<i32>} : memref<1568x1xf32, #tpu.memory_space<vmem>>, vector<112x1xf32>,
      %broadcast_in_dim3A_684 = arith.constant 0 : i32
      %broadcast_in_dim3A_685 = vector.broadcast %broadcast_in_dim3A_684 : i32 to vector<112x1xi32>
      %swap3A_686 = arith.constant 1456 : index
      %swap3A_687 = arith.constant 0 : index
      %swap3A_688 = vector.load %arg4[%swap3A_686, %swap3A_687] : memref<1568x1xi32, #tpu.memory_space<vmem>>, vector<112x1xi32>
      tpu.vector_store %arg4[%swap3A_686, %swap3A_687], %broadcast_in_dim3A_685 {strides = array<i32>} : memref<1568x1xi32, #tpu.memory_space<vmem>>, vector<112x1xi32>,
    } else {
    }
    %get3A = arith.constant 0 : index
    %get3A_2 = arith.constant 0 : index
    %get3A_3 = vector.load %arg2[%get3A, %get3A_2] : memref<1024x1536xf32, #tpu.memory_space<vmem>>, vector<256x1536xf32>
    %convert_element_type3A_4 = arith.truncf %get3A_3 : vector<256x1536xf32> to vector<256x1536xbf16>
    %swap3A = arith.constant 0 : index
    %swap3A_5 = arith.constant 0 : index
    %swap3A_6 = vector.load %arg7[%swap3A, %swap3A_5] : memref<1024x1536xbf16, #tpu.memory_space<vmem>>, vector<256x1536xbf16>
    tpu.vector_store %arg7[%swap3A, %swap3A_5], %convert_element_type3A_4 {strides = array<i32>} : memref<1024x1536xbf16, #tpu.memory_space<vmem>>, vector<256x1536xbf16>,
    %broadcast_in_dim3A = arith.constant 5.000000e-01 : bf16
    %broadcast_in_dim3A_7 = vector.broadcast %broadcast_in_dim3A : bf16 to vector<1x1536xbf16>
    %mul3A = arith.mulf %convert_element_type3A_4, %convert_element_type3A_4 : vector<256x1536xbf16>
    %dot_general3A = arith.constant dense<0.000000e+00> : vector<1x256xf32>
    %dot_general3A_8 = tpu.matmul %broadcast_in_dim3A_7, %mul3A, %dot_general3A {dimension_numbers = #tpu.dot_dimension_numbers<[1], [1], [0], [0], [0, 0, 1, 0], [], []>, transpose_lhs_hint = false} : vector<1x1536xbf16>, vector<256x1536xbf16>, vector<1x256xf32> -> vector<1x256xf32>
    %swap3A_9 = arith.constant 0 : index
    %swap3A_10 = arith.constant 0 : index
    %swap3A_11 = vector.load %arg8[%swap3A_9, %swap3A_10] : memref<1x1024xf32, #tpu.memory_space<vmem>>, vector<1x256xf32>
    tpu.vector_store %arg8[%swap3A_9, %swap3A_10], %dot_general3A_8 {strides = array<i32>} : memref<1x1024xf32, #tpu.memory_space<vmem>>, vector<1x256xf32>,
    %get3A_12 = arith.constant 256 : index
    %get3A_13 = arith.constant 0 : index
    %get3A_14 = vector.load %arg2[%get3A_12, %get3A_13] : memref<1024x1536xf32, #tpu.memory_space<vmem>>, vector<256x1536xf32>
    %convert_element_type3A_15 = arith.truncf %get3A_14 : vector<256x1536xf32> to vector<256x1536xbf16>
    %swap3A_16 = arith.constant 256 : index
    %swap3A_17 = arith.constant 0 : index
    %swap3A_18 = vector.load %arg7[%swap3A_16, %swap3A_17] : memref<1024x1536xbf16, #tpu.memory_space<vmem>>, vector<256x1536xbf16>
    tpu.vector_store %arg7[%swap3A_16, %swap3A_17], %convert_element_type3A_15 {strides = array<i32>} : memref<1024x1536xbf16, #tpu.memory_space<vmem>>, vector<256x1536xbf16>,
    %broadcast_in_dim3A_19 = arith.constant 5.000000e-01 : bf16
    %broadcast_in_dim3A_20 = vector.broadcast %broadcast_in_dim3A_19 : bf16 to vector<1x1536xbf16>
    %mul3A_21 = arith.mulf %convert_element_type3A_15, %convert_element_type3A_15 : vector<256x1536xbf16>
    %dot_general3A_22 = arith.constant dense<0.000000e+00> : vector<1x256xf32>
    %dot_general3A_23 = tpu.matmul %broadcast_in_dim3A_20, %mul3A_21, %dot_general3A_22 {dimension_numbers = #tpu.dot_dimension_numbers<[1], [1], [0], [0], [0, 0, 1, 0], [], []>, transpose_lhs_hint = false} : vector<1x1536xbf16>, vector<256x1536xbf16>, vector<1x256xf32> -> vector<1x256xf32>
    %swap3A_24 = arith.constant 0 : index
    %swap3A_25 = arith.constant 256 : index
    %swap3A_26 = vector.load %arg8[%swap3A_24, %swap3A_25] : memref<1x1024xf32, #tpu.memory_space<vmem>>, vector<1x256xf32>
    tpu.vector_store %arg8[%swap3A_24, %swap3A_25], %dot_general3A_23 {strides = array<i32>} : memref<1x1024xf32, #tpu.memory_space<vmem>>, vector<1x256xf32>,
    %get3A_27 = arith.constant 512 : index
    %get3A_28 = arith.constant 0 : index
    %get3A_29 = vector.load %arg2[%get3A_27, %get3A_28] : memref<1024x1536xf32, #tpu.memory_space<vmem>>, vector<256x1536xf32>
    %convert_element_type3A_30 = arith.truncf %get3A_29 : vector<256x1536xf32> to vector<256x1536xbf16>
    %swap3A_31 = arith.constant 512 : index
    %swap3A_32 = arith.constant 0 : index
    %swap3A_33 = vector.load %arg7[%swap3A_31, %swap3A_32] : memref<1024x1536xbf16, #tpu.memory_space<vmem>>, vector<256x1536xbf16>
    tpu.vector_store %arg7[%swap3A_31, %swap3A_32], %convert_element_type3A_30 {strides = array<i32>} : memref<1024x1536xbf16, #tpu.memory_space<vmem>>, vector<256x1536xbf16>,
    %broadcast_in_dim3A_34 = arith.constant 5.000000e-01 : bf16
    %broadcast_in_dim3A_35 = vector.broadcast %broadcast_in_dim3A_34 : bf16 to vector<1x1536xbf16>
    %mul3A_36 = arith.mulf %convert_element_type3A_30, %convert_element_type3A_30 : vector<256x1536xbf16>
    %dot_general3A_37 = arith.constant dense<0.000000e+00> : vector<1x256xf32>
    %dot_general3A_38 = tpu.matmul %broadcast_in_dim3A_35, %mul3A_36, %dot_general3A_37 {dimension_numbers = #tpu.dot_dimension_numbers<[1], [1], [0], [0], [0, 0, 1, 0], [], []>, transpose_lhs_hint = false} : vector<1x1536xbf16>, vector<256x1536xbf16>, vector<1x256xf32> -> vector<1x256xf32>
    %swap3A_39 = arith.constant 0 : index
    %swap3A_40 = arith.constant 512 : index
    %swap3A_41 = vector.load %arg8[%swap3A_39, %swap3A_40] : memref<1x1024xf32, #tpu.memory_space<vmem>>, vector<1x256xf32>
    tpu.vector_store %arg8[%swap3A_39, %swap3A_40], %dot_general3A_38 {strides = array<i32>} : memref<1x1024xf32, #tpu.memory_space<vmem>>, vector<1x256xf32>,
    %get3A_42 = arith.constant 768 : index
    %get3A_43 = arith.constant 0 : index
    %get3A_44 = vector.load %arg2[%get3A_42, %get3A_43] : memref<1024x1536xf32, #tpu.memory_space<vmem>>, vector<256x1536xf32>
    %convert_element_type3A_45 = arith.truncf %get3A_44 : vector<256x1536xf32> to vector<256x1536xbf16>
    %swap3A_46 = arith.constant 768 : index
    %swap3A_47 = arith.constant 0 : index
    %swap3A_48 = vector.load %arg7[%swap3A_46, %swap3A_47] : memref<1024x1536xbf16, #tpu.memory_space<vmem>>, vector<256x1536xbf16>
    tpu.vector_store %arg7[%swap3A_46, %swap3A_47], %convert_element_type3A_45 {strides = array<i32>} : memref<1024x1536xbf16, #tpu.memory_space<vmem>>, vector<256x1536xbf16>,
    %broadcast_in_dim3A_49 = arith.constant 5.000000e-01 : bf16
    %broadcast_in_dim3A_50 = vector.broadcast %broadcast_in_dim3A_49 : bf16 to vector<1x1536xbf16>
    %mul3A_51 = arith.mulf %convert_element_type3A_45, %convert_element_type3A_45 : vector<256x1536xbf16>
    %dot_general3A_52 = arith.constant dense<0.000000e+00> : vector<1x256xf32>
    %dot_general3A_53 = tpu.matmul %broadcast_in_dim3A_50, %mul3A_51, %dot_general3A_52 {dimension_numbers = #tpu.dot_dimension_numbers<[1], [1], [0], [0], [0, 0, 1, 0], [], []>, transpose_lhs_hint = false} : vector<1x1536xbf16>, vector<256x1536xbf16>, vector<1x256xf32> -> vector<1x256xf32>
    %swap3A_54 = arith.constant 0 : index
    %swap3A_55 = arith.constant 768 : index
    %swap3A_56 = vector.load %arg8[%swap3A_54, %swap3A_55] : memref<1x1024xf32, #tpu.memory_space<vmem>>, vector<1x256xf32>
    tpu.vector_store %arg8[%swap3A_54, %swap3A_55], %dot_general3A_53 {strides = array<i32>} : memref<1x1024xf32, #tpu.memory_space<vmem>>, vector<1x256xf32>,
    %get3A_57 = arith.constant 0 : index
    %get3A_58 = arith.constant 0 : index
    %get3A_59 = vector.load %arg6[%get3A_57, %get3A_58] : memref<1568x1536xbf16, #tpu.memory_space<vmem>>, vector<1568x1536xbf16>
    %get3A_60 = arith.constant 0 : index
    %get3A_61 = arith.constant 0 : index
    %get3A_62 = vector.load %arg7[%get3A_60, %get3A_61] : memref<1024x1536xbf16, #tpu.memory_space<vmem>>, vector<1024x1536xbf16>
    %dot_general3A_63 = arith.constant dense<0.000000e+00> : vector<1568x1024xf32>
    %dot_general3A_64 = tpu.matmul %get3A_59, %get3A_62, %dot_general3A_63 {dimension_numbers = #tpu.dot_dimension_numbers<[1], [1], [0], [0], [0, 0, 1, 0], [], []>, transpose_lhs_hint = false} : vector<1568x1536xbf16>, vector<1024x1536xbf16>, vector<1568x1024xf32> -> vector<1568x1024xf32>
    %swap3A_65 = arith.constant 0 : index
    %swap3A_66 = arith.constant 0 : index
    %swap3A_67 = vector.load %arg9[%swap3A_65, %swap3A_66] : memref<1568x1024xf32, #tpu.memory_space<vmem>>, vector<1568x1024xf32>
    tpu.vector_store %arg9[%swap3A_65, %swap3A_66], %dot_general3A_64 {strides = array<i32>} : memref<1568x1024xf32, #tpu.memory_space<vmem>>, vector<1568x1024xf32>,
    %get3A_68 = arith.constant 0 : index
    %get3A_69 = arith.constant 0 : index
    %get3A_70 = vector.load %arg9[%get3A_68, %get3A_69] : memref<1568x1024xf32, #tpu.memory_space<vmem>>, vector<224x1024xf32>
    %get3A_71 = arith.constant 0 : index
    %get3A_72 = arith.constant 0 : index
    %get3A_73 = vector.load %arg8[%get3A_71, %get3A_72] : memref<1x1024xf32, #tpu.memory_space<vmem>>, vector<1x1024xf32>
    %sub3A = vector.broadcast %get3A_73 : vector<1x1024xf32> to vector<224x1024xf32>
    %sub3A_74 = arith.subf %get3A_70, %sub3A : vector<224x1024xf32>
    %reduce_max3A = arith.constant dense<0xFF800000> : vector<224xf32>
    %reduce_max3A_75 = vector.multi_reduction <maximumf>, %sub3A_74, %reduce_max3A [1] : vector<224x1024xf32> to vector<224xf32>
    %broadcast_in_dim3A_76 = vector.shape_cast %reduce_max3A_75 : vector<224xf32> to vector<224x1xf32>
    %iota3A = tpu.iota {dimensions = array<i32: 1>} : vector<224x1024xi32>
    %mul3A_77 = arith.constant 1024 : i32
    %mul3A_78 = arith.muli %arg0, %mul3A_77 : i32
    %add3A = vector.broadcast %mul3A_78 : i32 to vector<224x1024xi32>
    %add3A_79 = arith.addi %iota3A, %add3A : vector<224x1024xi32>
    %eq3A_80 = vector.broadcast %broadcast_in_dim3A_76 : vector<224x1xf32> to vector<224x1024xf32>
    %eq3A_81 = arith.cmpf oeq, %sub3A_74, %eq3A_80 : vector<224x1024xf32>
    %jit3A = arith.constant 1073741824 : i32
    %broadcast_in_dim3A_82 = vector.broadcast %jit3A : i32 to vector<224x1024xi32>
    %select_n3A = arith.select %eq3A_81, %add3A_79, %broadcast_in_dim3A_82 : vector<224x1024xi1>, vector<224x1024xi32>
    %reduce_min3A = arith.constant dense<2147483647> : vector<224xi32>
    %reduce_min3A_83 = vector.multi_reduction <minsi>, %select_n3A, %reduce_min3A [1] : vector<224x1024xi32> to vector<224xi32>
    %broadcast_in_dim3A_84 = vector.shape_cast %reduce_min3A_83 : vector<224xi32> to vector<224x1xi32>
    %get3A_85 = arith.constant 0 : index
    %get3A_86 = arith.constant 0 : index
    %get3A_87 = vector.load %arg3[%get3A_85, %get3A_86] : memref<1568x1xf32, #tpu.memory_space<vmem>>, vector<224x1xf32>
    %gt3A = arith.cmpf ogt, %broadcast_in_dim3A_76, %get3A_87 : vector<224x1xf32>
    %get3A_88 = arith.constant 0 : index
    %get3A_89 = arith.constant 0 : index
    %get3A_90 = vector.load %arg4[%get3A_88, %get3A_89] : memref<1568x1xi32, #tpu.memory_space<vmem>>, vector<224x1xi32>
    %select_n3A_91 = arith.select %gt3A, %broadcast_in_dim3A_84, %get3A_90 : vector<224x1xi1>, vector<224x1xi32>
    %swap3A_92 = arith.constant 0 : index
    %swap3A_93 = arith.constant 0 : index
    %swap3A_94 = vector.load %arg4[%swap3A_92, %swap3A_93] : memref<1568x1xi32, #tpu.memory_space<vmem>>, vector<224x1xi32>
    tpu.vector_store %arg4[%swap3A_92, %swap3A_93], %select_n3A_91 {strides = array<i32>} : memref<1568x1xi32, #tpu.memory_space<vmem>>, vector<224x1xi32>,
    %get3A_95 = arith.constant 0 : index
    %get3A_96 = arith.constant 0 : index
    %get3A_97 = vector.load %arg3[%get3A_95, %get3A_96] : memref<1568x1xf32, #tpu.memory_space<vmem>>, vector<224x1xf32>
    %select_n3A_98 = arith.select %gt3A, %broadcast_in_dim3A_76, %get3A_97 : vector<224x1xi1>, vector<224x1xf32>
    %swap3A_99 = arith.constant 0 : index
    %swap3A_100 = arith.constant 0 : index
    %swap3A_101 = vector.load %arg3[%swap3A_99, %swap3A_100] : memref<1568x1xf32, #tpu.memory_space<vmem>>, vector<224x1xf32>
    tpu.vector_store %arg3[%swap3A_99, %swap3A_100], %select_n3A_98 {strides = array<i32>} : memref<1568x1xf32, #tpu.memory_space<vmem>>, vector<224x1xf32>,
    %get3A_102 = arith.constant 224 : index
    %get3A_103 = arith.constant 0 : index
    %get3A_104 = vector.load %arg9[%get3A_102, %get3A_103] : memref<1568x1024xf32, #tpu.memory_space<vmem>>, vector<224x1024xf32>
    %get3A_105 = arith.constant 0 : index
    %get3A_106 = arith.constant 0 : index
    %get3A_107 = vector.load %arg8[%get3A_105, %get3A_106] : memref<1x1024xf32, #tpu.memory_space<vmem>>, vector<1x1024xf32>
    %sub3A_108 = vector.broadcast %get3A_107 : vector<1x1024xf32> to vector<224x1024xf32>
    %sub3A_109 = arith.subf %get3A_104, %sub3A_108 : vector<224x1024xf32>
    %reduce_max3A_110 = arith.constant dense<0xFF800000> : vector<224xf32>
    %reduce_max3A_111 = vector.multi_reduction <maximumf>, %sub3A_109, %reduce_max3A_110 [1] : vector<224x1024xf32> to vector<224xf32>
    %broadcast_in_dim3A_112 = vector.shape_cast %reduce_max3A_111 : vector<224xf32> to vector<224x1xf32>
    %iota3A_113 = tpu.iota {dimensions = array<i32: 1>} : vector<224x1024xi32>
    %mul3A_114 = arith.constant 1024 : i32
    %mul3A_115 = arith.muli %arg0, %mul3A_114 : i32
    %add3A_116 = vector.broadcast %mul3A_115 : i32 to vector<224x1024xi32>
    %add3A_117 = arith.addi %iota3A_113, %add3A_116 : vector<224x1024xi32>
    %eq3A_118 = vector.broadcast %broadcast_in_dim3A_112 : vector<224x1xf32> to vector<224x1024xf32>
    %eq3A_119 = arith.cmpf oeq, %sub3A_109, %eq3A_118 : vector<224x1024xf32>
    %jit3A_120 = arith.constant 1073741824 : i32
    %broadcast_in_dim3A_121 = vector.broadcast %jit3A_120 : i32 to vector<224x1024xi32>
    %select_n3A_122 = arith.select %eq3A_119, %add3A_117, %broadcast_in_dim3A_121 : vector<224x1024xi1>, vector<224x1024xi32>
    %reduce_min3A_123 = arith.constant dense<2147483647> : vector<224xi32>
    %reduce_min3A_124 = vector.multi_reduction <minsi>, %select_n3A_122, %reduce_min3A_123 [1] : vector<224x1024xi32> to vector<224xi32>
    %broadcast_in_dim3A_125 = vector.shape_cast %reduce_min3A_124 : vector<224xi32> to vector<224x1xi32>
    %get3A_126 = arith.constant 224 : index
    %get3A_127 = arith.constant 0 : index
    %get3A_128 = vector.load %arg3[%get3A_126, %get3A_127] : memref<1568x1xf32, #tpu.memory_space<vmem>>, vector<224x1xf32>
    %gt3A_129 = arith.cmpf ogt, %broadcast_in_dim3A_112, %get3A_128 : vector<224x1xf32>
    %get3A_130 = arith.constant 224 : index
    %get3A_131 = arith.constant 0 : index
    %get3A_132 = vector.load %arg4[%get3A_130, %get3A_131] : memref<1568x1xi32, #tpu.memory_space<vmem>>, vector<224x1xi32>
    %select_n3A_133 = arith.select %gt3A_129, %broadcast_in_dim3A_125, %get3A_132 : vector<224x1xi1>, vector<224x1xi32>
    %swap3A_134 = arith.constant 224 : index
    %swap3A_135 = arith.constant 0 : index
    %swap3A_136 = vector.load %arg4[%swap3A_134, %swap3A_135] : memref<1568x1xi32, #tpu.memory_space<vmem>>, vector<224x1xi32>
    tpu.vector_store %arg4[%swap3A_134, %swap3A_135], %select_n3A_133 {strides = array<i32>} : memref<1568x1xi32, #tpu.memory_space<vmem>>, vector<224x1xi32>,
    %get3A_137 = arith.constant 224 : index
    %get3A_138 = arith.constant 0 : index
    %get3A_139 = vector.load %arg3[%get3A_137, %get3A_138] : memref<1568x1xf32, #tpu.memory_space<vmem>>, vector<224x1xf32>
    %select_n3A_140 = arith.select %gt3A_129, %broadcast_in_dim3A_112, %get3A_139 : vector<224x1xi1>, vector<224x1xf32>
    %swap3A_141 = arith.constant 224 : index
    %swap3A_142 = arith.constant 0 : index
    %swap3A_143 = vector.load %arg3[%swap3A_141, %swap3A_142] : memref<1568x1xf32, #tpu.memory_space<vmem>>, vector<224x1xf32>
    tpu.vector_store %arg3[%swap3A_141, %swap3A_142], %select_n3A_140 {strides = array<i32>} : memref<1568x1xf32, #tpu.memory_space<vmem>>, vector<224x1xf32>,
    %get3A_144 = arith.constant 448 : index
    %get3A_145 = arith.constant 0 : index
    %get3A_146 = vector.load %arg9[%get3A_144, %get3A_145] : memref<1568x1024xf32, #tpu.memory_space<vmem>>, vector<224x1024xf32>
    %get3A_147 = arith.constant 0 : index
    %get3A_148 = arith.constant 0 : index
    %get3A_149 = vector.load %arg8[%get3A_147, %get3A_148] : memref<1x1024xf32, #tpu.memory_space<vmem>>, vector<1x1024xf32>
    %sub3A_150 = vector.broadcast %get3A_149 : vector<1x1024xf32> to vector<224x1024xf32>
    %sub3A_151 = arith.subf %get3A_146, %sub3A_150 : vector<224x1024xf32>
    %reduce_max3A_152 = arith.constant dense<0xFF800000> : vector<224xf32>
    %reduce_max3A_153 = vector.multi_reduction <maximumf>, %sub3A_151, %reduce_max3A_152 [1] : vector<224x1024xf32> to vector<224xf32>
    %broadcast_in_dim3A_154 = vector.shape_cast %reduce_max3A_153 : vector<224xf32> to vector<224x1xf32>
    %iota3A_155 = tpu.iota {dimensions = array<i32: 1>} : vector<224x1024xi32>
    %mul3A_156 = arith.constant 1024 : i32
    %mul3A_157 = arith.muli %arg0, %mul3A_156 : i32
    %add3A_158 = vector.broadcast %mul3A_157 : i32 to vector<224x1024xi32>
    %add3A_159 = arith.addi %iota3A_155, %add3A_158 : vector<224x1024xi32>
    %eq3A_160 = vector.broadcast %broadcast_in_dim3A_154 : vector<224x1xf32> to vector<224x1024xf32>
    %eq3A_161 = arith.cmpf oeq, %sub3A_151, %eq3A_160 : vector<224x1024xf32>
    %jit3A_162 = arith.constant 1073741824 : i32
    %broadcast_in_dim3A_163 = vector.broadcast %jit3A_162 : i32 to vector<224x1024xi32>
    %select_n3A_164 = arith.select %eq3A_161, %add3A_159, %broadcast_in_dim3A_163 : vector<224x1024xi1>, vector<224x1024xi32>
    %reduce_min3A_165 = arith.constant dense<2147483647> : vector<224xi32>
    %reduce_min3A_166 = vector.multi_reduction <minsi>, %select_n3A_164, %reduce_min3A_165 [1] : vector<224x1024xi32> to vector<224xi32>
    %broadcast_in_dim3A_167 = vector.shape_cast %reduce_min3A_166 : vector<224xi32> to vector<224x1xi32>
    %get3A_168 = arith.constant 448 : index
    %get3A_169 = arith.constant 0 : index
    %get3A_170 = vector.load %arg3[%get3A_168, %get3A_169] : memref<1568x1xf32, #tpu.memory_space<vmem>>, vector<224x1xf32>
    %gt3A_171 = arith.cmpf ogt, %broadcast_in_dim3A_154, %get3A_170 : vector<224x1xf32>
    %get3A_172 = arith.constant 448 : index
    %get3A_173 = arith.constant 0 : index
    %get3A_174 = vector.load %arg4[%get3A_172, %get3A_173] : memref<1568x1xi32, #tpu.memory_space<vmem>>, vector<224x1xi32>
    %select_n3A_175 = arith.select %gt3A_171, %broadcast_in_dim3A_167, %get3A_174 : vector<224x1xi1>, vector<224x1xi32>
    %swap3A_176 = arith.constant 448 : index
    %swap3A_177 = arith.constant 0 : index
    %swap3A_178 = vector.load %arg4[%swap3A_176, %swap3A_177] : memref<1568x1xi32, #tpu.memory_space<vmem>>, vector<224x1xi32>
    tpu.vector_store %arg4[%swap3A_176, %swap3A_177], %select_n3A_175 {strides = array<i32>} : memref<1568x1xi32, #tpu.memory_space<vmem>>, vector<224x1xi32>,
    %get3A_179 = arith.constant 448 : index
    %get3A_180 = arith.constant 0 : index
    %get3A_181 = vector.load %arg3[%get3A_179, %get3A_180] : memref<1568x1xf32, #tpu.memory_space<vmem>>, vector<224x1xf32>
    %select_n3A_182 = arith.select %gt3A_171, %broadcast_in_dim3A_154, %get3A_181 : vector<224x1xi1>, vector<224x1xf32>
    %swap3A_183 = arith.constant 448 : index
    %swap3A_184 = arith.constant 0 : index
    %swap3A_185 = vector.load %arg3[%swap3A_183, %swap3A_184] : memref<1568x1xf32, #tpu.memory_space<vmem>>, vector<224x1xf32>
    tpu.vector_store %arg3[%swap3A_183, %swap3A_184], %select_n3A_182 {strides = array<i32>} : memref<1568x1xf32, #tpu.memory_space<vmem>>, vector<224x1xf32>,
    %get3A_186 = arith.constant 672 : index
    %get3A_187 = arith.constant 0 : index
    %get3A_188 = vector.load %arg9[%get3A_186, %get3A_187] : memref<1568x1024xf32, #tpu.memory_space<vmem>>, vector<224x1024xf32>
    %get3A_189 = arith.constant 0 : index
    %get3A_190 = arith.constant 0 : index
    %get3A_191 = vector.load %arg8[%get3A_189, %get3A_190] : memref<1x1024xf32, #tpu.memory_space<vmem>>, vector<1x1024xf32>
    %sub3A_192 = vector.broadcast %get3A_191 : vector<1x1024xf32> to vector<224x1024xf32>
    %sub3A_193 = arith.subf %get3A_188, %sub3A_192 : vector<224x1024xf32>
    %reduce_max3A_194 = arith.constant dense<0xFF800000> : vector<224xf32>
    %reduce_max3A_195 = vector.multi_reduction <maximumf>, %sub3A_193, %reduce_max3A_194 [1] : vector<224x1024xf32> to vector<224xf32>
    %broadcast_in_dim3A_196 = vector.shape_cast %reduce_max3A_195 : vector<224xf32> to vector<224x1xf32>
    %iota3A_197 = tpu.iota {dimensions = array<i32: 1>} : vector<224x1024xi32>
    %mul3A_198 = arith.constant 1024 : i32
    %mul3A_199 = arith.muli %arg0, %mul3A_198 : i32
    %add3A_200 = vector.broadcast %mul3A_199 : i32 to vector<224x1024xi32>
    %add3A_201 = arith.addi %iota3A_197, %add3A_200 : vector<224x1024xi32>
    %eq3A_202 = vector.broadcast %broadcast_in_dim3A_196 : vector<224x1xf32> to vector<224x1024xf32>
    %eq3A_203 = arith.cmpf oeq, %sub3A_193, %eq3A_202 : vector<224x1024xf32>
    %jit3A_204 = arith.constant 1073741824 : i32
    %broadcast_in_dim3A_205 = vector.broadcast %jit3A_204 : i32 to vector<224x1024xi32>
    %select_n3A_206 = arith.select %eq3A_203, %add3A_201, %broadcast_in_dim3A_205 : vector<224x1024xi1>, vector<224x1024xi32>
    %reduce_min3A_207 = arith.constant dense<2147483647> : vector<224xi32>
    %reduce_min3A_208 = vector.multi_reduction <minsi>, %select_n3A_206, %reduce_min3A_207 [1] : vector<224x1024xi32> to vector<224xi32>
    %broadcast_in_dim3A_209 = vector.shape_cast %reduce_min3A_208 : vector<224xi32> to vector<224x1xi32>
    %get3A_210 = arith.constant 672 : index
    %get3A_211 = arith.constant 0 : index
    %get3A_212 = vector.load %arg3[%get3A_210, %get3A_211] : memref<1568x1xf32, #tpu.memory_space<vmem>>, vector<224x1xf32>
    %gt3A_213 = arith.cmpf ogt, %broadcast_in_dim3A_196, %get3A_212 : vector<224x1xf32>
    %get3A_214 = arith.constant 672 : index
    %get3A_215 = arith.constant 0 : index
    %get3A_216 = vector.load %arg4[%get3A_214, %get3A_215] : memref<1568x1xi32, #tpu.memory_space<vmem>>, vector<224x1xi32>
    %select_n3A_217 = arith.select %gt3A_213, %broadcast_in_dim3A_209, %get3A_216 : vector<224x1xi1>, vector<224x1xi32>
    %swap3A_218 = arith.constant 672 : index
    %swap3A_219 = arith.constant 0 : index
    %swap3A_220 = vector.load %arg4[%swap3A_218, %swap3A_219] : memref<1568x1xi32, #tpu.memory_space<vmem>>, vector<224x1xi32>
    tpu.vector_store %arg4[%swap3A_218, %swap3A_219], %select_n3A_217 {strides = array<i32>} : memref<1568x1xi32, #tpu.memory_space<vmem>>, vector<224x1xi32>,
    %get3A_221 = arith.constant 672 : index
    %get3A_222 = arith.constant 0 : index
    %get3A_223 = vector.load %arg3[%get3A_221, %get3A_222] : memref<1568x1xf32, #tpu.memory_space<vmem>>, vector<224x1xf32>
    %select_n3A_224 = arith.select %gt3A_213, %broadcast_in_dim3A_196, %get3A_223 : vector<224x1xi1>, vector<224x1xf32>
    %swap3A_225 = arith.constant 672 : index
    %swap3A_226 = arith.constant 0 : index
    %swap3A_227 = vector.load %arg3[%swap3A_225, %swap3A_226] : memref<1568x1xf32, #tpu.memory_space<vmem>>, vector<224x1xf32>
    tpu.vector_store %arg3[%swap3A_225, %swap3A_226], %select_n3A_224 {strides = array<i32>} : memref<1568x1xf32, #tpu.memory_space<vmem>>, vector<224x1xf32>,
    %get3A_228 = arith.constant 896 : index
    %get3A_229 = arith.constant 0 : index
    %get3A_230 = vector.load %arg9[%get3A_228, %get3A_229] : memref<1568x1024xf32, #tpu.memory_space<vmem>>, vector<224x1024xf32>
    %get3A_231 = arith.constant 0 : index
    %get3A_232 = arith.constant 0 : index
    %get3A_233 = vector.load %arg8[%get3A_231, %get3A_232] : memref<1x1024xf32, #tpu.memory_space<vmem>>, vector<1x1024xf32>
    %sub3A_234 = vector.broadcast %get3A_233 : vector<1x1024xf32> to vector<224x1024xf32>
    %sub3A_235 = arith.subf %get3A_230, %sub3A_234 : vector<224x1024xf32>
    %reduce_max3A_236 = arith.constant dense<0xFF800000> : vector<224xf32>
    %reduce_max3A_237 = vector.multi_reduction <maximumf>, %sub3A_235, %reduce_max3A_236 [1] : vector<224x1024xf32> to vector<224xf32>
    %broadcast_in_dim3A_238 = vector.shape_cast %reduce_max3A_237 : vector<224xf32> to vector<224x1xf32>
    %iota3A_239 = tpu.iota {dimensions = array<i32: 1>} : vector<224x1024xi32>
    %mul3A_240 = arith.constant 1024 : i32
    %mul3A_241 = arith.muli %arg0, %mul3A_240 : i32
    %add3A_242 = vector.broadcast %mul3A_241 : i32 to vector<224x1024xi32>
    %add3A_243 = arith.addi %iota3A_239, %add3A_242 : vector<224x1024xi32>
    %eq3A_244 = vector.broadcast %broadcast_in_dim3A_238 : vector<224x1xf32> to vector<224x1024xf32>
    %eq3A_245 = arith.cmpf oeq, %sub3A_235, %eq3A_244 : vector<224x1024xf32>
    %jit3A_246 = arith.constant 1073741824 : i32
    %broadcast_in_dim3A_247 = vector.broadcast %jit3A_246 : i32 to vector<224x1024xi32>
    %select_n3A_248 = arith.select %eq3A_245, %add3A_243, %broadcast_in_dim3A_247 : vector<224x1024xi1>, vector<224x1024xi32>
    %reduce_min3A_249 = arith.constant dense<2147483647> : vector<224xi32>
    %reduce_min3A_250 = vector.multi_reduction <minsi>, %select_n3A_248, %reduce_min3A_249 [1] : vector<224x1024xi32> to vector<224xi32>
    %broadcast_in_dim3A_251 = vector.shape_cast %reduce_min3A_250 : vector<224xi32> to vector<224x1xi32>
    %get3A_252 = arith.constant 896 : index
    %get3A_253 = arith.constant 0 : index
    %get3A_254 = vector.load %arg3[%get3A_252, %get3A_253] : memref<1568x1xf32, #tpu.memory_space<vmem>>, vector<224x1xf32>
    %gt3A_255 = arith.cmpf ogt, %broadcast_in_dim3A_238, %get3A_254 : vector<224x1xf32>
    %get3A_256 = arith.constant 896 : index
    %get3A_257 = arith.constant 0 : index
    %get3A_258 = vector.load %arg4[%get3A_256, %get3A_257] : memref<1568x1xi32, #tpu.memory_space<vmem>>, vector<224x1xi32>
    %select_n3A_259 = arith.select %gt3A_255, %broadcast_in_dim3A_251, %get3A_258 : vector<224x1xi1>, vector<224x1xi32>
    %swap3A_260 = arith.constant 896 : index
    %swap3A_261 = arith.constant 0 : index
    %swap3A_262 = vector.load %arg4[%swap3A_260, %swap3A_261] : memref<1568x1xi32, #tpu.memory_space<vmem>>, vector<224x1xi32>
    tpu.vector_store %arg4[%swap3A_260, %swap3A_261], %select_n3A_259 {strides = array<i32>} : memref<1568x1xi32, #tpu.memory_space<vmem>>, vector<224x1xi32>,
    %get3A_263 = arith.constant 896 : index
    %get3A_264 = arith.constant 0 : index
    %get3A_265 = vector.load %arg3[%get3A_263, %get3A_264] : memref<1568x1xf32, #tpu.memory_space<vmem>>, vector<224x1xf32>
    %select_n3A_266 = arith.select %gt3A_255, %broadcast_in_dim3A_238, %get3A_265 : vector<224x1xi1>, vector<224x1xf32>
    %swap3A_267 = arith.constant 896 : index
    %swap3A_268 = arith.constant 0 : index
    %swap3A_269 = vector.load %arg3[%swap3A_267, %swap3A_268] : memref<1568x1xf32, #tpu.memory_space<vmem>>, vector<224x1xf32>
    tpu.vector_store %arg3[%swap3A_267, %swap3A_268], %select_n3A_266 {strides = array<i32>} : memref<1568x1xf32, #tpu.memory_space<vmem>>, vector<224x1xf32>,
    %get3A_270 = arith.constant 1120 : index
    %get3A_271 = arith.constant 0 : index
    %get3A_272 = vector.load %arg9[%get3A_270, %get3A_271] : memref<1568x1024xf32, #tpu.memory_space<vmem>>, vector<224x1024xf32>
    %get3A_273 = arith.constant 0 : index
    %get3A_274 = arith.constant 0 : index
    %get3A_275 = vector.load %arg8[%get3A_273, %get3A_274] : memref<1x1024xf32, #tpu.memory_space<vmem>>, vector<1x1024xf32>
    %sub3A_276 = vector.broadcast %get3A_275 : vector<1x1024xf32> to vector<224x1024xf32>
    %sub3A_277 = arith.subf %get3A_272, %sub3A_276 : vector<224x1024xf32>
    %reduce_max3A_278 = arith.constant dense<0xFF800000> : vector<224xf32>
    %reduce_max3A_279 = vector.multi_reduction <maximumf>, %sub3A_277, %reduce_max3A_278 [1] : vector<224x1024xf32> to vector<224xf32>
    %broadcast_in_dim3A_280 = vector.shape_cast %reduce_max3A_279 : vector<224xf32> to vector<224x1xf32>
    %iota3A_281 = tpu.iota {dimensions = array<i32: 1>} : vector<224x1024xi32>
    %mul3A_282 = arith.constant 1024 : i32
    %mul3A_283 = arith.muli %arg0, %mul3A_282 : i32
    %add3A_284 = vector.broadcast %mul3A_283 : i32 to vector<224x1024xi32>
    %add3A_285 = arith.addi %iota3A_281, %add3A_284 : vector<224x1024xi32>
    %eq3A_286 = vector.broadcast %broadcast_in_dim3A_280 : vector<224x1xf32> to vector<224x1024xf32>
    %eq3A_287 = arith.cmpf oeq, %sub3A_277, %eq3A_286 : vector<224x1024xf32>
    %jit3A_288 = arith.constant 1073741824 : i32
    %broadcast_in_dim3A_289 = vector.broadcast %jit3A_288 : i32 to vector<224x1024xi32>
    %select_n3A_290 = arith.select %eq3A_287, %add3A_285, %broadcast_in_dim3A_289 : vector<224x1024xi1>, vector<224x1024xi32>
    %reduce_min3A_291 = arith.constant dense<2147483647> : vector<224xi32>
    %reduce_min3A_292 = vector.multi_reduction <minsi>, %select_n3A_290, %reduce_min3A_291 [1] : vector<224x1024xi32> to vector<224xi32>
    %broadcast_in_dim3A_293 = vector.shape_cast %reduce_min3A_292 : vector<224xi32> to vector<224x1xi32>
    %get3A_294 = arith.constant 1120 : index
    %get3A_295 = arith.constant 0 : index
    %get3A_296 = vector.load %arg3[%get3A_294, %get3A_295] : memref<1568x1xf32, #tpu.memory_space<vmem>>, vector<224x1xf32>
    %gt3A_297 = arith.cmpf ogt, %broadcast_in_dim3A_280, %get3A_296 : vector<224x1xf32>
    %get3A_298 = arith.constant 1120 : index
    %get3A_299 = arith.constant 0 : index
    %get3A_300 = vector.load %arg4[%get3A_298, %get3A_299] : memref<1568x1xi32, #tpu.memory_space<vmem>>, vector<224x1xi32>
    %select_n3A_301 = arith.select %gt3A_297, %broadcast_in_dim3A_293, %get3A_300 : vector<224x1xi1>, vector<224x1xi32>
    %swap3A_302 = arith.constant 1120 : index
    %swap3A_303 = arith.constant 0 : index
    %swap3A_304 = vector.load %arg4[%swap3A_302, %swap3A_303] : memref<1568x1xi32, #tpu.memory_space<vmem>>, vector<224x1xi32>
    tpu.vector_store %arg4[%swap3A_302, %swap3A_303], %select_n3A_301 {strides = array<i32>} : memref<1568x1xi32, #tpu.memory_space<vmem>>, vector<224x1xi32>,
    %get3A_305 = arith.constant 1120 : index
    %get3A_306 = arith.constant 0 : index
    %get3A_307 = vector.load %arg3[%get3A_305, %get3A_306] : memref<1568x1xf32, #tpu.memory_space<vmem>>, vector<224x1xf32>
    %select_n3A_308 = arith.select %gt3A_297, %broadcast_in_dim3A_280, %get3A_307 : vector<224x1xi1>, vector<224x1xf32>
    %swap3A_309 = arith.constant 1120 : index
    %swap3A_310 = arith.constant 0 : index
    %swap3A_311 = vector.load %arg3[%swap3A_309, %swap3A_310] : memref<1568x1xf32, #tpu.memory_space<vmem>>, vector<224x1xf32>
    tpu.vector_store %arg3[%swap3A_309, %swap3A_310], %select_n3A_308 {strides = array<i32>} : memref<1568x1xf32, #tpu.memory_space<vmem>>, vector<224x1xf32>,
    %get3A_312 = arith.constant 1344 : index
    %get3A_313 = arith.constant 0 : index
    %get3A_314 = vector.load %arg9[%get3A_312, %get3A_313] : memref<1568x1024xf32, #tpu.memory_space<vmem>>, vector<224x1024xf32>
    %get3A_315 = arith.constant 0 : index
    %get3A_316 = arith.constant 0 : index
    %get3A_317 = vector.load %arg8[%get3A_315, %get3A_316] : memref<1x1024xf32, #tpu.memory_space<vmem>>, vector<1x1024xf32>
    %sub3A_318 = vector.broadcast %get3A_317 : vector<1x1024xf32> to vector<224x1024xf32>
    %sub3A_319 = arith.subf %get3A_314, %sub3A_318 : vector<224x1024xf32>
    %reduce_max3A_320 = arith.constant dense<0xFF800000> : vector<224xf32>
    %reduce_max3A_321 = vector.multi_reduction <maximumf>, %sub3A_319, %reduce_max3A_320 [1] : vector<224x1024xf32> to vector<224xf32>
    %broadcast_in_dim3A_322 = vector.shape_cast %reduce_max3A_321 : vector<224xf32> to vector<224x1xf32>
    %iota3A_323 = tpu.iota {dimensions = array<i32: 1>} : vector<224x1024xi32>
    %mul3A_324 = arith.constant 1024 : i32
    %mul3A_325 = arith.muli %arg0, %mul3A_324 : i32
    %add3A_326 = vector.broadcast %mul3A_325 : i32 to vector<224x1024xi32>
    %add3A_327 = arith.addi %iota3A_323, %add3A_326 : vector<224x1024xi32>
    %eq3A_328 = vector.broadcast %broadcast_in_dim3A_322 : vector<224x1xf32> to vector<224x1024xf32>
    %eq3A_329 = arith.cmpf oeq, %sub3A_319, %eq3A_328 : vector<224x1024xf32>
    %jit3A_330 = arith.constant 1073741824 : i32
    %broadcast_in_dim3A_331 = vector.broadcast %jit3A_330 : i32 to vector<224x1024xi32>
    %select_n3A_332 = arith.select %eq3A_329, %add3A_327, %broadcast_in_dim3A_331 : vector<224x1024xi1>, vector<224x1024xi32>
    %reduce_min3A_333 = arith.constant dense<2147483647> : vector<224xi32>
    %reduce_min3A_334 = vector.multi_reduction <minsi>, %select_n3A_332, %reduce_min3A_333 [1] : vector<224x1024xi32> to vector<224xi32>
    %broadcast_in_dim3A_335 = vector.shape_cast %reduce_min3A_334 : vector<224xi32> to vector<224x1xi32>
    %get3A_336 = arith.constant 1344 : index
    %get3A_337 = arith.constant 0 : index
    %get3A_338 = vector.load %arg3[%get3A_336, %get3A_337] : memref<1568x1xf32, #tpu.memory_space<vmem>>, vector<224x1xf32>
    %gt3A_339 = arith.cmpf ogt, %broadcast_in_dim3A_322, %get3A_338 : vector<224x1xf32>
    %get3A_340 = arith.constant 1344 : index
    %get3A_341 = arith.constant 0 : index
    %get3A_342 = vector.load %arg4[%get3A_340, %get3A_341] : memref<1568x1xi32, #tpu.memory_space<vmem>>, vector<224x1xi32>
    %select_n3A_343 = arith.select %gt3A_339, %broadcast_in_dim3A_335, %get3A_342 : vector<224x1xi1>, vector<224x1xi32>
    %swap3A_344 = arith.constant 1344 : index
    %swap3A_345 = arith.constant 0 : index
    %swap3A_346 = vector.load %arg4[%swap3A_344, %swap3A_345] : memref<1568x1xi32, #tpu.memory_space<vmem>>, vector<224x1xi32>
    tpu.vector_store %arg4[%swap3A_344, %swap3A_345], %select_n3A_343 {strides = array<i32>} : memref<1568x1xi32, #tpu.memory_space<vmem>>, vector<224x1xi32>,
    %get3A_347 = arith.constant 1344 : index
    %get3A_348 = arith.constant 0 : index
    %get3A_349 = vector.load %arg3[%get3A_347, %get3A_348] : memref<1568x1xf32, #tpu.memory_space<vmem>>, vector<224x1xf32>
    %select_n3A_350 = arith.select %gt3A_339, %broadcast_in_dim3A_322, %get3A_349 : vector<224x1xi1>, vector<224x1xf32>
    %swap3A_351 = arith.constant 1344 : index
    %swap3A_352 = arith.constant 0 : index
    %swap3A_353 = vector.load %arg3[%swap3A_351, %swap3A_352] : memref<1568x1xf32, #tpu.memory_space<vmem>>, vector<224x1xf32>
    tpu.vector_store %arg3[%swap3A_351, %swap3A_352], %select_n3A_350 {strides = array<i32>} : memref<1568x1xf32, #tpu.memory_space<vmem>>, vector<224x1xf32>,
    return
  }
  func.func @transform_0(%arg0: i32) -> (i32, i32) {
    %c0_i32 = arith.constant 0 : i32
    %c0_i32_0 = arith.constant 0 : i32
    %c0_i32_1 = arith.constant 0 : i32
    return %c0_i32, %c0_i32_0 : i32, i32
  }
  func.func @transform_1(%arg0: i32) -> (i32, i32) {
    %c0_i32 = arith.constant 0 : i32
    %c0_i32_0 = arith.constant 0 : i32
    return %arg0, %c0_i32 : i32, i32
  }
  func.func @transform_2(%arg0: i32) -> (i32, i32) {
    %c0_i32 = arith.constant 0 : i32
    %c0_i32_0 = arith.constant 0 : i32
    %c0_i32_1 = arith.constant 0 : i32
    return %c0_i32, %c0_i32_0 : i32, i32
  }
  func.func @transform_3(%arg0: i32) -> (i32, i32) {
    %c0_i32 = arith.constant 0 : i32
    %c0_i32_0 = arith.constant 0 : i32
    %c0_i32_1 = arith.constant 0 : i32
    return %c0_i32, %c0_i32_0 : i32, i32
  }
  func.func @transform_4(%arg0: i32) -> (i32, i32) {
    %c0_i32 = arith.constant 0 : i32
    %c0_i32_0 = arith.constant 0 : i32
    %c0_i32_1 = arith.constant 0 : i32
    return %c0_i32, %c0_i32_0 : i32, i32
  }
}

module attributes {stable_mosaic.version = 14 : i64} {
  func.func @_k2a_body(%arg0: memref<2x784xf32, #tpu.memory_space<vmem>>, %arg1: memref<2x784xf32, #tpu.memory_space<vmem>>, %arg2: memref<2x784xi32, #tpu.memory_space<vmem>>, %arg3: memref<2x784xf32, #tpu.memory_space<vmem>>, %arg4: memref<1x18xi32, #tpu.memory_space<vmem>>) attributes {dimension_semantics = [], scalar_prefetch = 0 : i64, scratch_operands = 0 : i64, tpu.core_type = #tpu.core_type<tc>} {
    %get3A = arith.constant 0 : index
    %get3A_0 = arith.constant 0 : index
    %get3A_1 = vector.load %arg1[%get3A, %get3A_0] : memref<2x784xf32, #tpu.memory_space<vmem>>, vector<2x784xf32>
    %get3A_2 = arith.constant 0 : index
    %get3A_3 = arith.constant 0 : index
    %get3A_4 = vector.load %arg0[%get3A_2, %get3A_3] : memref<2x784xf32, #tpu.memory_space<vmem>>, vector<2x784xf32>
    %mul3A = arith.constant 2.000000e+00 : f32
    %mul3A_5 = vector.broadcast %mul3A : f32 to vector<2x784xf32>
    %mul3A_6 = arith.mulf %mul3A_5, %get3A_4 : vector<2x784xf32>
    %sub3A = arith.subf %get3A_1, %mul3A_6 : vector<2x784xf32>
    %max3A = arith.constant 9.99999996E-13 : f32
    %max3A_7 = vector.broadcast %max3A : f32 to vector<2x784xf32>
    %max3A_8 = arith.maximumf %sub3A, %max3A_7 : vector<2x784xf32>
    %sqrt3A = math.sqrt %max3A_8 : vector<2x784xf32>
    %swap3A = arith.constant 0 : index
    %swap3A_9 = arith.constant 0 : index
    %swap3A_10 = vector.load %arg3[%swap3A, %swap3A_9] : memref<2x784xf32, #tpu.memory_space<vmem>>, vector<2x784xf32>
    tpu.vector_store %arg3[%swap3A, %swap3A_9], %sqrt3A {strides = array<i32>} : memref<2x784xf32, #tpu.memory_space<vmem>>, vector<2x784xf32>,
    %iota3A = tpu.iota {dimensions = array<i32: 1>} : vector<2x784xi32>
    %iota3A_11 = tpu.iota {dimensions = array<i32: 0>} : vector<2x1xi32>
    %reduce_max3A = arith.constant dense<0xFF800000> : vector<2xf32>
    %reduce_max3A_12 = vector.multi_reduction <maximumf>, %max3A_8, %reduce_max3A [1] : vector<2x784xf32> to vector<2xf32>
    %broadcast_in_dim3A = vector.shape_cast %reduce_max3A_12 : vector<2xf32> to vector<2x1xf32>
    %eq3A = vector.broadcast %broadcast_in_dim3A : vector<2x1xf32> to vector<2x784xf32>
    %eq3A_13 = arith.cmpf oeq, %max3A_8, %eq3A : vector<2x784xf32>
    %jit3A = arith.constant 1073741824 : i32
    %broadcast_in_dim3A_14 = vector.broadcast %jit3A : i32 to vector<2x784xi32>
    %select_n3A = arith.select %eq3A_13, %iota3A, %broadcast_in_dim3A_14 : vector<2x784xi1>, vector<2x784xi32>
    %reduce_min3A = arith.constant dense<2147483647> : vector<2xi32>
    %reduce_min3A_15 = vector.multi_reduction <minsi>, %select_n3A, %reduce_min3A [1] : vector<2x784xi32> to vector<2xi32>
    %broadcast_in_dim3A_16 = vector.shape_cast %reduce_min3A_15 : vector<2xi32> to vector<2x1xi32>
    %mul3A_17 = arith.constant 784 : i32
    %mul3A_18 = vector.broadcast %mul3A_17 : i32 to vector<2x1xi32>
    %mul3A_19 = arith.muli %iota3A_11, %mul3A_18 : vector<2x1xi32>
    %add3A = arith.addi %broadcast_in_dim3A_16, %mul3A_19 : vector<2x1xi32>
    %eq3A_20 = vector.broadcast %broadcast_in_dim3A_16 : vector<2x1xi32> to vector<2x784xi32>
    %eq3A_21 = arith.cmpi eq, %iota3A, %eq3A_20 : vector<2x784xi32>
    %get3A_22 = arith.constant 0 : index
    %get3A_23 = arith.constant 0 : index
    %get3A_24 = vector.load %arg2[%get3A_22, %get3A_23] : memref<2x784xi32, #tpu.memory_space<vmem>>, vector<2x784xi32>
    %jit3A_25 = arith.constant 0 : i32
    %broadcast_in_dim3A_26 = vector.broadcast %jit3A_25 : i32 to vector<2x784xi32>
    %select_n3A_27 = arith.select %eq3A_21, %get3A_24, %broadcast_in_dim3A_26 : vector<2x784xi1>, vector<2x784xi32>
    %reduce_sum3A = arith.constant dense<0> : vector<2xi32>
    %reduce_sum3A_28 = vector.multi_reduction <add>, %select_n3A_27, %reduce_sum3A [1] : vector<2x784xi32> to vector<2xi32>
    %broadcast_in_dim3A_29 = vector.shape_cast %reduce_sum3A_28 : vector<2xi32> to vector<2x1xi32>
    %eq3A_30 = vector.broadcast %broadcast_in_dim3A_16 : vector<2x1xi32> to vector<2x784xi32>
    %eq3A_31 = arith.cmpi eq, %iota3A, %eq3A_30 : vector<2x784xi32>
    %jit3A_32 = arith.constant 0xFF800000 : f32
    %broadcast_in_dim3A_33 = vector.broadcast %jit3A_32 : f32 to vector<2x784xf32>
    %select_n3A_34 = arith.select %eq3A_31, %broadcast_in_dim3A_33, %max3A_8 : vector<2x784xi1>, vector<2x784xf32>
    %reduce_max3A_35 = arith.constant dense<0xFF800000> : vector<2xf32>
    %reduce_max3A_36 = vector.multi_reduction <maximumf>, %select_n3A_34, %reduce_max3A_35 [1] : vector<2x784xf32> to vector<2xf32>
    %broadcast_in_dim3A_37 = vector.shape_cast %reduce_max3A_36 : vector<2xf32> to vector<2x1xf32>
    %eq3A_38 = vector.broadcast %broadcast_in_dim3A_37 : vector<2x1xf32> to vector<2x784xf32>
    %eq3A_39 = arith.cmpf oeq, %select_n3A_34, %eq3A_38 : vector<2x784xf32>
    %jit3A_40 = arith.constant 1073741824 : i32
    %broadcast_in_dim3A_41 = vector.broadcast %jit3A_40 : i32 to vector<2x784xi32>
    %select_n3A_42 = arith.select %eq3A_39, %iota3A, %broadcast_in_dim3A_41 : vector<2x784xi1>, vector<2x784xi32>
    %reduce_min3A_43 = arith.constant dense<2147483647> : vector<2xi32>
    %reduce_min3A_44 = vector.multi_reduction <minsi>, %select_n3A_42, %reduce_min3A_43 [1] : vector<2x784xi32> to vector<2xi32>
    %broadcast_in_dim3A_45 = vector.shape_cast %reduce_min3A_44 : vector<2xi32> to vector<2x1xi32>
    %mul3A_46 = arith.constant 784 : i32
    %mul3A_47 = vector.broadcast %mul3A_46 : i32 to vector<2x1xi32>
    %mul3A_48 = arith.muli %iota3A_11, %mul3A_47 : vector<2x1xi32>
    %add3A_49 = arith.addi %broadcast_in_dim3A_45, %mul3A_48 : vector<2x1xi32>
    %eq3A_50 = vector.broadcast %broadcast_in_dim3A_45 : vector<2x1xi32> to vector<2x784xi32>
    %eq3A_51 = arith.cmpi eq, %iota3A, %eq3A_50 : vector<2x784xi32>
    %jit3A_52 = arith.constant 0xFF800000 : f32
    %broadcast_in_dim3A_53 = vector.broadcast %jit3A_52 : f32 to vector<2x784xf32>
    %select_n3A_54 = arith.select %eq3A_51, %broadcast_in_dim3A_53, %select_n3A_34 : vector<2x784xi1>, vector<2x784xf32>
    %reduce_max3A_55 = arith.constant dense<0xFF800000> : vector<2xf32>
    %reduce_max3A_56 = vector.multi_reduction <maximumf>, %select_n3A_54, %reduce_max3A_55 [1] : vector<2x784xf32> to vector<2xf32>
    %broadcast_in_dim3A_57 = vector.shape_cast %reduce_max3A_56 : vector<2xf32> to vector<2x1xf32>
    %eq3A_58 = vector.broadcast %broadcast_in_dim3A_57 : vector<2x1xf32> to vector<2x784xf32>
    %eq3A_59 = arith.cmpf oeq, %select_n3A_54, %eq3A_58 : vector<2x784xf32>
    %jit3A_60 = arith.constant 1073741824 : i32
    %broadcast_in_dim3A_61 = vector.broadcast %jit3A_60 : i32 to vector<2x784xi32>
    %select_n3A_62 = arith.select %eq3A_59, %iota3A, %broadcast_in_dim3A_61 : vector<2x784xi1>, vector<2x784xi32>
    %reduce_min3A_63 = arith.constant dense<2147483647> : vector<2xi32>
    %reduce_min3A_64 = vector.multi_reduction <minsi>, %select_n3A_62, %reduce_min3A_63 [1] : vector<2x784xi32> to vector<2xi32>
    %broadcast_in_dim3A_65 = vector.shape_cast %reduce_min3A_64 : vector<2xi32> to vector<2x1xi32>
    %mul3A_66 = arith.constant 784 : i32
    %mul3A_67 = vector.broadcast %mul3A_66 : i32 to vector<2x1xi32>
    %mul3A_68 = arith.muli %iota3A_11, %mul3A_67 : vector<2x1xi32>
    %add3A_69 = arith.addi %broadcast_in_dim3A_65, %mul3A_68 : vector<2x1xi32>
    %eq3A_70 = vector.broadcast %broadcast_in_dim3A_65 : vector<2x1xi32> to vector<2x784xi32>
    %eq3A_71 = arith.cmpi eq, %iota3A, %eq3A_70 : vector<2x784xi32>
    %jit3A_72 = arith.constant 0xFF800000 : f32
    %broadcast_in_dim3A_73 = vector.broadcast %jit3A_72 : f32 to vector<2x784xf32>
    %select_n3A_74 = arith.select %eq3A_71, %broadcast_in_dim3A_73, %select_n3A_54 : vector<2x784xi1>, vector<2x784xf32>
    %reduce_max3A_75 = arith.constant dense<0xFF800000> : vector<2xf32>
    %reduce_max3A_76 = vector.multi_reduction <maximumf>, %select_n3A_74, %reduce_max3A_75 [1] : vector<2x784xf32> to vector<2xf32>
    %broadcast_in_dim3A_77 = vector.shape_cast %reduce_max3A_76 : vector<2xf32> to vector<2x1xf32>
    %eq3A_78 = vector.broadcast %broadcast_in_dim3A_77 : vector<2x1xf32> to vector<2x784xf32>
    %eq3A_79 = arith.cmpf oeq, %select_n3A_74, %eq3A_78 : vector<2x784xf32>
    %jit3A_80 = arith.constant 1073741824 : i32
    %broadcast_in_dim3A_81 = vector.broadcast %jit3A_80 : i32 to vector<2x784xi32>
    %select_n3A_82 = arith.select %eq3A_79, %iota3A, %broadcast_in_dim3A_81 : vector<2x784xi1>, vector<2x784xi32>
    %reduce_min3A_83 = arith.constant dense<2147483647> : vector<2xi32>
    %reduce_min3A_84 = vector.multi_reduction <minsi>, %select_n3A_82, %reduce_min3A_83 [1] : vector<2x784xi32> to vector<2xi32>
    %broadcast_in_dim3A_85 = vector.shape_cast %reduce_min3A_84 : vector<2xi32> to vector<2x1xi32>
    %mul3A_86 = arith.constant 784 : i32
    %mul3A_87 = vector.broadcast %mul3A_86 : i32 to vector<2x1xi32>
    %mul3A_88 = arith.muli %iota3A_11, %mul3A_87 : vector<2x1xi32>
    %add3A_89 = arith.addi %broadcast_in_dim3A_85, %mul3A_88 : vector<2x1xi32>
    %eq3A_90 = vector.broadcast %broadcast_in_dim3A_85 : vector<2x1xi32> to vector<2x784xi32>
    %eq3A_91 = arith.cmpi eq, %iota3A, %eq3A_90 : vector<2x784xi32>
    %jit3A_92 = arith.constant 0xFF800000 : f32
    %broadcast_in_dim3A_93 = vector.broadcast %jit3A_92 : f32 to vector<2x784xf32>
    %select_n3A_94 = arith.select %eq3A_91, %broadcast_in_dim3A_93, %select_n3A_74 : vector<2x784xi1>, vector<2x784xf32>
    %reduce_max3A_95 = arith.constant dense<0xFF800000> : vector<2xf32>
    %reduce_max3A_96 = vector.multi_reduction <maximumf>, %select_n3A_94, %reduce_max3A_95 [1] : vector<2x784xf32> to vector<2xf32>
    %broadcast_in_dim3A_97 = vector.shape_cast %reduce_max3A_96 : vector<2xf32> to vector<2x1xf32>
    %eq3A_98 = vector.broadcast %broadcast_in_dim3A_97 : vector<2x1xf32> to vector<2x784xf32>
    %eq3A_99 = arith.cmpf oeq, %select_n3A_94, %eq3A_98 : vector<2x784xf32>
    %jit3A_100 = arith.constant 1073741824 : i32
    %broadcast_in_dim3A_101 = vector.broadcast %jit3A_100 : i32 to vector<2x784xi32>
    %select_n3A_102 = arith.select %eq3A_99, %iota3A, %broadcast_in_dim3A_101 : vector<2x784xi1>, vector<2x784xi32>
    %reduce_min3A_103 = arith.constant dense<2147483647> : vector<2xi32>
    %reduce_min3A_104 = vector.multi_reduction <minsi>, %select_n3A_102, %reduce_min3A_103 [1] : vector<2x784xi32> to vector<2xi32>
    %broadcast_in_dim3A_105 = vector.shape_cast %reduce_min3A_104 : vector<2xi32> to vector<2x1xi32>
    %mul3A_106 = arith.constant 784 : i32
    %mul3A_107 = vector.broadcast %mul3A_106 : i32 to vector<2x1xi32>
    %mul3A_108 = arith.muli %iota3A_11, %mul3A_107 : vector<2x1xi32>
    %add3A_109 = arith.addi %broadcast_in_dim3A_105, %mul3A_108 : vector<2x1xi32>
    %eq3A_110 = vector.broadcast %broadcast_in_dim3A_105 : vector<2x1xi32> to vector<2x784xi32>
    %eq3A_111 = arith.cmpi eq, %iota3A, %eq3A_110 : vector<2x784xi32>
    %jit3A_112 = arith.constant 0xFF800000 : f32
    %broadcast_in_dim3A_113 = vector.broadcast %jit3A_112 : f32 to vector<2x784xf32>
    %select_n3A_114 = arith.select %eq3A_111, %broadcast_in_dim3A_113, %select_n3A_94 : vector<2x784xi1>, vector<2x784xf32>
    %reduce_max3A_115 = arith.constant dense<0xFF800000> : vector<2xf32>
    %reduce_max3A_116 = vector.multi_reduction <maximumf>, %select_n3A_114, %reduce_max3A_115 [1] : vector<2x784xf32> to vector<2xf32>
    %broadcast_in_dim3A_117 = vector.shape_cast %reduce_max3A_116 : vector<2xf32> to vector<2x1xf32>
    %eq3A_118 = vector.broadcast %broadcast_in_dim3A_117 : vector<2x1xf32> to vector<2x784xf32>
    %eq3A_119 = arith.cmpf oeq, %select_n3A_114, %eq3A_118 : vector<2x784xf32>
    %jit3A_120 = arith.constant 1073741824 : i32
    %broadcast_in_dim3A_121 = vector.broadcast %jit3A_120 : i32 to vector<2x784xi32>
    %select_n3A_122 = arith.select %eq3A_119, %iota3A, %broadcast_in_dim3A_121 : vector<2x784xi1>, vector<2x784xi32>
    %reduce_min3A_123 = arith.constant dense<2147483647> : vector<2xi32>
    %reduce_min3A_124 = vector.multi_reduction <minsi>, %select_n3A_122, %reduce_min3A_123 [1] : vector<2x784xi32> to vector<2xi32>
    %broadcast_in_dim3A_125 = vector.shape_cast %reduce_min3A_124 : vector<2xi32> to vector<2x1xi32>
    %mul3A_126 = arith.constant 784 : i32
    %mul3A_127 = vector.broadcast %mul3A_126 : i32 to vector<2x1xi32>
    %mul3A_128 = arith.muli %iota3A_11, %mul3A_127 : vector<2x1xi32>
    %add3A_129 = arith.addi %broadcast_in_dim3A_125, %mul3A_128 : vector<2x1xi32>
    %eq3A_130 = vector.broadcast %broadcast_in_dim3A_125 : vector<2x1xi32> to vector<2x784xi32>
    %eq3A_131 = arith.cmpi eq, %iota3A, %eq3A_130 : vector<2x784xi32>
    %jit3A_132 = arith.constant 0xFF800000 : f32
    %broadcast_in_dim3A_133 = vector.broadcast %jit3A_132 : f32 to vector<2x784xf32>
    %select_n3A_134 = arith.select %eq3A_131, %broadcast_in_dim3A_133, %select_n3A_114 : vector<2x784xi1>, vector<2x784xf32>
    %reduce_max3A_135 = arith.constant dense<0xFF800000> : vector<2xf32>
    %reduce_max3A_136 = vector.multi_reduction <maximumf>, %select_n3A_134, %reduce_max3A_135 [1] : vector<2x784xf32> to vector<2xf32>
    %broadcast_in_dim3A_137 = vector.shape_cast %reduce_max3A_136 : vector<2xf32> to vector<2x1xf32>
    %eq3A_138 = vector.broadcast %broadcast_in_dim3A_137 : vector<2x1xf32> to vector<2x784xf32>
    %eq3A_139 = arith.cmpf oeq, %select_n3A_134, %eq3A_138 : vector<2x784xf32>
    %jit3A_140 = arith.constant 1073741824 : i32
    %broadcast_in_dim3A_141 = vector.broadcast %jit3A_140 : i32 to vector<2x784xi32>
    %select_n3A_142 = arith.select %eq3A_139, %iota3A, %broadcast_in_dim3A_141 : vector<2x784xi1>, vector<2x784xi32>
    %reduce_min3A_143 = arith.constant dense<2147483647> : vector<2xi32>
    %reduce_min3A_144 = vector.multi_reduction <minsi>, %select_n3A_142, %reduce_min3A_143 [1] : vector<2x784xi32> to vector<2xi32>
    %broadcast_in_dim3A_145 = vector.shape_cast %reduce_min3A_144 : vector<2xi32> to vector<2x1xi32>
    %mul3A_146 = arith.constant 784 : i32
    %mul3A_147 = vector.broadcast %mul3A_146 : i32 to vector<2x1xi32>
    %mul3A_148 = arith.muli %iota3A_11, %mul3A_147 : vector<2x1xi32>
    %add3A_149 = arith.addi %broadcast_in_dim3A_145, %mul3A_148 : vector<2x1xi32>
    %eq3A_150 = vector.broadcast %broadcast_in_dim3A_145 : vector<2x1xi32> to vector<2x784xi32>
    %eq3A_151 = arith.cmpi eq, %iota3A, %eq3A_150 : vector<2x784xi32>
    %jit3A_152 = arith.constant 0xFF800000 : f32
    %broadcast_in_dim3A_153 = vector.broadcast %jit3A_152 : f32 to vector<2x784xf32>
    %select_n3A_154 = arith.select %eq3A_151, %broadcast_in_dim3A_153, %select_n3A_134 : vector<2x784xi1>, vector<2x784xf32>
    %reduce_max3A_155 = arith.constant dense<0xFF800000> : vector<2xf32>
    %reduce_max3A_156 = vector.multi_reduction <maximumf>, %select_n3A_154, %reduce_max3A_155 [1] : vector<2x784xf32> to vector<2xf32>
    %broadcast_in_dim3A_157 = vector.shape_cast %reduce_max3A_156 : vector<2xf32> to vector<2x1xf32>
    %eq3A_158 = vector.broadcast %broadcast_in_dim3A_157 : vector<2x1xf32> to vector<2x784xf32>
    %eq3A_159 = arith.cmpf oeq, %select_n3A_154, %eq3A_158 : vector<2x784xf32>
    %jit3A_160 = arith.constant 1073741824 : i32
    %broadcast_in_dim3A_161 = vector.broadcast %jit3A_160 : i32 to vector<2x784xi32>
    %select_n3A_162 = arith.select %eq3A_159, %iota3A, %broadcast_in_dim3A_161 : vector<2x784xi1>, vector<2x784xi32>
    %reduce_min3A_163 = arith.constant dense<2147483647> : vector<2xi32>
    %reduce_min3A_164 = vector.multi_reduction <minsi>, %select_n3A_162, %reduce_min3A_163 [1] : vector<2x784xi32> to vector<2xi32>
    %broadcast_in_dim3A_165 = vector.shape_cast %reduce_min3A_164 : vector<2xi32> to vector<2x1xi32>
    %mul3A_166 = arith.constant 784 : i32
    %mul3A_167 = vector.broadcast %mul3A_166 : i32 to vector<2x1xi32>
    %mul3A_168 = arith.muli %iota3A_11, %mul3A_167 : vector<2x1xi32>
    %add3A_169 = arith.addi %broadcast_in_dim3A_165, %mul3A_168 : vector<2x1xi32>
    %slice3A = vector.extract_strided_slice %add3A {offsets = [0, 0], sizes = [1, 1], strides = [1, 1]} : vector<2x1xi32> to vector<1x1xi32>
    %slice3A_170 = vector.extract_strided_slice %add3A_49 {offsets = [0, 0], sizes = [1, 1], strides = [1, 1]} : vector<2x1xi32> to vector<1x1xi32>
    %slice3A_171 = vector.extract_strided_slice %add3A_69 {offsets = [0, 0], sizes = [1, 1], strides = [1, 1]} : vector<2x1xi32> to vector<1x1xi32>
    %slice3A_172 = vector.extract_strided_slice %add3A_89 {offsets = [0, 0], sizes = [1, 1], strides = [1, 1]} : vector<2x1xi32> to vector<1x1xi32>
    %slice3A_173 = vector.extract_strided_slice %add3A_109 {offsets = [0, 0], sizes = [1, 1], strides = [1, 1]} : vector<2x1xi32> to vector<1x1xi32>
    %slice3A_174 = vector.extract_strided_slice %add3A_129 {offsets = [0, 0], sizes = [1, 1], strides = [1, 1]} : vector<2x1xi32> to vector<1x1xi32>
    %slice3A_175 = vector.extract_strided_slice %add3A_149 {offsets = [0, 0], sizes = [1, 1], strides = [1, 1]} : vector<2x1xi32> to vector<1x1xi32>
    %slice3A_176 = vector.extract_strided_slice %add3A_169 {offsets = [0, 0], sizes = [1, 1], strides = [1, 1]} : vector<2x1xi32> to vector<1x1xi32>
    %concatenate3A = tpu.concatenate %slice3A, %slice3A_170, %slice3A_171, %slice3A_172, %slice3A_173, %slice3A_174, %slice3A_175, %slice3A_176 in 1 : vector<1x1xi32>, vector<1x1xi32>, vector<1x1xi32>, vector<1x1xi32>, vector<1x1xi32>, vector<1x1xi32>, vector<1x1xi32>, vector<1x1xi32> -> vector<1x8xi32>
    %slice3A_177 = vector.extract_strided_slice %add3A {offsets = [1, 0], sizes = [1, 1], strides = [1, 1]} : vector<2x1xi32> to vector<1x1xi32>
    %slice3A_178 = vector.extract_strided_slice %add3A_49 {offsets = [1, 0], sizes = [1, 1], strides = [1, 1]} : vector<2x1xi32> to vector<1x1xi32>
    %slice3A_179 = vector.extract_strided_slice %add3A_69 {offsets = [1, 0], sizes = [1, 1], strides = [1, 1]} : vector<2x1xi32> to vector<1x1xi32>
    %slice3A_180 = vector.extract_strided_slice %add3A_89 {offsets = [1, 0], sizes = [1, 1], strides = [1, 1]} : vector<2x1xi32> to vector<1x1xi32>
    %slice3A_181 = vector.extract_strided_slice %add3A_109 {offsets = [1, 0], sizes = [1, 1], strides = [1, 1]} : vector<2x1xi32> to vector<1x1xi32>
    %slice3A_182 = vector.extract_strided_slice %add3A_129 {offsets = [1, 0], sizes = [1, 1], strides = [1, 1]} : vector<2x1xi32> to vector<1x1xi32>
    %slice3A_183 = vector.extract_strided_slice %add3A_149 {offsets = [1, 0], sizes = [1, 1], strides = [1, 1]} : vector<2x1xi32> to vector<1x1xi32>
    %slice3A_184 = vector.extract_strided_slice %add3A_169 {offsets = [1, 0], sizes = [1, 1], strides = [1, 1]} : vector<2x1xi32> to vector<1x1xi32>
    %concatenate3A_185 = tpu.concatenate %slice3A_177, %slice3A_178, %slice3A_179, %slice3A_180, %slice3A_181, %slice3A_182, %slice3A_183, %slice3A_184 in 1 : vector<1x1xi32>, vector<1x1xi32>, vector<1x1xi32>, vector<1x1xi32>, vector<1x1xi32>, vector<1x1xi32>, vector<1x1xi32>, vector<1x1xi32> -> vector<1x8xi32>
    %slice3A_186 = vector.extract_strided_slice %broadcast_in_dim3A_29 {offsets = [0, 0], sizes = [1, 1], strides = [1, 1]} : vector<2x1xi32> to vector<1x1xi32>
    %slice3A_187 = vector.extract_strided_slice %broadcast_in_dim3A_29 {offsets = [1, 0], sizes = [1, 1], strides = [1, 1]} : vector<2x1xi32> to vector<1x1xi32>
    %concatenate3A_188 = tpu.concatenate %slice3A_186, %slice3A_187 in 1 : vector<1x1xi32>, vector<1x1xi32> -> vector<1x2xi32>
    %concatenate3A_189 = tpu.concatenate %concatenate3A, %concatenate3A_185, %concatenate3A_188 in 1 : vector<1x8xi32>, vector<1x8xi32>, vector<1x2xi32> -> vector<1x18xi32>
    %swap3A_190 = arith.constant 0 : index
    %swap3A_191 = arith.constant 0 : index
    %swap3A_192 = vector.load %arg4[%swap3A_190, %swap3A_191] : memref<1x18xi32, #tpu.memory_space<vmem>>, vector<1x18xi32>
    tpu.vector_store %arg4[%swap3A_190, %swap3A_191], %concatenate3A_189 {strides = array<i32>} : memref<1x18xi32, #tpu.memory_space<vmem>>, vector<1x18xi32>,
    return
  }
}

module attributes {stable_mosaic.version = 14 : i64} {
  func.func @_kb_body(%arg0: i32, %arg1: memref<18xi32, #tpu.memory_space<smem>>, %arg2: memref<1568x1536xf32, #tpu.memory_space<vmem>>, %arg3: memref<1024x1536xf32, #tpu.memory_space<vmem>>, %arg4: memref<8x1536xf32, #tpu.memory_space<vmem>>, %arg5: memref<8x1536xf32, #tpu.memory_space<vmem>>, %arg6: memref<18x1024xf32, #tpu.memory_space<vmem>>, %arg7: memref<18x1536xf32, #tpu.memory_space<vmem>>, %arg8: memref<1x1024xf32, #tpu.memory_space<vmem>>) attributes {dimension_semantics = [#tpu.dimension_semantics<arbitrary>], iteration_bounds = array<i64: 16>, scalar_prefetch = 1 : i64, scratch_operands = 2 : i64, tpu.core_type = #tpu.core_type<tc>, window_params = [{pipeline_mode = #tpu.pipeline_mode<synchronous>, transform_indices = @transform_0, window_bounds = array<i64: 1568, 1536>}, {transform_indices = @transform_1, window_bounds = array<i64: 1024, 1536>}, {transform_indices = @transform_2, window_bounds = array<i64: 8, 1536>}, {transform_indices = @transform_3, window_bounds = array<i64: 8, 1536>}, {transform_indices = @transform_4, window_bounds = array<i64: 18, 1024>}]} {
    %eq3A = arith.constant 0 : i32
    %eq3A_0 = arith.cmpi eq, %arg0, %eq3A : i32
    %convert_element_type3A = arith.extui %eq3A_0 : i1 to i32
    %cond3A = arith.constant 0 : i32
    %cond3A_1 = arith.cmpi ne, %convert_element_type3A, %cond3A : i32
    scf.if %cond3A_1 {
      %get3A_25 = arith.constant 0 : index
      %get3A_26 = memref.load %arg1[%get3A_25] : memref<18xi32, #tpu.memory_space<smem>>
      %get3A_27 = arith.index_cast %get3A_26 : i32 to index
      %get3A_28 = arith.constant 0 : index
      %get3A_29 = vector.load %arg2[%get3A_27, %get3A_28] : memref<1568x1536xf32, #tpu.memory_space<vmem>>, vector<1x1536xf32>
      %swap3A_30 = arith.constant 0 : index
      %swap3A_31 = arith.constant 0 : index
      %swap3A_32 = vector.load %arg7[%swap3A_30, %swap3A_31] : memref<18x1536xf32, #tpu.memory_space<vmem>>, vector<1x1536xf32>
      tpu.vector_store %arg7[%swap3A_30, %swap3A_31], %get3A_29 {strides = array<i32>} : memref<18x1536xf32, #tpu.memory_space<vmem>>, vector<1x1536xf32>,
      %get3A_33 = arith.constant 1 : index
      %get3A_34 = memref.load %arg1[%get3A_33] : memref<18xi32, #tpu.memory_space<smem>>
      %get3A_35 = arith.index_cast %get3A_34 : i32 to index
      %get3A_36 = arith.constant 0 : index
      %get3A_37 = vector.load %arg2[%get3A_35, %get3A_36] : memref<1568x1536xf32, #tpu.memory_space<vmem>>, vector<1x1536xf32>
      %swap3A_38 = arith.constant 1 : index
      %swap3A_39 = arith.constant 0 : index
      %swap3A_40 = vector.load %arg7[%swap3A_38, %swap3A_39] : memref<18x1536xf32, #tpu.memory_space<vmem>>, vector<1x1536xf32>
      tpu.vector_store %arg7[%swap3A_38, %swap3A_39], %get3A_37 {strides = array<i32>} : memref<18x1536xf32, #tpu.memory_space<vmem>>, vector<1x1536xf32>,
      %get3A_41 = arith.constant 2 : index
      %get3A_42 = memref.load %arg1[%get3A_41] : memref<18xi32, #tpu.memory_space<smem>>
      %get3A_43 = arith.index_cast %get3A_42 : i32 to index
      %get3A_44 = arith.constant 0 : index
      %get3A_45 = vector.load %arg2[%get3A_43, %get3A_44] : memref<1568x1536xf32, #tpu.memory_space<vmem>>, vector<1x1536xf32>
      %swap3A_46 = arith.constant 2 : index
      %swap3A_47 = arith.constant 0 : index
      %swap3A_48 = vector.load %arg7[%swap3A_46, %swap3A_47] : memref<18x1536xf32, #tpu.memory_space<vmem>>, vector<1x1536xf32>
      tpu.vector_store %arg7[%swap3A_46, %swap3A_47], %get3A_45 {strides = array<i32>} : memref<18x1536xf32, #tpu.memory_space<vmem>>, vector<1x1536xf32>,
      %get3A_49 = arith.constant 3 : index
      %get3A_50 = memref.load %arg1[%get3A_49] : memref<18xi32, #tpu.memory_space<smem>>
      %get3A_51 = arith.index_cast %get3A_50 : i32 to index
      %get3A_52 = arith.constant 0 : index
      %get3A_53 = vector.load %arg2[%get3A_51, %get3A_52] : memref<1568x1536xf32, #tpu.memory_space<vmem>>, vector<1x1536xf32>
      %swap3A_54 = arith.constant 3 : index
      %swap3A_55 = arith.constant 0 : index
      %swap3A_56 = vector.load %arg7[%swap3A_54, %swap3A_55] : memref<18x1536xf32, #tpu.memory_space<vmem>>, vector<1x1536xf32>
      tpu.vector_store %arg7[%swap3A_54, %swap3A_55], %get3A_53 {strides = array<i32>} : memref<18x1536xf32, #tpu.memory_space<vmem>>, vector<1x1536xf32>,
      %get3A_57 = arith.constant 4 : index
      %get3A_58 = memref.load %arg1[%get3A_57] : memref<18xi32, #tpu.memory_space<smem>>
      %get3A_59 = arith.index_cast %get3A_58 : i32 to index
      %get3A_60 = arith.constant 0 : index
      %get3A_61 = vector.load %arg2[%get3A_59, %get3A_60] : memref<1568x1536xf32, #tpu.memory_space<vmem>>, vector<1x1536xf32>
      %swap3A_62 = arith.constant 4 : index
      %swap3A_63 = arith.constant 0 : index
      %swap3A_64 = vector.load %arg7[%swap3A_62, %swap3A_63] : memref<18x1536xf32, #tpu.memory_space<vmem>>, vector<1x1536xf32>
      tpu.vector_store %arg7[%swap3A_62, %swap3A_63], %get3A_61 {strides = array<i32>} : memref<18x1536xf32, #tpu.memory_space<vmem>>, vector<1x1536xf32>,
      %get3A_65 = arith.constant 5 : index
      %get3A_66 = memref.load %arg1[%get3A_65] : memref<18xi32, #tpu.memory_space<smem>>
      %get3A_67 = arith.index_cast %get3A_66 : i32 to index
      %get3A_68 = arith.constant 0 : index
      %get3A_69 = vector.load %arg2[%get3A_67, %get3A_68] : memref<1568x1536xf32, #tpu.memory_space<vmem>>, vector<1x1536xf32>
      %swap3A_70 = arith.constant 5 : index
      %swap3A_71 = arith.constant 0 : index
      %swap3A_72 = vector.load %arg7[%swap3A_70, %swap3A_71] : memref<18x1536xf32, #tpu.memory_space<vmem>>, vector<1x1536xf32>
      tpu.vector_store %arg7[%swap3A_70, %swap3A_71], %get3A_69 {strides = array<i32>} : memref<18x1536xf32, #tpu.memory_space<vmem>>, vector<1x1536xf32>,
      %get3A_73 = arith.constant 6 : index
      %get3A_74 = memref.load %arg1[%get3A_73] : memref<18xi32, #tpu.memory_space<smem>>
      %get3A_75 = arith.index_cast %get3A_74 : i32 to index
      %get3A_76 = arith.constant 0 : index
      %get3A_77 = vector.load %arg2[%get3A_75, %get3A_76] : memref<1568x1536xf32, #tpu.memory_space<vmem>>, vector<1x1536xf32>
      %swap3A_78 = arith.constant 6 : index
      %swap3A_79 = arith.constant 0 : index
      %swap3A_80 = vector.load %arg7[%swap3A_78, %swap3A_79] : memref<18x1536xf32, #tpu.memory_space<vmem>>, vector<1x1536xf32>
      tpu.vector_store %arg7[%swap3A_78, %swap3A_79], %get3A_77 {strides = array<i32>} : memref<18x1536xf32, #tpu.memory_space<vmem>>, vector<1x1536xf32>,
      %get3A_81 = arith.constant 7 : index
      %get3A_82 = memref.load %arg1[%get3A_81] : memref<18xi32, #tpu.memory_space<smem>>
      %get3A_83 = arith.index_cast %get3A_82 : i32 to index
      %get3A_84 = arith.constant 0 : index
      %get3A_85 = vector.load %arg2[%get3A_83, %get3A_84] : memref<1568x1536xf32, #tpu.memory_space<vmem>>, vector<1x1536xf32>
      %swap3A_86 = arith.constant 7 : index
      %swap3A_87 = arith.constant 0 : index
      %swap3A_88 = vector.load %arg7[%swap3A_86, %swap3A_87] : memref<18x1536xf32, #tpu.memory_space<vmem>>, vector<1x1536xf32>
      tpu.vector_store %arg7[%swap3A_86, %swap3A_87], %get3A_85 {strides = array<i32>} : memref<18x1536xf32, #tpu.memory_space<vmem>>, vector<1x1536xf32>,
      %get3A_89 = arith.constant 8 : index
      %get3A_90 = memref.load %arg1[%get3A_89] : memref<18xi32, #tpu.memory_space<smem>>
      %get3A_91 = arith.index_cast %get3A_90 : i32 to index
      %get3A_92 = arith.constant 0 : index
      %get3A_93 = vector.load %arg2[%get3A_91, %get3A_92] : memref<1568x1536xf32, #tpu.memory_space<vmem>>, vector<1x1536xf32>
      %swap3A_94 = arith.constant 8 : index
      %swap3A_95 = arith.constant 0 : index
      %swap3A_96 = vector.load %arg7[%swap3A_94, %swap3A_95] : memref<18x1536xf32, #tpu.memory_space<vmem>>, vector<1x1536xf32>
      tpu.vector_store %arg7[%swap3A_94, %swap3A_95], %get3A_93 {strides = array<i32>} : memref<18x1536xf32, #tpu.memory_space<vmem>>, vector<1x1536xf32>,
      %get3A_97 = arith.constant 9 : index
      %get3A_98 = memref.load %arg1[%get3A_97] : memref<18xi32, #tpu.memory_space<smem>>
      %get3A_99 = arith.index_cast %get3A_98 : i32 to index
      %get3A_100 = arith.constant 0 : index
      %get3A_101 = vector.load %arg2[%get3A_99, %get3A_100] : memref<1568x1536xf32, #tpu.memory_space<vmem>>, vector<1x1536xf32>
      %swap3A_102 = arith.constant 9 : index
      %swap3A_103 = arith.constant 0 : index
      %swap3A_104 = vector.load %arg7[%swap3A_102, %swap3A_103] : memref<18x1536xf32, #tpu.memory_space<vmem>>, vector<1x1536xf32>
      tpu.vector_store %arg7[%swap3A_102, %swap3A_103], %get3A_101 {strides = array<i32>} : memref<18x1536xf32, #tpu.memory_space<vmem>>, vector<1x1536xf32>,
      %get3A_105 = arith.constant 10 : index
      %get3A_106 = memref.load %arg1[%get3A_105] : memref<18xi32, #tpu.memory_space<smem>>
      %get3A_107 = arith.index_cast %get3A_106 : i32 to index
      %get3A_108 = arith.constant 0 : index
      %get3A_109 = vector.load %arg2[%get3A_107, %get3A_108] : memref<1568x1536xf32, #tpu.memory_space<vmem>>, vector<1x1536xf32>
      %swap3A_110 = arith.constant 10 : index
      %swap3A_111 = arith.constant 0 : index
      %swap3A_112 = vector.load %arg7[%swap3A_110, %swap3A_111] : memref<18x1536xf32, #tpu.memory_space<vmem>>, vector<1x1536xf32>
      tpu.vector_store %arg7[%swap3A_110, %swap3A_111], %get3A_109 {strides = array<i32>} : memref<18x1536xf32, #tpu.memory_space<vmem>>, vector<1x1536xf32>,
      %get3A_113 = arith.constant 11 : index
      %get3A_114 = memref.load %arg1[%get3A_113] : memref<18xi32, #tpu.memory_space<smem>>
      %get3A_115 = arith.index_cast %get3A_114 : i32 to index
      %get3A_116 = arith.constant 0 : index
      %get3A_117 = vector.load %arg2[%get3A_115, %get3A_116] : memref<1568x1536xf32, #tpu.memory_space<vmem>>, vector<1x1536xf32>
      %swap3A_118 = arith.constant 11 : index
      %swap3A_119 = arith.constant 0 : index
      %swap3A_120 = vector.load %arg7[%swap3A_118, %swap3A_119] : memref<18x1536xf32, #tpu.memory_space<vmem>>, vector<1x1536xf32>
      tpu.vector_store %arg7[%swap3A_118, %swap3A_119], %get3A_117 {strides = array<i32>} : memref<18x1536xf32, #tpu.memory_space<vmem>>, vector<1x1536xf32>,
      %get3A_121 = arith.constant 12 : index
      %get3A_122 = memref.load %arg1[%get3A_121] : memref<18xi32, #tpu.memory_space<smem>>
      %get3A_123 = arith.index_cast %get3A_122 : i32 to index
      %get3A_124 = arith.constant 0 : index
      %get3A_125 = vector.load %arg2[%get3A_123, %get3A_124] : memref<1568x1536xf32, #tpu.memory_space<vmem>>, vector<1x1536xf32>
      %swap3A_126 = arith.constant 12 : index
      %swap3A_127 = arith.constant 0 : index
      %swap3A_128 = vector.load %arg7[%swap3A_126, %swap3A_127] : memref<18x1536xf32, #tpu.memory_space<vmem>>, vector<1x1536xf32>
      tpu.vector_store %arg7[%swap3A_126, %swap3A_127], %get3A_125 {strides = array<i32>} : memref<18x1536xf32, #tpu.memory_space<vmem>>, vector<1x1536xf32>,
      %get3A_129 = arith.constant 13 : index
      %get3A_130 = memref.load %arg1[%get3A_129] : memref<18xi32, #tpu.memory_space<smem>>
      %get3A_131 = arith.index_cast %get3A_130 : i32 to index
      %get3A_132 = arith.constant 0 : index
      %get3A_133 = vector.load %arg2[%get3A_131, %get3A_132] : memref<1568x1536xf32, #tpu.memory_space<vmem>>, vector<1x1536xf32>
      %swap3A_134 = arith.constant 13 : index
      %swap3A_135 = arith.constant 0 : index
      %swap3A_136 = vector.load %arg7[%swap3A_134, %swap3A_135] : memref<18x1536xf32, #tpu.memory_space<vmem>>, vector<1x1536xf32>
      tpu.vector_store %arg7[%swap3A_134, %swap3A_135], %get3A_133 {strides = array<i32>} : memref<18x1536xf32, #tpu.memory_space<vmem>>, vector<1x1536xf32>,
      %get3A_137 = arith.constant 14 : index
      %get3A_138 = memref.load %arg1[%get3A_137] : memref<18xi32, #tpu.memory_space<smem>>
      %get3A_139 = arith.index_cast %get3A_138 : i32 to index
      %get3A_140 = arith.constant 0 : index
      %get3A_141 = vector.load %arg2[%get3A_139, %get3A_140] : memref<1568x1536xf32, #tpu.memory_space<vmem>>, vector<1x1536xf32>
      %swap3A_142 = arith.constant 14 : index
      %swap3A_143 = arith.constant 0 : index
      %swap3A_144 = vector.load %arg7[%swap3A_142, %swap3A_143] : memref<18x1536xf32, #tpu.memory_space<vmem>>, vector<1x1536xf32>
      tpu.vector_store %arg7[%swap3A_142, %swap3A_143], %get3A_141 {strides = array<i32>} : memref<18x1536xf32, #tpu.memory_space<vmem>>, vector<1x1536xf32>,
      %get3A_145 = arith.constant 15 : index
      %get3A_146 = memref.load %arg1[%get3A_145] : memref<18xi32, #tpu.memory_space<smem>>
      %get3A_147 = arith.index_cast %get3A_146 : i32 to index
      %get3A_148 = arith.constant 0 : index
      %get3A_149 = vector.load %arg2[%get3A_147, %get3A_148] : memref<1568x1536xf32, #tpu.memory_space<vmem>>, vector<1x1536xf32>
      %swap3A_150 = arith.constant 15 : index
      %swap3A_151 = arith.constant 0 : index
      %swap3A_152 = vector.load %arg7[%swap3A_150, %swap3A_151] : memref<18x1536xf32, #tpu.memory_space<vmem>>, vector<1x1536xf32>
      tpu.vector_store %arg7[%swap3A_150, %swap3A_151], %get3A_149 {strides = array<i32>} : memref<18x1536xf32, #tpu.memory_space<vmem>>, vector<1x1536xf32>,
      %get3A_153 = arith.constant 16 : index
      %get3A_154 = memref.load %arg1[%get3A_153] : memref<18xi32, #tpu.memory_space<smem>>
      %jit3A = arith.constant 8 : i32
      %eq3A_155 = arith.constant 0 : i32
      %eq3A_156 = arith.cmpi eq, %jit3A, %eq3A_155 : i32
      %jit3A_157 = arith.constant 1 : i32
      %select_n3A = arith.select %eq3A_156, %jit3A_157, %jit3A : i32
      %rem3A = arith.remsi %get3A_154, %select_n3A : i32
      %ne3A = arith.constant 0 : i32
      %ne3A_158 = arith.cmpi ne, %rem3A, %ne3A : i32
      %lt3A = arith.constant 0 : i32
      %lt3A_159 = arith.cmpi slt, %rem3A, %lt3A : i32
      %lt3A_160 = arith.constant 0 : i32
      %lt3A_161 = arith.cmpi slt, %select_n3A, %lt3A_160 : i32
      %ne3A_162 = arith.xori %lt3A_159, %lt3A_161 : i1
      %and3A = arith.andi %ne3A_162, %ne3A_158 : i1
      %add3A_163 = arith.addi %rem3A, %select_n3A : i32
      %select_n3A_164 = arith.select %and3A, %add3A_163, %rem3A : i32
      %get3A_165 = arith.index_cast %select_n3A_164 : i32 to index
      %get3A_166 = arith.constant 0 : index
      %get3A_167 = vector.load %arg4[%get3A_165, %get3A_166] : memref<8x1536xf32, #tpu.memory_space<vmem>>, vector<1x1536xf32>
      %swap3A_168 = arith.constant 16 : index
      %swap3A_169 = arith.constant 0 : index
      %swap3A_170 = vector.load %arg7[%swap3A_168, %swap3A_169] : memref<18x1536xf32, #tpu.memory_space<vmem>>, vector<1x1536xf32>
      tpu.vector_store %arg7[%swap3A_168, %swap3A_169], %get3A_167 {strides = array<i32>} : memref<18x1536xf32, #tpu.memory_space<vmem>>, vector<1x1536xf32>,
      %get3A_171 = arith.constant 17 : index
      %get3A_172 = memref.load %arg1[%get3A_171] : memref<18xi32, #tpu.memory_space<smem>>
      %jit3A_173 = arith.constant 8 : i32
      %eq3A_174 = arith.constant 0 : i32
      %eq3A_175 = arith.cmpi eq, %jit3A_173, %eq3A_174 : i32
      %jit3A_176 = arith.constant 1 : i32
      %select_n3A_177 = arith.select %eq3A_175, %jit3A_176, %jit3A_173 : i32
      %rem3A_178 = arith.remsi %get3A_172, %select_n3A_177 : i32
      %ne3A_179 = arith.constant 0 : i32
      %ne3A_180 = arith.cmpi ne, %rem3A_178, %ne3A_179 : i32
      %lt3A_181 = arith.constant 0 : i32
      %lt3A_182 = arith.cmpi slt, %rem3A_178, %lt3A_181 : i32
      %lt3A_183 = arith.constant 0 : i32
      %lt3A_184 = arith.cmpi slt, %select_n3A_177, %lt3A_183 : i32
      %ne3A_185 = arith.xori %lt3A_182, %lt3A_184 : i1
      %and3A_186 = arith.andi %ne3A_185, %ne3A_180 : i1
      %add3A_187 = arith.addi %rem3A_178, %select_n3A_177 : i32
      %select_n3A_188 = arith.select %and3A_186, %add3A_187, %rem3A_178 : i32
      %get3A_189 = arith.index_cast %select_n3A_188 : i32 to index
      %get3A_190 = arith.constant 0 : index
      %get3A_191 = vector.load %arg5[%get3A_189, %get3A_190] : memref<8x1536xf32, #tpu.memory_space<vmem>>, vector<1x1536xf32>
      %swap3A_192 = arith.constant 17 : index
      %swap3A_193 = arith.constant 0 : index
      %swap3A_194 = vector.load %arg7[%swap3A_192, %swap3A_193] : memref<18x1536xf32, #tpu.memory_space<vmem>>, vector<1x1536xf32>
      tpu.vector_store %arg7[%swap3A_192, %swap3A_193], %get3A_191 {strides = array<i32>} : memref<18x1536xf32, #tpu.memory_space<vmem>>, vector<1x1536xf32>,
    } else {
    }
    %scan3A = arith.constant 0 : i32
    %scan3A_2 = arith.constant 4 : i32
    %scan3A_3 = arith.addi %scan3A, %scan3A_2 : i32
    %scan3A_4 = arith.constant 1 : i32
    scf.for %scan3A_25 = %scan3A to %scan3A_3 step %scan3A_4  : i32 {
      %mul3A_26 = arith.constant 256 : i32
      %mul3A_27 = arith.muli %scan3A_25, %mul3A_26 : i32
      %get3A_28 = arith.index_cast %mul3A_27 : i32 to index
      %get3A_29 = arith.constant 0 : index
      %get3A_30 = vector.load %arg3[%get3A_28, %get3A_29] : memref<1024x1536xf32, #tpu.memory_space<vmem>>, vector<256x1536xf32>
      %broadcast_in_dim3A_31 = arith.constant 1.000000e+00 : f32
      %broadcast_in_dim3A_32 = vector.broadcast %broadcast_in_dim3A_31 : f32 to vector<1x1536xf32>
      %mul3A_33 = arith.mulf %get3A_30, %get3A_30 : vector<256x1536xf32>
      %dot_general3A_34 = arith.constant dense<0.000000e+00> : vector<1x256xf32>
      %dot_general3A_35 = tpu.matmul %broadcast_in_dim3A_32, %mul3A_33, %dot_general3A_34 {dimension_numbers = #tpu.dot_dimension_numbers<[1], [1], [0], [0], [0, 0, 1, 0], [], []>, transpose_lhs_hint = false} : vector<1x1536xf32>, vector<256x1536xf32>, vector<1x256xf32> -> vector<1x256xf32>
      %mul3A_36 = arith.constant 256 : i32
      %mul3A_37 = arith.muli %scan3A_25, %mul3A_36 : i32
      %swap3A_38 = arith.constant 0 : index
      %swap3A_39 = arith.index_cast %mul3A_37 : i32 to index
      %swap3A_40 = vector.load %arg8[%swap3A_38, %swap3A_39] : memref<1x1024xf32, #tpu.memory_space<vmem>>, vector<1x256xf32>
      tpu.vector_store %arg8[%swap3A_38, %swap3A_39], %dot_general3A_35 {strides = array<i32>} : memref<1x1024xf32, #tpu.memory_space<vmem>>, vector<1x256xf32>,
    }
    %scan3A_5 = arith.constant 4 : i32
    %get3A = arith.constant 0 : index
    %get3A_6 = arith.constant 0 : index
    %get3A_7 = vector.load %arg7[%get3A, %get3A_6] : memref<18x1536xf32, #tpu.memory_space<vmem>>, vector<18x1536xf32>
    %mul3A = arith.mulf %get3A_7, %get3A_7 : vector<18x1536xf32>
    %reduce_sum3A = arith.constant dense<0.000000e+00> : vector<18xf32>
    %reduce_sum3A_8 = vector.multi_reduction <add>, %mul3A, %reduce_sum3A [1] : vector<18x1536xf32> to vector<18xf32>
    %broadcast_in_dim3A = vector.shape_cast %reduce_sum3A_8 : vector<18xf32> to vector<18x1xf32>
    %get3A_9 = arith.constant 0 : index
    %get3A_10 = arith.constant 0 : index
    %get3A_11 = vector.load %arg3[%get3A_9, %get3A_10] : memref<1024x1536xf32, #tpu.memory_space<vmem>>, vector<1024x1536xf32>
    %dot_general3A = arith.constant dense<0.000000e+00> : vector<18x1024xf32>
    %dot_general3A_12 = tpu.matmul %get3A_7, %get3A_11, %dot_general3A {dimension_numbers = #tpu.dot_dimension_numbers<[1], [1], [0], [0], [0, 0, 1, 0], [], []>, transpose_lhs_hint = false} : vector<18x1536xf32>, vector<1024x1536xf32>, vector<18x1024xf32> -> vector<18x1024xf32>
    %get3A_13 = arith.constant 0 : index
    %get3A_14 = arith.constant 0 : index
    %get3A_15 = vector.load %arg8[%get3A_13, %get3A_14] : memref<1x1024xf32, #tpu.memory_space<vmem>>, vector<1x1024xf32>
    %add3A = vector.broadcast %broadcast_in_dim3A : vector<18x1xf32> to vector<18x1024xf32>
    %add3A_16 = vector.broadcast %get3A_15 : vector<1x1024xf32> to vector<18x1024xf32>
    %add3A_17 = arith.addf %add3A, %add3A_16 : vector<18x1024xf32>
    %mul3A_18 = arith.constant 2.000000e+00 : f32
    %mul3A_19 = vector.broadcast %mul3A_18 : f32 to vector<18x1024xf32>
    %mul3A_20 = arith.mulf %mul3A_19, %dot_general3A_12 : vector<18x1024xf32>
    %sub3A = arith.subf %add3A_17, %mul3A_20 : vector<18x1024xf32>
    %max3A = arith.constant 9.99999996E-13 : f32
    %max3A_21 = vector.broadcast %max3A : f32 to vector<18x1024xf32>
    %max3A_22 = arith.maximumf %sub3A, %max3A_21 : vector<18x1024xf32>
    %swap3A = arith.constant 0 : index
    %swap3A_23 = arith.constant 0 : index
    %swap3A_24 = vector.load %arg6[%swap3A, %swap3A_23] : memref<18x1024xf32, #tpu.memory_space<vmem>>, vector<18x1024xf32>
    tpu.vector_store %arg6[%swap3A, %swap3A_23], %max3A_22 {strides = array<i32>} : memref<18x1024xf32, #tpu.memory_space<vmem>>, vector<18x1024xf32>,
    return
  }
  func.func @transform_0(%arg0: i32, %arg1: memref<18xi32, #tpu.memory_space<smem>>) -> (i32, i32) {
    %c0_i32 = arith.constant 0 : i32
    %c0_i32_0 = arith.constant 0 : i32
    %c0_i32_1 = arith.constant 0 : i32
    return %c0_i32, %c0_i32_0 : i32, i32
  }
  func.func @transform_1(%arg0: i32, %arg1: memref<18xi32, #tpu.memory_space<smem>>) -> (i32, i32) {
    %c0_i32 = arith.constant 0 : i32
    %c0_i32_0 = arith.constant 0 : i32
    return %arg0, %c0_i32 : i32, i32
  }
  func.func @transform_2(%arg0: i32, %arg1: memref<18xi32, #tpu.memory_space<smem>>) -> (i32, i32) {
    %get3A = arith.constant 16 : index
    %get3A_0 = memref.load %arg1[%get3A] : memref<18xi32, #tpu.memory_space<smem>>
    %jit3A = arith.constant 8 : i32
    %div3A = arith.divsi %get3A_0, %jit3A : i32
    %sign3A = arith.constant 0 : i32
    %sign3A_1 = arith.cmpi sgt, %get3A_0, %sign3A : i32
    %sign3A_2 = arith.extui %sign3A_1 : i1 to i32
    %sign3A_3 = arith.constant 0 : i32
    %sign3A_4 = arith.cmpi slt, %get3A_0, %sign3A_3 : i32
    %sign3A_5 = arith.extui %sign3A_4 : i1 to i32
    %sign3A_6 = arith.subi %sign3A_2, %sign3A_5 : i32
    %sign3A_7 = arith.constant 0 : i32
    %sign3A_8 = arith.cmpi sgt, %jit3A, %sign3A_7 : i32
    %sign3A_9 = arith.extui %sign3A_8 : i1 to i32
    %sign3A_10 = arith.constant 0 : i32
    %sign3A_11 = arith.cmpi slt, %jit3A, %sign3A_10 : i32
    %sign3A_12 = arith.extui %sign3A_11 : i1 to i32
    %sign3A_13 = arith.subi %sign3A_9, %sign3A_12 : i32
    %ne3A = arith.cmpi ne, %sign3A_6, %sign3A_13 : i32
    %rem3A = arith.remsi %get3A_0, %jit3A : i32
    %ne3A_14 = arith.constant 0 : i32
    %ne3A_15 = arith.cmpi ne, %rem3A, %ne3A_14 : i32
    %and3A = arith.andi %ne3A, %ne3A_15 : i1
    %sub3A = arith.constant 1 : i32
    %sub3A_16 = arith.subi %div3A, %sub3A : i32
    %select_n3A = arith.select %and3A, %sub3A_16, %div3A : i32
    %c0_i32 = arith.constant 0 : i32
    %c0_i32_17 = arith.constant 0 : i32
    return %select_n3A, %c0_i32 : i32, i32
  }
  func.func @transform_3(%arg0: i32, %arg1: memref<18xi32, #tpu.memory_space<smem>>) -> (i32, i32) {
    %get3A = arith.constant 17 : index
    %get3A_0 = memref.load %arg1[%get3A] : memref<18xi32, #tpu.memory_space<smem>>
    %jit3A = arith.constant 8 : i32
    %div3A = arith.divsi %get3A_0, %jit3A : i32
    %sign3A = arith.constant 0 : i32
    %sign3A_1 = arith.cmpi sgt, %get3A_0, %sign3A : i32
    %sign3A_2 = arith.extui %sign3A_1 : i1 to i32
    %sign3A_3 = arith.constant 0 : i32
    %sign3A_4 = arith.cmpi slt, %get3A_0, %sign3A_3 : i32
    %sign3A_5 = arith.extui %sign3A_4 : i1 to i32
    %sign3A_6 = arith.subi %sign3A_2, %sign3A_5 : i32
    %sign3A_7 = arith.constant 0 : i32
    %sign3A_8 = arith.cmpi sgt, %jit3A, %sign3A_7 : i32
    %sign3A_9 = arith.extui %sign3A_8 : i1 to i32
    %sign3A_10 = arith.constant 0 : i32
    %sign3A_11 = arith.cmpi slt, %jit3A, %sign3A_10 : i32
    %sign3A_12 = arith.extui %sign3A_11 : i1 to i32
    %sign3A_13 = arith.subi %sign3A_9, %sign3A_12 : i32
    %ne3A = arith.cmpi ne, %sign3A_6, %sign3A_13 : i32
    %rem3A = arith.remsi %get3A_0, %jit3A : i32
    %ne3A_14 = arith.constant 0 : i32
    %ne3A_15 = arith.cmpi ne, %rem3A, %ne3A_14 : i32
    %and3A = arith.andi %ne3A, %ne3A_15 : i1
    %sub3A = arith.constant 1 : i32
    %sub3A_16 = arith.subi %div3A, %sub3A : i32
    %select_n3A = arith.select %and3A, %sub3A_16, %div3A : i32
    %c0_i32 = arith.constant 0 : i32
    %c0_i32_17 = arith.constant 0 : i32
    return %select_n3A, %c0_i32 : i32, i32
  }
  func.func @transform_4(%arg0: i32, %arg1: memref<18xi32, #tpu.memory_space<smem>>) -> (i32, i32) {
    %c0_i32 = arith.constant 0 : i32
    %c0_i32_0 = arith.constant 0 : i32
    return %c0_i32, %arg0 : i32, i32
  }
}

module attributes {stable_mosaic.version = 14 : i64} {
  func.func @_kbsel_body(%arg0: memref<18x16384xf32, #tpu.memory_space<vmem>>, %arg1: memref<18x1xi32, #tpu.memory_space<vmem>>, %arg2: memref<2x16384xf32, #tpu.memory_space<vmem>>, %arg3: memref<1x2xi32, #tpu.memory_space<vmem>>, %arg4: memref<2x1xf32, #tpu.memory_space<vmem>>, %arg5: memref<1x1xi32, #tpu.memory_space<vmem>>) attributes {dimension_semantics = [], scalar_prefetch = 0 : i64, scratch_operands = 0 : i64, tpu.core_type = #tpu.core_type<tc>} {
    %broadcast_in_dim3A = arith.constant 3.000000e+38 : f32
    %broadcast_in_dim3A_0 = vector.broadcast %broadcast_in_dim3A : f32 to vector<16x1xf32>
    %scan3A = arith.constant 0 : i32
    %scan3A_1 = arith.constant 8 : i32
    %scan3A_2 = arith.addi %scan3A, %scan3A_1 : i32
    %scan3A_3 = arith.constant 1 : i32
    %scan3A_4 = scf.for %scan3A_77 = %scan3A to %scan3A_2 step %scan3A_3 iter_args(%scan3A_78 = %broadcast_in_dim3A_0) -> (vector<16x1xf32>)  : i32 {
      %mul3A = arith.constant 2048 : i32
      %mul3A_79 = arith.muli %scan3A_77, %mul3A : i32
      %get3A_80 = arith.constant 0 : index
      %get3A_81 = arith.index_cast %mul3A_79 : i32 to index
      %get3A_82 = vector.load %arg0[%get3A_80, %get3A_81] : memref<18x16384xf32, #tpu.memory_space<vmem>>, vector<16x2048xf32>
      %reduce_min3A_83 = arith.constant dense<0x7F800000> : vector<16xf32>
      %reduce_min3A_84 = vector.multi_reduction <minimumf>, %get3A_82, %reduce_min3A_83 [1] : vector<16x2048xf32> to vector<16xf32>
      %broadcast_in_dim3A_85 = vector.shape_cast %reduce_min3A_84 : vector<16xf32> to vector<16x1xf32>
      %min3A = arith.minimumf %scan3A_78, %broadcast_in_dim3A_85 : vector<16x1xf32>
      scf.yield %min3A : vector<16x1xf32>
    }
    %scan3A_5 = arith.constant 8 : i32
    %slice3A = vector.extract_strided_slice %scan3A_4 {offsets = [0, 0], sizes = [8, 1], strides = [1, 1]} : vector<16x1xf32> to vector<8x1xf32>
    %get3A = arith.constant 0 : index
    %get3A_6 = arith.constant 0 : index
    %get3A_7 = vector.load %arg1[%get3A, %get3A_6] : memref<18x1xi32, #tpu.memory_space<vmem>>, vector<8x1xi32>
    %reduce_max3A = arith.constant dense<0xFF800000> : vector<1xf32>
    %reduce_max3A_8 = vector.multi_reduction <maximumf>, %slice3A, %reduce_max3A [0] : vector<8x1xf32> to vector<1xf32>
    %broadcast_in_dim3A_9 = vector.shape_cast %reduce_max3A_8 : vector<1xf32> to vector<1x1xf32>
    %eq3A = vector.broadcast %broadcast_in_dim3A_9 : vector<1x1xf32> to vector<8x1xf32>
    %eq3A_10 = arith.cmpf oeq, %slice3A, %eq3A : vector<8x1xf32>
    %jit3A = arith.constant 1073741824 : i32
    %broadcast_in_dim3A_11 = vector.broadcast %jit3A : i32 to vector<8x1xi32>
    %select_n3A = arith.select %eq3A_10, %get3A_7, %broadcast_in_dim3A_11 : vector<8x1xi1>, vector<8x1xi32>
    %reduce_min3A = arith.constant dense<2147483647> : vector<1xi32>
    %reduce_min3A_12 = vector.multi_reduction <minsi>, %select_n3A, %reduce_min3A [0] : vector<8x1xi32> to vector<1xi32>
    %broadcast_in_dim3A_13 = vector.shape_cast %reduce_min3A_12 : vector<1xi32> to vector<1x1xi32>
    %eq3A_14 = vector.broadcast %broadcast_in_dim3A_9 : vector<1x1xf32> to vector<8x1xf32>
    %eq3A_15 = arith.cmpf oeq, %slice3A, %eq3A_14 : vector<8x1xf32>
    %eq3A_16 = vector.broadcast %broadcast_in_dim3A_13 : vector<1x1xi32> to vector<8x1xi32>
    %eq3A_17 = arith.cmpi eq, %get3A_7, %eq3A_16 : vector<8x1xi32>
    %and3A = arith.andi %eq3A_15, %eq3A_17 : vector<8x1xi1>
    %sqrt3A = math.sqrt %broadcast_in_dim3A_9 : vector<1x1xf32>
    %broadcast_in_dim3A_18 = arith.constant 3.000000e+38 : f32
    %broadcast_in_dim3A_19 = vector.broadcast %broadcast_in_dim3A_18 : f32 to vector<1x1xf32>
    %broadcast_in_dim3A_20 = arith.constant 0 : i32
    %broadcast_in_dim3A_21 = vector.broadcast %broadcast_in_dim3A_20 : i32 to vector<1x1xi32>
    %scan3A_22 = arith.constant 0 : i32
    %scan3A_23 = arith.constant 8 : i32
    %scan3A_24 = arith.addi %scan3A_22, %scan3A_23 : i32
    %scan3A_25 = arith.constant 1 : i32
    %scan3A_26:2 = scf.for %scan3A_77 = %scan3A_22 to %scan3A_24 step %scan3A_25 iter_args(%scan3A_78 = %broadcast_in_dim3A_19, %scan3A_79 = %broadcast_in_dim3A_21) -> (vector<1x1xf32>, vector<1x1xi32>)  : i32 {
      %mul3A = arith.constant 2048 : i32
      %mul3A_80 = arith.muli %scan3A_77, %mul3A : i32
      %get3A_81 = arith.constant 0 : index
      %get3A_82 = arith.index_cast %mul3A_80 : i32 to index
      %get3A_83 = vector.load %arg0[%get3A_81, %get3A_82] : memref<18x16384xf32, #tpu.memory_space<vmem>>, vector<8x2048xf32>
      %jit3A_84 = arith.constant 3.000000e+38 : f32
      %broadcast_in_dim3A_85 = vector.shape_cast %and3A : vector<8x1xi1> to vector<8x1xi1>
      %broadcast_in_dim3A_86 = vector.broadcast %broadcast_in_dim3A_85 : vector<8x1xi1> to vector<8x2048xi1>
      %broadcast_in_dim3A_87 = vector.broadcast %jit3A_84 : f32 to vector<8x2048xf32>
      %select_n3A_88 = arith.select %broadcast_in_dim3A_86, %get3A_83, %broadcast_in_dim3A_87 : vector<8x2048xi1>, vector<8x2048xf32>
      %reduce_min3A_89 = arith.constant dense<0x7F800000> : vector<2048xf32>
      %reduce_min3A_90 = vector.multi_reduction <minimumf>, %select_n3A_88, %reduce_min3A_89 [0] : vector<8x2048xf32> to vector<2048xf32>
      %broadcast_in_dim3A_91 = vector.shape_cast %reduce_min3A_90 : vector<2048xf32> to vector<1x2048xf32>
      %sqrt3A_92 = math.sqrt %broadcast_in_dim3A_91 : vector<1x2048xf32>
      %mul3A_93 = arith.constant 2048 : i32
      %mul3A_94 = arith.muli %scan3A_77, %mul3A_93 : i32
      %swap3A_95 = arith.constant 0 : index
      %swap3A_96 = arith.index_cast %mul3A_94 : i32 to index
      %swap3A_97 = vector.load %arg2[%swap3A_95, %swap3A_96] : memref<2x16384xf32, #tpu.memory_space<vmem>>, vector<1x2048xf32>
      tpu.vector_store %arg2[%swap3A_95, %swap3A_96], %sqrt3A_92 {strides = array<i32>} : memref<2x16384xf32, #tpu.memory_space<vmem>>, vector<1x2048xf32>,
      %reduce_min3A_98 = arith.constant dense<0x7F800000> : vector<1xf32>
      %reduce_min3A_99 = vector.multi_reduction <minimumf>, %broadcast_in_dim3A_91, %reduce_min3A_98 [1] : vector<1x2048xf32> to vector<1xf32>
      %broadcast_in_dim3A_100 = vector.shape_cast %reduce_min3A_99 : vector<1xf32> to vector<1x1xf32>
      %iota3A = tpu.iota {dimensions = array<i32: 1>} : vector<1x2048xi32>
      %mul3A_101 = arith.constant 2048 : i32
      %mul3A_102 = arith.muli %scan3A_77, %mul3A_101 : i32
      %add3A = vector.broadcast %mul3A_102 : i32 to vector<1x2048xi32>
      %add3A_103 = arith.addi %iota3A, %add3A : vector<1x2048xi32>
      %eq3A_104 = vector.broadcast %broadcast_in_dim3A_100 : vector<1x1xf32> to vector<1x2048xf32>
      %eq3A_105 = arith.cmpf oeq, %broadcast_in_dim3A_91, %eq3A_104 : vector<1x2048xf32>
      %jit3A_106 = arith.constant 1073741824 : i32
      %broadcast_in_dim3A_107 = vector.broadcast %jit3A_106 : i32 to vector<1x2048xi32>
      %select_n3A_108 = arith.select %eq3A_105, %add3A_103, %broadcast_in_dim3A_107 : vector<1x2048xi1>, vector<1x2048xi32>
      %reduce_min3A_109 = arith.constant dense<2147483647> : vector<1xi32>
      %reduce_min3A_110 = vector.multi_reduction <minsi>, %select_n3A_108, %reduce_min3A_109 [1] : vector<1x2048xi32> to vector<1xi32>
      %broadcast_in_dim3A_111 = vector.shape_cast %reduce_min3A_110 : vector<1xi32> to vector<1x1xi32>
      %lt3A = arith.cmpf olt, %broadcast_in_dim3A_100, %scan3A_78 : vector<1x1xf32>
      %select_n3A_112 = arith.select %lt3A, %broadcast_in_dim3A_100, %scan3A_78 : vector<1x1xi1>, vector<1x1xf32>
      %select_n3A_113 = arith.select %lt3A, %broadcast_in_dim3A_111, %scan3A_79 : vector<1x1xi1>, vector<1x1xi32>
      scf.yield %select_n3A_112, %select_n3A_113 : vector<1x1xf32>, vector<1x1xi32>
    }
    %scan3A_27 = arith.constant 8 : i32
    %slice3A_28 = vector.extract_strided_slice %scan3A_4 {offsets = [8, 0], sizes = [8, 1], strides = [1, 1]} : vector<16x1xf32> to vector<8x1xf32>
    %get3A_29 = arith.constant 8 : index
    %get3A_30 = arith.constant 0 : index
    %get3A_31 = vector.load %arg1[%get3A_29, %get3A_30] : memref<18x1xi32, #tpu.memory_space<vmem>>, vector<8x1xi32>
    %reduce_max3A_32 = arith.constant dense<0xFF800000> : vector<1xf32>
    %reduce_max3A_33 = vector.multi_reduction <maximumf>, %slice3A_28, %reduce_max3A_32 [0] : vector<8x1xf32> to vector<1xf32>
    %broadcast_in_dim3A_34 = vector.shape_cast %reduce_max3A_33 : vector<1xf32> to vector<1x1xf32>
    %eq3A_35 = vector.broadcast %broadcast_in_dim3A_34 : vector<1x1xf32> to vector<8x1xf32>
    %eq3A_36 = arith.cmpf oeq, %slice3A_28, %eq3A_35 : vector<8x1xf32>
    %jit3A_37 = arith.constant 1073741824 : i32
    %broadcast_in_dim3A_38 = vector.broadcast %jit3A_37 : i32 to vector<8x1xi32>
    %select_n3A_39 = arith.select %eq3A_36, %get3A_31, %broadcast_in_dim3A_38 : vector<8x1xi1>, vector<8x1xi32>
    %reduce_min3A_40 = arith.constant dense<2147483647> : vector<1xi32>
    %reduce_min3A_41 = vector.multi_reduction <minsi>, %select_n3A_39, %reduce_min3A_40 [0] : vector<8x1xi32> to vector<1xi32>
    %broadcast_in_dim3A_42 = vector.shape_cast %reduce_min3A_41 : vector<1xi32> to vector<1x1xi32>
    %eq3A_43 = vector.broadcast %broadcast_in_dim3A_34 : vector<1x1xf32> to vector<8x1xf32>
    %eq3A_44 = arith.cmpf oeq, %slice3A_28, %eq3A_43 : vector<8x1xf32>
    %eq3A_45 = vector.broadcast %broadcast_in_dim3A_42 : vector<1x1xi32> to vector<8x1xi32>
    %eq3A_46 = arith.cmpi eq, %get3A_31, %eq3A_45 : vector<8x1xi32>
    %and3A_47 = arith.andi %eq3A_44, %eq3A_46 : vector<8x1xi1>
    %sqrt3A_48 = math.sqrt %broadcast_in_dim3A_34 : vector<1x1xf32>
    %broadcast_in_dim3A_49 = arith.constant 3.000000e+38 : f32
    %broadcast_in_dim3A_50 = vector.broadcast %broadcast_in_dim3A_49 : f32 to vector<1x1xf32>
    %broadcast_in_dim3A_51 = arith.constant 0 : i32
    %broadcast_in_dim3A_52 = vector.broadcast %broadcast_in_dim3A_51 : i32 to vector<1x1xi32>
    %scan3A_53 = arith.constant 0 : i32
    %scan3A_54 = arith.constant 8 : i32
    %scan3A_55 = arith.addi %scan3A_53, %scan3A_54 : i32
    %scan3A_56 = arith.constant 1 : i32
    %scan3A_57:2 = scf.for %scan3A_77 = %scan3A_53 to %scan3A_55 step %scan3A_56 iter_args(%scan3A_78 = %broadcast_in_dim3A_50, %scan3A_79 = %broadcast_in_dim3A_52) -> (vector<1x1xf32>, vector<1x1xi32>)  : i32 {
      %mul3A = arith.constant 2048 : i32
      %mul3A_80 = arith.muli %scan3A_77, %mul3A : i32
      %get3A_81 = arith.constant 8 : index
      %get3A_82 = arith.index_cast %mul3A_80 : i32 to index
      %get3A_83 = vector.load %arg0[%get3A_81, %get3A_82] : memref<18x16384xf32, #tpu.memory_space<vmem>>, vector<8x2048xf32>
      %jit3A_84 = arith.constant 3.000000e+38 : f32
      %broadcast_in_dim3A_85 = vector.shape_cast %and3A_47 : vector<8x1xi1> to vector<8x1xi1>
      %broadcast_in_dim3A_86 = vector.broadcast %broadcast_in_dim3A_85 : vector<8x1xi1> to vector<8x2048xi1>
      %broadcast_in_dim3A_87 = vector.broadcast %jit3A_84 : f32 to vector<8x2048xf32>
      %select_n3A_88 = arith.select %broadcast_in_dim3A_86, %get3A_83, %broadcast_in_dim3A_87 : vector<8x2048xi1>, vector<8x2048xf32>
      %reduce_min3A_89 = arith.constant dense<0x7F800000> : vector<2048xf32>
      %reduce_min3A_90 = vector.multi_reduction <minimumf>, %select_n3A_88, %reduce_min3A_89 [0] : vector<8x2048xf32> to vector<2048xf32>
      %broadcast_in_dim3A_91 = vector.shape_cast %reduce_min3A_90 : vector<2048xf32> to vector<1x2048xf32>
      %sqrt3A_92 = math.sqrt %broadcast_in_dim3A_91 : vector<1x2048xf32>
      %mul3A_93 = arith.constant 2048 : i32
      %mul3A_94 = arith.muli %scan3A_77, %mul3A_93 : i32
      %swap3A_95 = arith.constant 1 : index
      %swap3A_96 = arith.index_cast %mul3A_94 : i32 to index
      %swap3A_97 = vector.load %arg2[%swap3A_95, %swap3A_96] : memref<2x16384xf32, #tpu.memory_space<vmem>>, vector<1x2048xf32>
      tpu.vector_store %arg2[%swap3A_95, %swap3A_96], %sqrt3A_92 {strides = array<i32>} : memref<2x16384xf32, #tpu.memory_space<vmem>>, vector<1x2048xf32>,
      %reduce_min3A_98 = arith.constant dense<0x7F800000> : vector<1xf32>
      %reduce_min3A_99 = vector.multi_reduction <minimumf>, %broadcast_in_dim3A_91, %reduce_min3A_98 [1] : vector<1x2048xf32> to vector<1xf32>
      %broadcast_in_dim3A_100 = vector.shape_cast %reduce_min3A_99 : vector<1xf32> to vector<1x1xf32>
      %iota3A = tpu.iota {dimensions = array<i32: 1>} : vector<1x2048xi32>
      %mul3A_101 = arith.constant 2048 : i32
      %mul3A_102 = arith.muli %scan3A_77, %mul3A_101 : i32
      %add3A = vector.broadcast %mul3A_102 : i32 to vector<1x2048xi32>
      %add3A_103 = arith.addi %iota3A, %add3A : vector<1x2048xi32>
      %eq3A_104 = vector.broadcast %broadcast_in_dim3A_100 : vector<1x1xf32> to vector<1x2048xf32>
      %eq3A_105 = arith.cmpf oeq, %broadcast_in_dim3A_91, %eq3A_104 : vector<1x2048xf32>
      %jit3A_106 = arith.constant 1073741824 : i32
      %broadcast_in_dim3A_107 = vector.broadcast %jit3A_106 : i32 to vector<1x2048xi32>
      %select_n3A_108 = arith.select %eq3A_105, %add3A_103, %broadcast_in_dim3A_107 : vector<1x2048xi1>, vector<1x2048xi32>
      %reduce_min3A_109 = arith.constant dense<2147483647> : vector<1xi32>
      %reduce_min3A_110 = vector.multi_reduction <minsi>, %select_n3A_108, %reduce_min3A_109 [1] : vector<1x2048xi32> to vector<1xi32>
      %broadcast_in_dim3A_111 = vector.shape_cast %reduce_min3A_110 : vector<1xi32> to vector<1x1xi32>
      %lt3A = arith.cmpf olt, %broadcast_in_dim3A_100, %scan3A_78 : vector<1x1xf32>
      %select_n3A_112 = arith.select %lt3A, %broadcast_in_dim3A_100, %scan3A_78 : vector<1x1xi1>, vector<1x1xf32>
      %select_n3A_113 = arith.select %lt3A, %broadcast_in_dim3A_111, %scan3A_79 : vector<1x1xi1>, vector<1x1xi32>
      scf.yield %select_n3A_112, %select_n3A_113 : vector<1x1xf32>, vector<1x1xi32>
    }
    %scan3A_58 = arith.constant 8 : i32
    %concatenate3A = tpu.concatenate %scan3A_26#1, %scan3A_57#1 in 1 : vector<1x1xi32>, vector<1x1xi32> -> vector<1x2xi32>
    %swap3A = arith.constant 0 : index
    %swap3A_59 = arith.constant 0 : index
    %swap3A_60 = vector.load %arg3[%swap3A, %swap3A_59] : memref<1x2xi32, #tpu.memory_space<vmem>>, vector<1x2xi32>
    tpu.vector_store %arg3[%swap3A, %swap3A_59], %concatenate3A {strides = array<i32>} : memref<1x2xi32, #tpu.memory_space<vmem>>, vector<1x2xi32>,
    %concatenate3A_61 = tpu.concatenate %sqrt3A, %sqrt3A_48 in 0 : vector<1x1xf32>, vector<1x1xf32> -> vector<2x1xf32>
    %swap3A_62 = arith.constant 0 : index
    %swap3A_63 = arith.constant 0 : index
    %swap3A_64 = vector.load %arg4[%swap3A_62, %swap3A_63] : memref<2x1xf32, #tpu.memory_space<vmem>>, vector<2x1xf32>
    tpu.vector_store %arg4[%swap3A_62, %swap3A_63], %concatenate3A_61 {strides = array<i32>} : memref<2x1xf32, #tpu.memory_space<vmem>>, vector<2x1xf32>,
    %get3A_65 = arith.constant 16 : index
    %get3A_66 = arith.constant 0 : index
    %get3A_67 = vector.load %arg1[%get3A_65, %get3A_66] : memref<18x1xi32, #tpu.memory_space<vmem>>, vector<1x1xi32>
    %get3A_68 = arith.constant 17 : index
    %get3A_69 = arith.constant 0 : index
    %get3A_70 = vector.load %arg1[%get3A_68, %get3A_69] : memref<18x1xi32, #tpu.memory_space<vmem>>, vector<1x1xi32>
    %eq3A_71 = arith.cmpi eq, %scan3A_26#1, %get3A_67 : vector<1x1xi32>
    %eq3A_72 = arith.cmpi eq, %scan3A_57#1, %get3A_70 : vector<1x1xi32>
    %and3A_73 = arith.andi %eq3A_71, %eq3A_72 : vector<1x1xi1>
    %convert_element_type3A = arith.extui %and3A_73 : vector<1x1xi1> to vector<1x1xi32>
    %swap3A_74 = arith.constant 0 : index
    %swap3A_75 = arith.constant 0 : index
    %swap3A_76 = vector.load %arg5[%swap3A_74, %swap3A_75] : memref<1x1xi32, #tpu.memory_space<vmem>>, vector<1x1xi32>
    tpu.vector_store %arg5[%swap3A_74, %swap3A_75], %convert_element_type3A {strides = array<i32>} : memref<1x1xi32, #tpu.memory_space<vmem>>, vector<1x1xi32>,
    return
  }
}

module attributes {stable_mosaic.version = 14 : i64} {
  func.func @_kc_body(%arg0: i32, %arg1: memref<2xi32, #tpu.memory_space<smem>>, %arg2: memref<1024x1536xf32, #tpu.memory_space<vmem>>, %arg3: memref<8x1536xf32, #tpu.memory_space<vmem>>, %arg4: memref<8x1536xf32, #tpu.memory_space<vmem>>, %arg5: memref<2x1024xf32, #tpu.memory_space<vmem>>, %arg6: memref<1x1024xf32, #tpu.memory_space<vmem>>) attributes {dimension_semantics = [#tpu.dimension_semantics<arbitrary>], iteration_bounds = array<i64: 16>, scalar_prefetch = 1 : i64, scratch_operands = 1 : i64, tpu.core_type = #tpu.core_type<tc>, window_params = [{transform_indices = @transform_0, window_bounds = array<i64: 1024, 1536>}, {transform_indices = @transform_1, window_bounds = array<i64: 8, 1536>}, {transform_indices = @transform_2, window_bounds = array<i64: 8, 1536>}, {transform_indices = @transform_3, window_bounds = array<i64: 2, 1024>}]} {
    %scan3A = arith.constant 0 : i32
    %scan3A_0 = arith.constant 4 : i32
    %scan3A_1 = arith.addi %scan3A, %scan3A_0 : i32
    %scan3A_2 = arith.constant 1 : i32
    scf.for %scan3A_55 = %scan3A to %scan3A_1 step %scan3A_2  : i32 {
      %mul3A_56 = arith.constant 256 : i32
      %mul3A_57 = arith.muli %scan3A_55, %mul3A_56 : i32
      %get3A_58 = arith.index_cast %mul3A_57 : i32 to index
      %get3A_59 = arith.constant 0 : index
      %get3A_60 = vector.load %arg2[%get3A_58, %get3A_59] : memref<1024x1536xf32, #tpu.memory_space<vmem>>, vector<256x1536xf32>
      %broadcast_in_dim3A_61 = arith.constant 1.000000e+00 : f32
      %broadcast_in_dim3A_62 = vector.broadcast %broadcast_in_dim3A_61 : f32 to vector<1x1536xf32>
      %mul3A_63 = arith.mulf %get3A_60, %get3A_60 : vector<256x1536xf32>
      %dot_general3A_64 = arith.constant dense<0.000000e+00> : vector<1x256xf32>
      %dot_general3A_65 = tpu.matmul %broadcast_in_dim3A_62, %mul3A_63, %dot_general3A_64 {dimension_numbers = #tpu.dot_dimension_numbers<[1], [1], [0], [0], [0, 0, 1, 0], [], []>, transpose_lhs_hint = false} : vector<1x1536xf32>, vector<256x1536xf32>, vector<1x256xf32> -> vector<1x256xf32>
      %mul3A_66 = arith.constant 256 : i32
      %mul3A_67 = arith.muli %scan3A_55, %mul3A_66 : i32
      %swap3A_68 = arith.constant 0 : index
      %swap3A_69 = arith.index_cast %mul3A_67 : i32 to index
      %swap3A_70 = vector.load %arg6[%swap3A_68, %swap3A_69] : memref<1x1024xf32, #tpu.memory_space<vmem>>, vector<1x256xf32>
      tpu.vector_store %arg6[%swap3A_68, %swap3A_69], %dot_general3A_65 {strides = array<i32>} : memref<1x1024xf32, #tpu.memory_space<vmem>>, vector<1x256xf32>,
    }
    %scan3A_3 = arith.constant 4 : i32
    %get3A = arith.constant 0 : index
    %get3A_4 = memref.load %arg1[%get3A] : memref<2xi32, #tpu.memory_space<smem>>
    %jit3A = arith.constant 8 : i32
    %eq3A = arith.constant 0 : i32
    %eq3A_5 = arith.cmpi eq, %jit3A, %eq3A : i32
    %jit3A_6 = arith.constant 1 : i32
    %select_n3A = arith.select %eq3A_5, %jit3A_6, %jit3A : i32
    %rem3A = arith.remsi %get3A_4, %select_n3A : i32
    %ne3A = arith.constant 0 : i32
    %ne3A_7 = arith.cmpi ne, %rem3A, %ne3A : i32
    %lt3A = arith.constant 0 : i32
    %lt3A_8 = arith.cmpi slt, %rem3A, %lt3A : i32
    %lt3A_9 = arith.constant 0 : i32
    %lt3A_10 = arith.cmpi slt, %select_n3A, %lt3A_9 : i32
    %ne3A_11 = arith.xori %lt3A_8, %lt3A_10 : i1
    %and3A = arith.andi %ne3A_11, %ne3A_7 : i1
    %add3A = arith.addi %rem3A, %select_n3A : i32
    %select_n3A_12 = arith.select %and3A, %add3A, %rem3A : i32
    %get3A_13 = arith.index_cast %select_n3A_12 : i32 to index
    %get3A_14 = arith.constant 0 : index
    %get3A_15 = vector.load %arg3[%get3A_13, %get3A_14] : memref<8x1536xf32, #tpu.memory_space<vmem>>, vector<1x1536xf32>
    %get3A_16 = arith.constant 1 : index
    %get3A_17 = memref.load %arg1[%get3A_16] : memref<2xi32, #tpu.memory_space<smem>>
    %jit3A_18 = arith.constant 8 : i32
    %eq3A_19 = arith.constant 0 : i32
    %eq3A_20 = arith.cmpi eq, %jit3A_18, %eq3A_19 : i32
    %jit3A_21 = arith.constant 1 : i32
    %select_n3A_22 = arith.select %eq3A_20, %jit3A_21, %jit3A_18 : i32
    %rem3A_23 = arith.remsi %get3A_17, %select_n3A_22 : i32
    %ne3A_24 = arith.constant 0 : i32
    %ne3A_25 = arith.cmpi ne, %rem3A_23, %ne3A_24 : i32
    %lt3A_26 = arith.constant 0 : i32
    %lt3A_27 = arith.cmpi slt, %rem3A_23, %lt3A_26 : i32
    %lt3A_28 = arith.constant 0 : i32
    %lt3A_29 = arith.cmpi slt, %select_n3A_22, %lt3A_28 : i32
    %ne3A_30 = arith.xori %lt3A_27, %lt3A_29 : i1
    %and3A_31 = arith.andi %ne3A_30, %ne3A_25 : i1
    %add3A_32 = arith.addi %rem3A_23, %select_n3A_22 : i32
    %select_n3A_33 = arith.select %and3A_31, %add3A_32, %rem3A_23 : i32
    %get3A_34 = arith.index_cast %select_n3A_33 : i32 to index
    %get3A_35 = arith.constant 0 : index
    %get3A_36 = vector.load %arg4[%get3A_34, %get3A_35] : memref<8x1536xf32, #tpu.memory_space<vmem>>, vector<1x1536xf32>
    %concatenate3A = tpu.concatenate %get3A_15, %get3A_36 in 0 : vector<1x1536xf32>, vector<1x1536xf32> -> vector<2x1536xf32>
    %mul3A = arith.mulf %concatenate3A, %concatenate3A : vector<2x1536xf32>
    %reduce_sum3A = arith.constant dense<0.000000e+00> : vector<2xf32>
    %reduce_sum3A_37 = vector.multi_reduction <add>, %mul3A, %reduce_sum3A [1] : vector<2x1536xf32> to vector<2xf32>
    %broadcast_in_dim3A = vector.shape_cast %reduce_sum3A_37 : vector<2xf32> to vector<2x1xf32>
    %get3A_38 = arith.constant 0 : index
    %get3A_39 = arith.constant 0 : index
    %get3A_40 = vector.load %arg2[%get3A_38, %get3A_39] : memref<1024x1536xf32, #tpu.memory_space<vmem>>, vector<1024x1536xf32>
    %dot_general3A = arith.constant dense<0.000000e+00> : vector<2x1024xf32>
    %dot_general3A_41 = tpu.matmul %concatenate3A, %get3A_40, %dot_general3A {dimension_numbers = #tpu.dot_dimension_numbers<[1], [1], [0], [0], [0, 0, 1, 0], [], []>, transpose_lhs_hint = false} : vector<2x1536xf32>, vector<1024x1536xf32>, vector<2x1024xf32> -> vector<2x1024xf32>
    %get3A_42 = arith.constant 0 : index
    %get3A_43 = arith.constant 0 : index
    %get3A_44 = vector.load %arg6[%get3A_42, %get3A_43] : memref<1x1024xf32, #tpu.memory_space<vmem>>, vector<1x1024xf32>
    %add3A_45 = vector.broadcast %broadcast_in_dim3A : vector<2x1xf32> to vector<2x1024xf32>
    %add3A_46 = vector.broadcast %get3A_44 : vector<1x1024xf32> to vector<2x1024xf32>
    %add3A_47 = arith.addf %add3A_45, %add3A_46 : vector<2x1024xf32>
    %mul3A_48 = arith.constant 2.000000e+00 : f32
    %mul3A_49 = vector.broadcast %mul3A_48 : f32 to vector<2x1024xf32>
    %mul3A_50 = arith.mulf %mul3A_49, %dot_general3A_41 : vector<2x1024xf32>
    %sub3A = arith.subf %add3A_47, %mul3A_50 : vector<2x1024xf32>
    %max3A = arith.constant 9.99999996E-13 : f32
    %max3A_51 = vector.broadcast %max3A : f32 to vector<2x1024xf32>
    %max3A_52 = arith.maximumf %sub3A, %max3A_51 : vector<2x1024xf32>
    %swap3A = arith.constant 0 : index
    %swap3A_53 = arith.constant 0 : index
    %swap3A_54 = vector.load %arg5[%swap3A, %swap3A_53] : memref<2x1024xf32, #tpu.memory_space<vmem>>, vector<2x1024xf32>
    tpu.vector_store %arg5[%swap3A, %swap3A_53], %max3A_52 {strides = array<i32>} : memref<2x1024xf32, #tpu.memory_space<vmem>>, vector<2x1024xf32>,
    return
  }
  func.func @transform_0(%arg0: i32, %arg1: memref<2xi32, #tpu.memory_space<smem>>) -> (i32, i32) {
    %c0_i32 = arith.constant 0 : i32
    %c0_i32_0 = arith.constant 0 : i32
    return %arg0, %c0_i32 : i32, i32
  }
  func.func @transform_1(%arg0: i32, %arg1: memref<2xi32, #tpu.memory_space<smem>>) -> (i32, i32) {
    %get3A = arith.constant 0 : index
    %get3A_0 = memref.load %arg1[%get3A] : memref<2xi32, #tpu.memory_space<smem>>
    %jit3A = arith.constant 8 : i32
    %div3A = arith.divsi %get3A_0, %jit3A : i32
    %sign3A = arith.constant 0 : i32
    %sign3A_1 = arith.cmpi sgt, %get3A_0, %sign3A : i32
    %sign3A_2 = arith.extui %sign3A_1 : i1 to i32
    %sign3A_3 = arith.constant 0 : i32
    %sign3A_4 = arith.cmpi slt, %get3A_0, %sign3A_3 : i32
    %sign3A_5 = arith.extui %sign3A_4 : i1 to i32
    %sign3A_6 = arith.subi %sign3A_2, %sign3A_5 : i32
    %sign3A_7 = arith.constant 0 : i32
    %sign3A_8 = arith.cmpi sgt, %jit3A, %sign3A_7 : i32
    %sign3A_9 = arith.extui %sign3A_8 : i1 to i32
    %sign3A_10 = arith.constant 0 : i32
    %sign3A_11 = arith.cmpi slt, %jit3A, %sign3A_10 : i32
    %sign3A_12 = arith.extui %sign3A_11 : i1 to i32
    %sign3A_13 = arith.subi %sign3A_9, %sign3A_12 : i32
    %ne3A = arith.cmpi ne, %sign3A_6, %sign3A_13 : i32
    %rem3A = arith.remsi %get3A_0, %jit3A : i32
    %ne3A_14 = arith.constant 0 : i32
    %ne3A_15 = arith.cmpi ne, %rem3A, %ne3A_14 : i32
    %and3A = arith.andi %ne3A, %ne3A_15 : i1
    %sub3A = arith.constant 1 : i32
    %sub3A_16 = arith.subi %div3A, %sub3A : i32
    %select_n3A = arith.select %and3A, %sub3A_16, %div3A : i32
    %c0_i32 = arith.constant 0 : i32
    %c0_i32_17 = arith.constant 0 : i32
    return %select_n3A, %c0_i32 : i32, i32
  }
  func.func @transform_2(%arg0: i32, %arg1: memref<2xi32, #tpu.memory_space<smem>>) -> (i32, i32) {
    %get3A = arith.constant 1 : index
    %get3A_0 = memref.load %arg1[%get3A] : memref<2xi32, #tpu.memory_space<smem>>
    %jit3A = arith.constant 8 : i32
    %div3A = arith.divsi %get3A_0, %jit3A : i32
    %sign3A = arith.constant 0 : i32
    %sign3A_1 = arith.cmpi sgt, %get3A_0, %sign3A : i32
    %sign3A_2 = arith.extui %sign3A_1 : i1 to i32
    %sign3A_3 = arith.constant 0 : i32
    %sign3A_4 = arith.cmpi slt, %get3A_0, %sign3A_3 : i32
    %sign3A_5 = arith.extui %sign3A_4 : i1 to i32
    %sign3A_6 = arith.subi %sign3A_2, %sign3A_5 : i32
    %sign3A_7 = arith.constant 0 : i32
    %sign3A_8 = arith.cmpi sgt, %jit3A, %sign3A_7 : i32
    %sign3A_9 = arith.extui %sign3A_8 : i1 to i32
    %sign3A_10 = arith.constant 0 : i32
    %sign3A_11 = arith.cmpi slt, %jit3A, %sign3A_10 : i32
    %sign3A_12 = arith.extui %sign3A_11 : i1 to i32
    %sign3A_13 = arith.subi %sign3A_9, %sign3A_12 : i32
    %ne3A = arith.cmpi ne, %sign3A_6, %sign3A_13 : i32
    %rem3A = arith.remsi %get3A_0, %jit3A : i32
    %ne3A_14 = arith.constant 0 : i32
    %ne3A_15 = arith.cmpi ne, %rem3A, %ne3A_14 : i32
    %and3A = arith.andi %ne3A, %ne3A_15 : i1
    %sub3A = arith.constant 1 : i32
    %sub3A_16 = arith.subi %div3A, %sub3A : i32
    %select_n3A = arith.select %and3A, %sub3A_16, %div3A : i32
    %c0_i32 = arith.constant 0 : i32
    %c0_i32_17 = arith.constant 0 : i32
    return %select_n3A, %c0_i32 : i32, i32
  }
  func.func @transform_3(%arg0: i32, %arg1: memref<2xi32, #tpu.memory_space<smem>>) -> (i32, i32) {
    %c0_i32 = arith.constant 0 : i32
    %c0_i32_0 = arith.constant 0 : i32
    return %c0_i32, %arg0 : i32, i32
  }
}

module attributes {stable_mosaic.version = 14 : i64} {
  func.func @_k3_body(%arg0: memref<2x28x28xf32, #tpu.memory_space<vmem>>, %arg1: memref<224x28xf32, #tpu.memory_space<vmem>>, %arg2: memref<2x1x224x224xf32, #tpu.memory_space<vmem>>) attributes {dimension_semantics = [], scalar_prefetch = 0 : i64, scratch_operands = 0 : i64, tpu.core_type = #tpu.core_type<tc>} {
    %get3A = arith.constant 0 : index
    %get3A_0 = arith.constant 0 : index
    %get3A_1 = vector.load %arg1[%get3A, %get3A_0] : memref<224x28xf32, #tpu.memory_space<vmem>>, vector<224x28xf32>
    %get3A_2 = arith.constant 0 : index
    %get3A_3 = arith.constant 0 : index
    %get3A_4 = arith.constant 0 : index
    %get3A_5 = vector.load %arg0[%get3A_2, %get3A_3, %get3A_4] : memref<2x28x28xf32, #tpu.memory_space<vmem>>, vector<1x28x28xf32>
    %get3A_6 = vector.shape_cast %get3A_5 : vector<1x28x28xf32> to vector<28x28xf32>
    %dot_general3A = arith.constant dense<0.000000e+00> : vector<224x28xf32>
    %dot_general3A_7 = tpu.matmul %get3A_1, %get3A_6, %dot_general3A {dimension_numbers = #tpu.dot_dimension_numbers<[1], [0], [0], [1], [0, 0, 1, 1], [], []>, transpose_lhs_hint = false} : vector<224x28xf32>, vector<28x28xf32>, vector<224x28xf32> -> vector<224x28xf32>
    %dot_general3A_8 = arith.constant dense<0.000000e+00> : vector<224x224xf32>
    %dot_general3A_9 = tpu.matmul %dot_general3A_7, %get3A_1, %dot_general3A_8 {dimension_numbers = #tpu.dot_dimension_numbers<[1], [1], [0], [0], [0, 0, 1, 0], [], []>, transpose_lhs_hint = false} : vector<224x28xf32>, vector<224x28xf32>, vector<224x224xf32> -> vector<224x224xf32>
    %swap3A = arith.constant 0 : index
    %swap3A_10 = arith.constant 0 : index
    %swap3A_11 = arith.constant 0 : index
    %swap3A_12 = arith.constant 0 : index
    %swap3A_13 = vector.load %arg2[%swap3A, %swap3A_10, %swap3A_11, %swap3A_12] : memref<2x1x224x224xf32, #tpu.memory_space<vmem>>, vector<1x1x224x224xf32>
    %swap3A_14 = vector.shape_cast %swap3A_13 : vector<1x1x224x224xf32> to vector<224x224xf32>
    %swap3A_15 = vector.shape_cast %dot_general3A_9 : vector<224x224xf32> to vector<1x1x224x224xf32>
    tpu.vector_store %arg2[%swap3A, %swap3A_10, %swap3A_11, %swap3A_12], %swap3A_15 {strides = array<i32>} : memref<2x1x224x224xf32, #tpu.memory_space<vmem>>, vector<1x1x224x224xf32>,
    %get3A_16 = arith.constant 1 : index
    %get3A_17 = arith.constant 0 : index
    %get3A_18 = arith.constant 0 : index
    %get3A_19 = vector.load %arg0[%get3A_16, %get3A_17, %get3A_18] : memref<2x28x28xf32, #tpu.memory_space<vmem>>, vector<1x28x28xf32>
    %get3A_20 = vector.shape_cast %get3A_19 : vector<1x28x28xf32> to vector<28x28xf32>
    %dot_general3A_21 = arith.constant dense<0.000000e+00> : vector<224x28xf32>
    %dot_general3A_22 = tpu.matmul %get3A_1, %get3A_20, %dot_general3A_21 {dimension_numbers = #tpu.dot_dimension_numbers<[1], [0], [0], [1], [0, 0, 1, 1], [], []>, transpose_lhs_hint = false} : vector<224x28xf32>, vector<28x28xf32>, vector<224x28xf32> -> vector<224x28xf32>
    %dot_general3A_23 = arith.constant dense<0.000000e+00> : vector<224x224xf32>
    %dot_general3A_24 = tpu.matmul %dot_general3A_22, %get3A_1, %dot_general3A_23 {dimension_numbers = #tpu.dot_dimension_numbers<[1], [1], [0], [0], [0, 0, 1, 0], [], []>, transpose_lhs_hint = false} : vector<224x28xf32>, vector<224x28xf32>, vector<224x224xf32> -> vector<224x224xf32>
    %swap3A_25 = arith.constant 1 : index
    %swap3A_26 = arith.constant 0 : index
    %swap3A_27 = arith.constant 0 : index
    %swap3A_28 = arith.constant 0 : index
    %swap3A_29 = vector.load %arg2[%swap3A_25, %swap3A_26, %swap3A_27, %swap3A_28] : memref<2x1x224x224xf32, #tpu.memory_space<vmem>>, vector<1x1x224x224xf32>
    %swap3A_30 = vector.shape_cast %swap3A_29 : vector<1x1x224x224xf32> to vector<224x224xf32>
    %swap3A_31 = vector.shape_cast %dot_general3A_24 : vector<224x224xf32> to vector<1x1x224x224xf32>
    tpu.vector_store %arg2[%swap3A_25, %swap3A_26, %swap3A_27, %swap3A_28], %swap3A_31 {strides = array<i32>} : memref<2x1x224x224xf32, #tpu.memory_space<vmem>>, vector<1x1x224x224xf32>,
    return
  }
}

module attributes {stable_mosaic.version = 14 : i64} {
  func.func @_k2c_body(%arg0: memref<32x144xf32, #tpu.memory_space<vmem>>, %arg1: memref<32x144xi32, #tpu.memory_space<vmem>>, %arg2: memref<2x16384xf32, #tpu.memory_space<vmem>>, %arg3: memref<2x1xf32, #tpu.memory_space<vmem>>, %arg4: memref<2x1xf32, #tpu.memory_space<vmem>>) attributes {dimension_semantics = [], scalar_prefetch = 0 : i64, scratch_operands = 0 : i64, tpu.core_type = #tpu.core_type<tc>} {
    %get3A = arith.constant 0 : index
    %get3A_0 = arith.constant 0 : index
    %get3A_1 = vector.load %arg0[%get3A, %get3A_0] : memref<32x144xf32, #tpu.memory_space<vmem>>, vector<16x144xf32>
    %get3A_2 = arith.constant 0 : index
    %get3A_3 = arith.constant 0 : index
    %get3A_4 = vector.load %arg1[%get3A_2, %get3A_3] : memref<32x144xi32, #tpu.memory_space<vmem>>, vector<16x144xi32>
    %sub3A = arith.constant 0 : i32
    %sub3A_5 = vector.broadcast %sub3A : i32 to vector<16x144xi32>
    %sub3A_6 = arith.subi %get3A_4, %sub3A_5 : vector<16x144xi32>
    %get3A_7 = arith.constant 0 : index
    %get3A_8 = arith.constant 0 : index
    %get3A_9 = vector.load %arg2[%get3A_7, %get3A_8] : memref<2x16384xf32, #tpu.memory_space<vmem>>, vector<1x16384xf32>
    %iota3A = tpu.iota {dimensions = array<i32: 1>} : vector<1x16384xi32>
    %reduce_min3A = vector.shape_cast %get3A_1 : vector<16x144xf32> to vector<1x16x144xf32>
    %reduce_min3A_10 = arith.constant dense<0x7F800000> : vector<1xf32>
    %reduce_min3A_11 = vector.multi_reduction <minimumf>, %reduce_min3A, %reduce_min3A_10 [1, 2] : vector<1x16x144xf32> to vector<1xf32>
    %reduce_min3A_12 = vector.shape_cast %reduce_min3A_11 : vector<1xf32> to vector<1x1x1xf32>
    %reduce_min3A_13 = vector.extract %reduce_min3A_12[0, 0, 0] : f32 from vector<1x1x1xf32>
    %eq3A = vector.broadcast %reduce_min3A_13 : f32 to vector<16x144xf32>
    %eq3A_14 = arith.cmpf oeq, %get3A_1, %eq3A : vector<16x144xf32>
    %jit3A = arith.constant 1073741824 : i32
    %broadcast_in_dim3A = vector.broadcast %jit3A : i32 to vector<16x144xi32>
    %select_n3A = arith.select %eq3A_14, %sub3A_6, %broadcast_in_dim3A : vector<16x144xi1>, vector<16x144xi32>
    %reduce_min3A_15 = vector.shape_cast %select_n3A : vector<16x144xi32> to vector<1x16x144xi32>
    %reduce_min3A_16 = arith.constant dense<2147483647> : vector<1xi32>
    %reduce_min3A_17 = vector.multi_reduction <minsi>, %reduce_min3A_15, %reduce_min3A_16 [1, 2] : vector<1x16x144xi32> to vector<1xi32>
    %reduce_min3A_18 = vector.shape_cast %reduce_min3A_17 : vector<1xi32> to vector<1x1x1xi32>
    %reduce_min3A_19 = vector.extract %reduce_min3A_18[0, 0, 0] : i32 from vector<1x1x1xi32>
    %eq3A_20 = vector.broadcast %reduce_min3A_13 : f32 to vector<16x144xf32>
    %eq3A_21 = arith.cmpf oeq, %get3A_1, %eq3A_20 : vector<16x144xf32>
    %eq3A_22 = vector.broadcast %reduce_min3A_19 : i32 to vector<16x144xi32>
    %eq3A_23 = arith.cmpi eq, %sub3A_6, %eq3A_22 : vector<16x144xi32>
    %and3A = arith.andi %eq3A_21, %eq3A_23 : vector<16x144xi1>
    %jit3A_24 = arith.constant 3.000000e+38 : f32
    %broadcast_in_dim3A_25 = vector.broadcast %jit3A_24 : f32 to vector<16x144xf32>
    %select_n3A_26 = arith.select %and3A, %broadcast_in_dim3A_25, %get3A_1 : vector<16x144xi1>, vector<16x144xf32>
    %eq3A_27 = vector.broadcast %reduce_min3A_19 : i32 to vector<1x16384xi32>
    %eq3A_28 = arith.cmpi eq, %iota3A, %eq3A_27 : vector<1x16384xi32>
    %jit3A_29 = arith.constant 0.000000e+00 : f32
    %broadcast_in_dim3A_30 = vector.broadcast %jit3A_29 : f32 to vector<1x16384xf32>
    %select_n3A_31 = arith.select %eq3A_28, %get3A_9, %broadcast_in_dim3A_30 : vector<1x16384xi1>, vector<1x16384xf32>
    %reduce_sum3A = arith.constant dense<0.000000e+00> : vector<1xf32>
    %reduce_sum3A_32 = vector.multi_reduction <add>, %select_n3A_31, %reduce_sum3A [1] : vector<1x16384xf32> to vector<1xf32>
    %broadcast_in_dim3A_33 = vector.shape_cast %reduce_sum3A_32 : vector<1xf32> to vector<1x1xf32>
    %reduce_min3A_34 = vector.shape_cast %select_n3A_26 : vector<16x144xf32> to vector<1x16x144xf32>
    %reduce_min3A_35 = arith.constant dense<0x7F800000> : vector<1xf32>
    %reduce_min3A_36 = vector.multi_reduction <minimumf>, %reduce_min3A_34, %reduce_min3A_35 [1, 2] : vector<1x16x144xf32> to vector<1xf32>
    %reduce_min3A_37 = vector.shape_cast %reduce_min3A_36 : vector<1xf32> to vector<1x1x1xf32>
    %reduce_min3A_38 = vector.extract %reduce_min3A_37[0, 0, 0] : f32 from vector<1x1x1xf32>
    %eq3A_39 = vector.broadcast %reduce_min3A_38 : f32 to vector<16x144xf32>
    %eq3A_40 = arith.cmpf oeq, %select_n3A_26, %eq3A_39 : vector<16x144xf32>
    %jit3A_41 = arith.constant 1073741824 : i32
    %broadcast_in_dim3A_42 = vector.broadcast %jit3A_41 : i32 to vector<16x144xi32>
    %select_n3A_43 = arith.select %eq3A_40, %sub3A_6, %broadcast_in_dim3A_42 : vector<16x144xi1>, vector<16x144xi32>
    %reduce_min3A_44 = vector.shape_cast %select_n3A_43 : vector<16x144xi32> to vector<1x16x144xi32>
    %reduce_min3A_45 = arith.constant dense<2147483647> : vector<1xi32>
    %reduce_min3A_46 = vector.multi_reduction <minsi>, %reduce_min3A_44, %reduce_min3A_45 [1, 2] : vector<1x16x144xi32> to vector<1xi32>
    %reduce_min3A_47 = vector.shape_cast %reduce_min3A_46 : vector<1xi32> to vector<1x1x1xi32>
    %reduce_min3A_48 = vector.extract %reduce_min3A_47[0, 0, 0] : i32 from vector<1x1x1xi32>
    %eq3A_49 = vector.broadcast %reduce_min3A_38 : f32 to vector<16x144xf32>
    %eq3A_50 = arith.cmpf oeq, %select_n3A_26, %eq3A_49 : vector<16x144xf32>
    %eq3A_51 = vector.broadcast %reduce_min3A_48 : i32 to vector<16x144xi32>
    %eq3A_52 = arith.cmpi eq, %sub3A_6, %eq3A_51 : vector<16x144xi32>
    %and3A_53 = arith.andi %eq3A_50, %eq3A_52 : vector<16x144xi1>
    %jit3A_54 = arith.constant 3.000000e+38 : f32
    %broadcast_in_dim3A_55 = vector.broadcast %jit3A_54 : f32 to vector<16x144xf32>
    %select_n3A_56 = arith.select %and3A_53, %broadcast_in_dim3A_55, %select_n3A_26 : vector<16x144xi1>, vector<16x144xf32>
    %eq3A_57 = vector.broadcast %reduce_min3A_48 : i32 to vector<1x16384xi32>
    %eq3A_58 = arith.cmpi eq, %iota3A, %eq3A_57 : vector<1x16384xi32>
    %jit3A_59 = arith.constant 0.000000e+00 : f32
    %broadcast_in_dim3A_60 = vector.broadcast %jit3A_59 : f32 to vector<1x16384xf32>
    %select_n3A_61 = arith.select %eq3A_58, %get3A_9, %broadcast_in_dim3A_60 : vector<1x16384xi1>, vector<1x16384xf32>
    %reduce_sum3A_62 = arith.constant dense<0.000000e+00> : vector<1xf32>
    %reduce_sum3A_63 = vector.multi_reduction <add>, %select_n3A_61, %reduce_sum3A_62 [1] : vector<1x16384xf32> to vector<1xf32>
    %broadcast_in_dim3A_64 = vector.shape_cast %reduce_sum3A_63 : vector<1xf32> to vector<1x1xf32>
    %reduce_min3A_65 = vector.shape_cast %select_n3A_56 : vector<16x144xf32> to vector<1x16x144xf32>
    %reduce_min3A_66 = arith.constant dense<0x7F800000> : vector<1xf32>
    %reduce_min3A_67 = vector.multi_reduction <minimumf>, %reduce_min3A_65, %reduce_min3A_66 [1, 2] : vector<1x16x144xf32> to vector<1xf32>
    %reduce_min3A_68 = vector.shape_cast %reduce_min3A_67 : vector<1xf32> to vector<1x1x1xf32>
    %reduce_min3A_69 = vector.extract %reduce_min3A_68[0, 0, 0] : f32 from vector<1x1x1xf32>
    %eq3A_70 = vector.broadcast %reduce_min3A_69 : f32 to vector<16x144xf32>
    %eq3A_71 = arith.cmpf oeq, %select_n3A_56, %eq3A_70 : vector<16x144xf32>
    %jit3A_72 = arith.constant 1073741824 : i32
    %broadcast_in_dim3A_73 = vector.broadcast %jit3A_72 : i32 to vector<16x144xi32>
    %select_n3A_74 = arith.select %eq3A_71, %sub3A_6, %broadcast_in_dim3A_73 : vector<16x144xi1>, vector<16x144xi32>
    %reduce_min3A_75 = vector.shape_cast %select_n3A_74 : vector<16x144xi32> to vector<1x16x144xi32>
    %reduce_min3A_76 = arith.constant dense<2147483647> : vector<1xi32>
    %reduce_min3A_77 = vector.multi_reduction <minsi>, %reduce_min3A_75, %reduce_min3A_76 [1, 2] : vector<1x16x144xi32> to vector<1xi32>
    %reduce_min3A_78 = vector.shape_cast %reduce_min3A_77 : vector<1xi32> to vector<1x1x1xi32>
    %reduce_min3A_79 = vector.extract %reduce_min3A_78[0, 0, 0] : i32 from vector<1x1x1xi32>
    %eq3A_80 = vector.broadcast %reduce_min3A_69 : f32 to vector<16x144xf32>
    %eq3A_81 = arith.cmpf oeq, %select_n3A_56, %eq3A_80 : vector<16x144xf32>
    %eq3A_82 = vector.broadcast %reduce_min3A_79 : i32 to vector<16x144xi32>
    %eq3A_83 = arith.cmpi eq, %sub3A_6, %eq3A_82 : vector<16x144xi32>
    %and3A_84 = arith.andi %eq3A_81, %eq3A_83 : vector<16x144xi1>
    %jit3A_85 = arith.constant 3.000000e+38 : f32
    %broadcast_in_dim3A_86 = vector.broadcast %jit3A_85 : f32 to vector<16x144xf32>
    %select_n3A_87 = arith.select %and3A_84, %broadcast_in_dim3A_86, %select_n3A_56 : vector<16x144xi1>, vector<16x144xf32>
    %eq3A_88 = vector.broadcast %reduce_min3A_79 : i32 to vector<1x16384xi32>
    %eq3A_89 = arith.cmpi eq, %iota3A, %eq3A_88 : vector<1x16384xi32>
    %jit3A_90 = arith.constant 0.000000e+00 : f32
    %broadcast_in_dim3A_91 = vector.broadcast %jit3A_90 : f32 to vector<1x16384xf32>
    %select_n3A_92 = arith.select %eq3A_89, %get3A_9, %broadcast_in_dim3A_91 : vector<1x16384xi1>, vector<1x16384xf32>
    %reduce_sum3A_93 = arith.constant dense<0.000000e+00> : vector<1xf32>
    %reduce_sum3A_94 = vector.multi_reduction <add>, %select_n3A_92, %reduce_sum3A_93 [1] : vector<1x16384xf32> to vector<1xf32>
    %broadcast_in_dim3A_95 = vector.shape_cast %reduce_sum3A_94 : vector<1xf32> to vector<1x1xf32>
    %reduce_min3A_96 = vector.shape_cast %select_n3A_87 : vector<16x144xf32> to vector<1x16x144xf32>
    %reduce_min3A_97 = arith.constant dense<0x7F800000> : vector<1xf32>
    %reduce_min3A_98 = vector.multi_reduction <minimumf>, %reduce_min3A_96, %reduce_min3A_97 [1, 2] : vector<1x16x144xf32> to vector<1xf32>
    %reduce_min3A_99 = vector.shape_cast %reduce_min3A_98 : vector<1xf32> to vector<1x1x1xf32>
    %reduce_min3A_100 = vector.extract %reduce_min3A_99[0, 0, 0] : f32 from vector<1x1x1xf32>
    %eq3A_101 = vector.broadcast %reduce_min3A_100 : f32 to vector<16x144xf32>
    %eq3A_102 = arith.cmpf oeq, %select_n3A_87, %eq3A_101 : vector<16x144xf32>
    %jit3A_103 = arith.constant 1073741824 : i32
    %broadcast_in_dim3A_104 = vector.broadcast %jit3A_103 : i32 to vector<16x144xi32>
    %select_n3A_105 = arith.select %eq3A_102, %sub3A_6, %broadcast_in_dim3A_104 : vector<16x144xi1>, vector<16x144xi32>
    %reduce_min3A_106 = vector.shape_cast %select_n3A_105 : vector<16x144xi32> to vector<1x16x144xi32>
    %reduce_min3A_107 = arith.constant dense<2147483647> : vector<1xi32>
    %reduce_min3A_108 = vector.multi_reduction <minsi>, %reduce_min3A_106, %reduce_min3A_107 [1, 2] : vector<1x16x144xi32> to vector<1xi32>
    %reduce_min3A_109 = vector.shape_cast %reduce_min3A_108 : vector<1xi32> to vector<1x1x1xi32>
    %reduce_min3A_110 = vector.extract %reduce_min3A_109[0, 0, 0] : i32 from vector<1x1x1xi32>
    %eq3A_111 = vector.broadcast %reduce_min3A_100 : f32 to vector<16x144xf32>
    %eq3A_112 = arith.cmpf oeq, %select_n3A_87, %eq3A_111 : vector<16x144xf32>
    %eq3A_113 = vector.broadcast %reduce_min3A_110 : i32 to vector<16x144xi32>
    %eq3A_114 = arith.cmpi eq, %sub3A_6, %eq3A_113 : vector<16x144xi32>
    %and3A_115 = arith.andi %eq3A_112, %eq3A_114 : vector<16x144xi1>
    %jit3A_116 = arith.constant 3.000000e+38 : f32
    %broadcast_in_dim3A_117 = vector.broadcast %jit3A_116 : f32 to vector<16x144xf32>
    %select_n3A_118 = arith.select %and3A_115, %broadcast_in_dim3A_117, %select_n3A_87 : vector<16x144xi1>, vector<16x144xf32>
    %eq3A_119 = vector.broadcast %reduce_min3A_110 : i32 to vector<1x16384xi32>
    %eq3A_120 = arith.cmpi eq, %iota3A, %eq3A_119 : vector<1x16384xi32>
    %jit3A_121 = arith.constant 0.000000e+00 : f32
    %broadcast_in_dim3A_122 = vector.broadcast %jit3A_121 : f32 to vector<1x16384xf32>
    %select_n3A_123 = arith.select %eq3A_120, %get3A_9, %broadcast_in_dim3A_122 : vector<1x16384xi1>, vector<1x16384xf32>
    %reduce_sum3A_124 = arith.constant dense<0.000000e+00> : vector<1xf32>
    %reduce_sum3A_125 = vector.multi_reduction <add>, %select_n3A_123, %reduce_sum3A_124 [1] : vector<1x16384xf32> to vector<1xf32>
    %broadcast_in_dim3A_126 = vector.shape_cast %reduce_sum3A_125 : vector<1xf32> to vector<1x1xf32>
    %reduce_min3A_127 = vector.shape_cast %select_n3A_118 : vector<16x144xf32> to vector<1x16x144xf32>
    %reduce_min3A_128 = arith.constant dense<0x7F800000> : vector<1xf32>
    %reduce_min3A_129 = vector.multi_reduction <minimumf>, %reduce_min3A_127, %reduce_min3A_128 [1, 2] : vector<1x16x144xf32> to vector<1xf32>
    %reduce_min3A_130 = vector.shape_cast %reduce_min3A_129 : vector<1xf32> to vector<1x1x1xf32>
    %reduce_min3A_131 = vector.extract %reduce_min3A_130[0, 0, 0] : f32 from vector<1x1x1xf32>
    %eq3A_132 = vector.broadcast %reduce_min3A_131 : f32 to vector<16x144xf32>
    %eq3A_133 = arith.cmpf oeq, %select_n3A_118, %eq3A_132 : vector<16x144xf32>
    %jit3A_134 = arith.constant 1073741824 : i32
    %broadcast_in_dim3A_135 = vector.broadcast %jit3A_134 : i32 to vector<16x144xi32>
    %select_n3A_136 = arith.select %eq3A_133, %sub3A_6, %broadcast_in_dim3A_135 : vector<16x144xi1>, vector<16x144xi32>
    %reduce_min3A_137 = vector.shape_cast %select_n3A_136 : vector<16x144xi32> to vector<1x16x144xi32>
    %reduce_min3A_138 = arith.constant dense<2147483647> : vector<1xi32>
    %reduce_min3A_139 = vector.multi_reduction <minsi>, %reduce_min3A_137, %reduce_min3A_138 [1, 2] : vector<1x16x144xi32> to vector<1xi32>
    %reduce_min3A_140 = vector.shape_cast %reduce_min3A_139 : vector<1xi32> to vector<1x1x1xi32>
    %reduce_min3A_141 = vector.extract %reduce_min3A_140[0, 0, 0] : i32 from vector<1x1x1xi32>
    %eq3A_142 = vector.broadcast %reduce_min3A_131 : f32 to vector<16x144xf32>
    %eq3A_143 = arith.cmpf oeq, %select_n3A_118, %eq3A_142 : vector<16x144xf32>
    %eq3A_144 = vector.broadcast %reduce_min3A_141 : i32 to vector<16x144xi32>
    %eq3A_145 = arith.cmpi eq, %sub3A_6, %eq3A_144 : vector<16x144xi32>
    %and3A_146 = arith.andi %eq3A_143, %eq3A_145 : vector<16x144xi1>
    %jit3A_147 = arith.constant 3.000000e+38 : f32
    %broadcast_in_dim3A_148 = vector.broadcast %jit3A_147 : f32 to vector<16x144xf32>
    %select_n3A_149 = arith.select %and3A_146, %broadcast_in_dim3A_148, %select_n3A_118 : vector<16x144xi1>, vector<16x144xf32>
    %eq3A_150 = vector.broadcast %reduce_min3A_141 : i32 to vector<1x16384xi32>
    %eq3A_151 = arith.cmpi eq, %iota3A, %eq3A_150 : vector<1x16384xi32>
    %jit3A_152 = arith.constant 0.000000e+00 : f32
    %broadcast_in_dim3A_153 = vector.broadcast %jit3A_152 : f32 to vector<1x16384xf32>
    %select_n3A_154 = arith.select %eq3A_151, %get3A_9, %broadcast_in_dim3A_153 : vector<1x16384xi1>, vector<1x16384xf32>
    %reduce_sum3A_155 = arith.constant dense<0.000000e+00> : vector<1xf32>
    %reduce_sum3A_156 = vector.multi_reduction <add>, %select_n3A_154, %reduce_sum3A_155 [1] : vector<1x16384xf32> to vector<1xf32>
    %broadcast_in_dim3A_157 = vector.shape_cast %reduce_sum3A_156 : vector<1xf32> to vector<1x1xf32>
    %reduce_min3A_158 = vector.shape_cast %select_n3A_149 : vector<16x144xf32> to vector<1x16x144xf32>
    %reduce_min3A_159 = arith.constant dense<0x7F800000> : vector<1xf32>
    %reduce_min3A_160 = vector.multi_reduction <minimumf>, %reduce_min3A_158, %reduce_min3A_159 [1, 2] : vector<1x16x144xf32> to vector<1xf32>
    %reduce_min3A_161 = vector.shape_cast %reduce_min3A_160 : vector<1xf32> to vector<1x1x1xf32>
    %reduce_min3A_162 = vector.extract %reduce_min3A_161[0, 0, 0] : f32 from vector<1x1x1xf32>
    %eq3A_163 = vector.broadcast %reduce_min3A_162 : f32 to vector<16x144xf32>
    %eq3A_164 = arith.cmpf oeq, %select_n3A_149, %eq3A_163 : vector<16x144xf32>
    %jit3A_165 = arith.constant 1073741824 : i32
    %broadcast_in_dim3A_166 = vector.broadcast %jit3A_165 : i32 to vector<16x144xi32>
    %select_n3A_167 = arith.select %eq3A_164, %sub3A_6, %broadcast_in_dim3A_166 : vector<16x144xi1>, vector<16x144xi32>
    %reduce_min3A_168 = vector.shape_cast %select_n3A_167 : vector<16x144xi32> to vector<1x16x144xi32>
    %reduce_min3A_169 = arith.constant dense<2147483647> : vector<1xi32>
    %reduce_min3A_170 = vector.multi_reduction <minsi>, %reduce_min3A_168, %reduce_min3A_169 [1, 2] : vector<1x16x144xi32> to vector<1xi32>
    %reduce_min3A_171 = vector.shape_cast %reduce_min3A_170 : vector<1xi32> to vector<1x1x1xi32>
    %reduce_min3A_172 = vector.extract %reduce_min3A_171[0, 0, 0] : i32 from vector<1x1x1xi32>
    %eq3A_173 = vector.broadcast %reduce_min3A_162 : f32 to vector<16x144xf32>
    %eq3A_174 = arith.cmpf oeq, %select_n3A_149, %eq3A_173 : vector<16x144xf32>
    %eq3A_175 = vector.broadcast %reduce_min3A_172 : i32 to vector<16x144xi32>
    %eq3A_176 = arith.cmpi eq, %sub3A_6, %eq3A_175 : vector<16x144xi32>
    %and3A_177 = arith.andi %eq3A_174, %eq3A_176 : vector<16x144xi1>
    %jit3A_178 = arith.constant 3.000000e+38 : f32
    %broadcast_in_dim3A_179 = vector.broadcast %jit3A_178 : f32 to vector<16x144xf32>
    %select_n3A_180 = arith.select %and3A_177, %broadcast_in_dim3A_179, %select_n3A_149 : vector<16x144xi1>, vector<16x144xf32>
    %eq3A_181 = vector.broadcast %reduce_min3A_172 : i32 to vector<1x16384xi32>
    %eq3A_182 = arith.cmpi eq, %iota3A, %eq3A_181 : vector<1x16384xi32>
    %jit3A_183 = arith.constant 0.000000e+00 : f32
    %broadcast_in_dim3A_184 = vector.broadcast %jit3A_183 : f32 to vector<1x16384xf32>
    %select_n3A_185 = arith.select %eq3A_182, %get3A_9, %broadcast_in_dim3A_184 : vector<1x16384xi1>, vector<1x16384xf32>
    %reduce_sum3A_186 = arith.constant dense<0.000000e+00> : vector<1xf32>
    %reduce_sum3A_187 = vector.multi_reduction <add>, %select_n3A_185, %reduce_sum3A_186 [1] : vector<1x16384xf32> to vector<1xf32>
    %broadcast_in_dim3A_188 = vector.shape_cast %reduce_sum3A_187 : vector<1xf32> to vector<1x1xf32>
    %reduce_min3A_189 = vector.shape_cast %select_n3A_180 : vector<16x144xf32> to vector<1x16x144xf32>
    %reduce_min3A_190 = arith.constant dense<0x7F800000> : vector<1xf32>
    %reduce_min3A_191 = vector.multi_reduction <minimumf>, %reduce_min3A_189, %reduce_min3A_190 [1, 2] : vector<1x16x144xf32> to vector<1xf32>
    %reduce_min3A_192 = vector.shape_cast %reduce_min3A_191 : vector<1xf32> to vector<1x1x1xf32>
    %reduce_min3A_193 = vector.extract %reduce_min3A_192[0, 0, 0] : f32 from vector<1x1x1xf32>
    %eq3A_194 = vector.broadcast %reduce_min3A_193 : f32 to vector<16x144xf32>
    %eq3A_195 = arith.cmpf oeq, %select_n3A_180, %eq3A_194 : vector<16x144xf32>
    %jit3A_196 = arith.constant 1073741824 : i32
    %broadcast_in_dim3A_197 = vector.broadcast %jit3A_196 : i32 to vector<16x144xi32>
    %select_n3A_198 = arith.select %eq3A_195, %sub3A_6, %broadcast_in_dim3A_197 : vector<16x144xi1>, vector<16x144xi32>
    %reduce_min3A_199 = vector.shape_cast %select_n3A_198 : vector<16x144xi32> to vector<1x16x144xi32>
    %reduce_min3A_200 = arith.constant dense<2147483647> : vector<1xi32>
    %reduce_min3A_201 = vector.multi_reduction <minsi>, %reduce_min3A_199, %reduce_min3A_200 [1, 2] : vector<1x16x144xi32> to vector<1xi32>
    %reduce_min3A_202 = vector.shape_cast %reduce_min3A_201 : vector<1xi32> to vector<1x1x1xi32>
    %reduce_min3A_203 = vector.extract %reduce_min3A_202[0, 0, 0] : i32 from vector<1x1x1xi32>
    %eq3A_204 = vector.broadcast %reduce_min3A_193 : f32 to vector<16x144xf32>
    %eq3A_205 = arith.cmpf oeq, %select_n3A_180, %eq3A_204 : vector<16x144xf32>
    %eq3A_206 = vector.broadcast %reduce_min3A_203 : i32 to vector<16x144xi32>
    %eq3A_207 = arith.cmpi eq, %sub3A_6, %eq3A_206 : vector<16x144xi32>
    %and3A_208 = arith.andi %eq3A_205, %eq3A_207 : vector<16x144xi1>
    %jit3A_209 = arith.constant 3.000000e+38 : f32
    %broadcast_in_dim3A_210 = vector.broadcast %jit3A_209 : f32 to vector<16x144xf32>
    %select_n3A_211 = arith.select %and3A_208, %broadcast_in_dim3A_210, %select_n3A_180 : vector<16x144xi1>, vector<16x144xf32>
    %eq3A_212 = vector.broadcast %reduce_min3A_203 : i32 to vector<1x16384xi32>
    %eq3A_213 = arith.cmpi eq, %iota3A, %eq3A_212 : vector<1x16384xi32>
    %jit3A_214 = arith.constant 0.000000e+00 : f32
    %broadcast_in_dim3A_215 = vector.broadcast %jit3A_214 : f32 to vector<1x16384xf32>
    %select_n3A_216 = arith.select %eq3A_213, %get3A_9, %broadcast_in_dim3A_215 : vector<1x16384xi1>, vector<1x16384xf32>
    %reduce_sum3A_217 = arith.constant dense<0.000000e+00> : vector<1xf32>
    %reduce_sum3A_218 = vector.multi_reduction <add>, %select_n3A_216, %reduce_sum3A_217 [1] : vector<1x16384xf32> to vector<1xf32>
    %broadcast_in_dim3A_219 = vector.shape_cast %reduce_sum3A_218 : vector<1xf32> to vector<1x1xf32>
    %reduce_min3A_220 = vector.shape_cast %select_n3A_211 : vector<16x144xf32> to vector<1x16x144xf32>
    %reduce_min3A_221 = arith.constant dense<0x7F800000> : vector<1xf32>
    %reduce_min3A_222 = vector.multi_reduction <minimumf>, %reduce_min3A_220, %reduce_min3A_221 [1, 2] : vector<1x16x144xf32> to vector<1xf32>
    %reduce_min3A_223 = vector.shape_cast %reduce_min3A_222 : vector<1xf32> to vector<1x1x1xf32>
    %reduce_min3A_224 = vector.extract %reduce_min3A_223[0, 0, 0] : f32 from vector<1x1x1xf32>
    %eq3A_225 = vector.broadcast %reduce_min3A_224 : f32 to vector<16x144xf32>
    %eq3A_226 = arith.cmpf oeq, %select_n3A_211, %eq3A_225 : vector<16x144xf32>
    %jit3A_227 = arith.constant 1073741824 : i32
    %broadcast_in_dim3A_228 = vector.broadcast %jit3A_227 : i32 to vector<16x144xi32>
    %select_n3A_229 = arith.select %eq3A_226, %sub3A_6, %broadcast_in_dim3A_228 : vector<16x144xi1>, vector<16x144xi32>
    %reduce_min3A_230 = vector.shape_cast %select_n3A_229 : vector<16x144xi32> to vector<1x16x144xi32>
    %reduce_min3A_231 = arith.constant dense<2147483647> : vector<1xi32>
    %reduce_min3A_232 = vector.multi_reduction <minsi>, %reduce_min3A_230, %reduce_min3A_231 [1, 2] : vector<1x16x144xi32> to vector<1xi32>
    %reduce_min3A_233 = vector.shape_cast %reduce_min3A_232 : vector<1xi32> to vector<1x1x1xi32>
    %reduce_min3A_234 = vector.extract %reduce_min3A_233[0, 0, 0] : i32 from vector<1x1x1xi32>
    %eq3A_235 = vector.broadcast %reduce_min3A_224 : f32 to vector<16x144xf32>
    %eq3A_236 = arith.cmpf oeq, %select_n3A_211, %eq3A_235 : vector<16x144xf32>
    %eq3A_237 = vector.broadcast %reduce_min3A_234 : i32 to vector<16x144xi32>
    %eq3A_238 = arith.cmpi eq, %sub3A_6, %eq3A_237 : vector<16x144xi32>
    %and3A_239 = arith.andi %eq3A_236, %eq3A_238 : vector<16x144xi1>
    %jit3A_240 = arith.constant 3.000000e+38 : f32
    %broadcast_in_dim3A_241 = vector.broadcast %jit3A_240 : f32 to vector<16x144xf32>
    %select_n3A_242 = arith.select %and3A_239, %broadcast_in_dim3A_241, %select_n3A_211 : vector<16x144xi1>, vector<16x144xf32>
    %eq3A_243 = vector.broadcast %reduce_min3A_234 : i32 to vector<1x16384xi32>
    %eq3A_244 = arith.cmpi eq, %iota3A, %eq3A_243 : vector<1x16384xi32>
    %jit3A_245 = arith.constant 0.000000e+00 : f32
    %broadcast_in_dim3A_246 = vector.broadcast %jit3A_245 : f32 to vector<1x16384xf32>
    %select_n3A_247 = arith.select %eq3A_244, %get3A_9, %broadcast_in_dim3A_246 : vector<1x16384xi1>, vector<1x16384xf32>
    %reduce_sum3A_248 = arith.constant dense<0.000000e+00> : vector<1xf32>
    %reduce_sum3A_249 = vector.multi_reduction <add>, %select_n3A_247, %reduce_sum3A_248 [1] : vector<1x16384xf32> to vector<1xf32>
    %broadcast_in_dim3A_250 = vector.shape_cast %reduce_sum3A_249 : vector<1xf32> to vector<1x1xf32>
    %reduce_min3A_251 = vector.shape_cast %select_n3A_242 : vector<16x144xf32> to vector<1x16x144xf32>
    %reduce_min3A_252 = arith.constant dense<0x7F800000> : vector<1xf32>
    %reduce_min3A_253 = vector.multi_reduction <minimumf>, %reduce_min3A_251, %reduce_min3A_252 [1, 2] : vector<1x16x144xf32> to vector<1xf32>
    %reduce_min3A_254 = vector.shape_cast %reduce_min3A_253 : vector<1xf32> to vector<1x1x1xf32>
    %reduce_min3A_255 = vector.extract %reduce_min3A_254[0, 0, 0] : f32 from vector<1x1x1xf32>
    %eq3A_256 = vector.broadcast %reduce_min3A_255 : f32 to vector<16x144xf32>
    %eq3A_257 = arith.cmpf oeq, %select_n3A_242, %eq3A_256 : vector<16x144xf32>
    %jit3A_258 = arith.constant 1073741824 : i32
    %broadcast_in_dim3A_259 = vector.broadcast %jit3A_258 : i32 to vector<16x144xi32>
    %select_n3A_260 = arith.select %eq3A_257, %sub3A_6, %broadcast_in_dim3A_259 : vector<16x144xi1>, vector<16x144xi32>
    %reduce_min3A_261 = vector.shape_cast %select_n3A_260 : vector<16x144xi32> to vector<1x16x144xi32>
    %reduce_min3A_262 = arith.constant dense<2147483647> : vector<1xi32>
    %reduce_min3A_263 = vector.multi_reduction <minsi>, %reduce_min3A_261, %reduce_min3A_262 [1, 2] : vector<1x16x144xi32> to vector<1xi32>
    %reduce_min3A_264 = vector.shape_cast %reduce_min3A_263 : vector<1xi32> to vector<1x1x1xi32>
    %reduce_min3A_265 = vector.extract %reduce_min3A_264[0, 0, 0] : i32 from vector<1x1x1xi32>
    %eq3A_266 = vector.broadcast %reduce_min3A_265 : i32 to vector<1x16384xi32>
    %eq3A_267 = arith.cmpi eq, %iota3A, %eq3A_266 : vector<1x16384xi32>
    %jit3A_268 = arith.constant 0.000000e+00 : f32
    %broadcast_in_dim3A_269 = vector.broadcast %jit3A_268 : f32 to vector<1x16384xf32>
    %select_n3A_270 = arith.select %eq3A_267, %get3A_9, %broadcast_in_dim3A_269 : vector<1x16384xi1>, vector<1x16384xf32>
    %reduce_sum3A_271 = arith.constant dense<0.000000e+00> : vector<1xf32>
    %reduce_sum3A_272 = vector.multi_reduction <add>, %select_n3A_270, %reduce_sum3A_271 [1] : vector<1x16384xf32> to vector<1xf32>
    %broadcast_in_dim3A_273 = vector.shape_cast %reduce_sum3A_272 : vector<1xf32> to vector<1x1xf32>
    %get3A_274 = arith.constant 16 : index
    %get3A_275 = arith.constant 0 : index
    %get3A_276 = vector.load %arg0[%get3A_274, %get3A_275] : memref<32x144xf32, #tpu.memory_space<vmem>>, vector<16x144xf32>
    %get3A_277 = arith.constant 16 : index
    %get3A_278 = arith.constant 0 : index
    %get3A_279 = vector.load %arg1[%get3A_277, %get3A_278] : memref<32x144xi32, #tpu.memory_space<vmem>>, vector<16x144xi32>
    %sub3A_280 = arith.constant 16384 : i32
    %sub3A_281 = vector.broadcast %sub3A_280 : i32 to vector<16x144xi32>
    %sub3A_282 = arith.subi %get3A_279, %sub3A_281 : vector<16x144xi32>
    %get3A_283 = arith.constant 1 : index
    %get3A_284 = arith.constant 0 : index
    %get3A_285 = vector.load %arg2[%get3A_283, %get3A_284] : memref<2x16384xf32, #tpu.memory_space<vmem>>, vector<1x16384xf32>
    %iota3A_286 = tpu.iota {dimensions = array<i32: 1>} : vector<1x16384xi32>
    %reduce_min3A_287 = vector.shape_cast %get3A_276 : vector<16x144xf32> to vector<1x16x144xf32>
    %reduce_min3A_288 = arith.constant dense<0x7F800000> : vector<1xf32>
    %reduce_min3A_289 = vector.multi_reduction <minimumf>, %reduce_min3A_287, %reduce_min3A_288 [1, 2] : vector<1x16x144xf32> to vector<1xf32>
    %reduce_min3A_290 = vector.shape_cast %reduce_min3A_289 : vector<1xf32> to vector<1x1x1xf32>
    %reduce_min3A_291 = vector.extract %reduce_min3A_290[0, 0, 0] : f32 from vector<1x1x1xf32>
    %eq3A_292 = vector.broadcast %reduce_min3A_291 : f32 to vector<16x144xf32>
    %eq3A_293 = arith.cmpf oeq, %get3A_276, %eq3A_292 : vector<16x144xf32>
    %jit3A_294 = arith.constant 1073741824 : i32
    %broadcast_in_dim3A_295 = vector.broadcast %jit3A_294 : i32 to vector<16x144xi32>
    %select_n3A_296 = arith.select %eq3A_293, %sub3A_282, %broadcast_in_dim3A_295 : vector<16x144xi1>, vector<16x144xi32>
    %reduce_min3A_297 = vector.shape_cast %select_n3A_296 : vector<16x144xi32> to vector<1x16x144xi32>
    %reduce_min3A_298 = arith.constant dense<2147483647> : vector<1xi32>
    %reduce_min3A_299 = vector.multi_reduction <minsi>, %reduce_min3A_297, %reduce_min3A_298 [1, 2] : vector<1x16x144xi32> to vector<1xi32>
    %reduce_min3A_300 = vector.shape_cast %reduce_min3A_299 : vector<1xi32> to vector<1x1x1xi32>
    %reduce_min3A_301 = vector.extract %reduce_min3A_300[0, 0, 0] : i32 from vector<1x1x1xi32>
    %eq3A_302 = vector.broadcast %reduce_min3A_291 : f32 to vector<16x144xf32>
    %eq3A_303 = arith.cmpf oeq, %get3A_276, %eq3A_302 : vector<16x144xf32>
    %eq3A_304 = vector.broadcast %reduce_min3A_301 : i32 to vector<16x144xi32>
    %eq3A_305 = arith.cmpi eq, %sub3A_282, %eq3A_304 : vector<16x144xi32>
    %and3A_306 = arith.andi %eq3A_303, %eq3A_305 : vector<16x144xi1>
    %jit3A_307 = arith.constant 3.000000e+38 : f32
    %broadcast_in_dim3A_308 = vector.broadcast %jit3A_307 : f32 to vector<16x144xf32>
    %select_n3A_309 = arith.select %and3A_306, %broadcast_in_dim3A_308, %get3A_276 : vector<16x144xi1>, vector<16x144xf32>
    %eq3A_310 = vector.broadcast %reduce_min3A_301 : i32 to vector<1x16384xi32>
    %eq3A_311 = arith.cmpi eq, %iota3A_286, %eq3A_310 : vector<1x16384xi32>
    %jit3A_312 = arith.constant 0.000000e+00 : f32
    %broadcast_in_dim3A_313 = vector.broadcast %jit3A_312 : f32 to vector<1x16384xf32>
    %select_n3A_314 = arith.select %eq3A_311, %get3A_285, %broadcast_in_dim3A_313 : vector<1x16384xi1>, vector<1x16384xf32>
    %reduce_sum3A_315 = arith.constant dense<0.000000e+00> : vector<1xf32>
    %reduce_sum3A_316 = vector.multi_reduction <add>, %select_n3A_314, %reduce_sum3A_315 [1] : vector<1x16384xf32> to vector<1xf32>
    %broadcast_in_dim3A_317 = vector.shape_cast %reduce_sum3A_316 : vector<1xf32> to vector<1x1xf32>
    %reduce_min3A_318 = vector.shape_cast %select_n3A_309 : vector<16x144xf32> to vector<1x16x144xf32>
    %reduce_min3A_319 = arith.constant dense<0x7F800000> : vector<1xf32>
    %reduce_min3A_320 = vector.multi_reduction <minimumf>, %reduce_min3A_318, %reduce_min3A_319 [1, 2] : vector<1x16x144xf32> to vector<1xf32>
    %reduce_min3A_321 = vector.shape_cast %reduce_min3A_320 : vector<1xf32> to vector<1x1x1xf32>
    %reduce_min3A_322 = vector.extract %reduce_min3A_321[0, 0, 0] : f32 from vector<1x1x1xf32>
    %eq3A_323 = vector.broadcast %reduce_min3A_322 : f32 to vector<16x144xf32>
    %eq3A_324 = arith.cmpf oeq, %select_n3A_309, %eq3A_323 : vector<16x144xf32>
    %jit3A_325 = arith.constant 1073741824 : i32
    %broadcast_in_dim3A_326 = vector.broadcast %jit3A_325 : i32 to vector<16x144xi32>
    %select_n3A_327 = arith.select %eq3A_324, %sub3A_282, %broadcast_in_dim3A_326 : vector<16x144xi1>, vector<16x144xi32>
    %reduce_min3A_328 = vector.shape_cast %select_n3A_327 : vector<16x144xi32> to vector<1x16x144xi32>
    %reduce_min3A_329 = arith.constant dense<2147483647> : vector<1xi32>
    %reduce_min3A_330 = vector.multi_reduction <minsi>, %reduce_min3A_328, %reduce_min3A_329 [1, 2] : vector<1x16x144xi32> to vector<1xi32>
    %reduce_min3A_331 = vector.shape_cast %reduce_min3A_330 : vector<1xi32> to vector<1x1x1xi32>
    %reduce_min3A_332 = vector.extract %reduce_min3A_331[0, 0, 0] : i32 from vector<1x1x1xi32>
    %eq3A_333 = vector.broadcast %reduce_min3A_322 : f32 to vector<16x144xf32>
    %eq3A_334 = arith.cmpf oeq, %select_n3A_309, %eq3A_333 : vector<16x144xf32>
    %eq3A_335 = vector.broadcast %reduce_min3A_332 : i32 to vector<16x144xi32>
    %eq3A_336 = arith.cmpi eq, %sub3A_282, %eq3A_335 : vector<16x144xi32>
    %and3A_337 = arith.andi %eq3A_334, %eq3A_336 : vector<16x144xi1>
    %jit3A_338 = arith.constant 3.000000e+38 : f32
    %broadcast_in_dim3A_339 = vector.broadcast %jit3A_338 : f32 to vector<16x144xf32>
    %select_n3A_340 = arith.select %and3A_337, %broadcast_in_dim3A_339, %select_n3A_309 : vector<16x144xi1>, vector<16x144xf32>
    %eq3A_341 = vector.broadcast %reduce_min3A_332 : i32 to vector<1x16384xi32>
    %eq3A_342 = arith.cmpi eq, %iota3A_286, %eq3A_341 : vector<1x16384xi32>
    %jit3A_343 = arith.constant 0.000000e+00 : f32
    %broadcast_in_dim3A_344 = vector.broadcast %jit3A_343 : f32 to vector<1x16384xf32>
    %select_n3A_345 = arith.select %eq3A_342, %get3A_285, %broadcast_in_dim3A_344 : vector<1x16384xi1>, vector<1x16384xf32>
    %reduce_sum3A_346 = arith.constant dense<0.000000e+00> : vector<1xf32>
    %reduce_sum3A_347 = vector.multi_reduction <add>, %select_n3A_345, %reduce_sum3A_346 [1] : vector<1x16384xf32> to vector<1xf32>
    %broadcast_in_dim3A_348 = vector.shape_cast %reduce_sum3A_347 : vector<1xf32> to vector<1x1xf32>
    %reduce_min3A_349 = vector.shape_cast %select_n3A_340 : vector<16x144xf32> to vector<1x16x144xf32>
    %reduce_min3A_350 = arith.constant dense<0x7F800000> : vector<1xf32>
    %reduce_min3A_351 = vector.multi_reduction <minimumf>, %reduce_min3A_349, %reduce_min3A_350 [1, 2] : vector<1x16x144xf32> to vector<1xf32>
    %reduce_min3A_352 = vector.shape_cast %reduce_min3A_351 : vector<1xf32> to vector<1x1x1xf32>
    %reduce_min3A_353 = vector.extract %reduce_min3A_352[0, 0, 0] : f32 from vector<1x1x1xf32>
    %eq3A_354 = vector.broadcast %reduce_min3A_353 : f32 to vector<16x144xf32>
    %eq3A_355 = arith.cmpf oeq, %select_n3A_340, %eq3A_354 : vector<16x144xf32>
    %jit3A_356 = arith.constant 1073741824 : i32
    %broadcast_in_dim3A_357 = vector.broadcast %jit3A_356 : i32 to vector<16x144xi32>
    %select_n3A_358 = arith.select %eq3A_355, %sub3A_282, %broadcast_in_dim3A_357 : vector<16x144xi1>, vector<16x144xi32>
    %reduce_min3A_359 = vector.shape_cast %select_n3A_358 : vector<16x144xi32> to vector<1x16x144xi32>
    %reduce_min3A_360 = arith.constant dense<2147483647> : vector<1xi32>
    %reduce_min3A_361 = vector.multi_reduction <minsi>, %reduce_min3A_359, %reduce_min3A_360 [1, 2] : vector<1x16x144xi32> to vector<1xi32>
    %reduce_min3A_362 = vector.shape_cast %reduce_min3A_361 : vector<1xi32> to vector<1x1x1xi32>
    %reduce_min3A_363 = vector.extract %reduce_min3A_362[0, 0, 0] : i32 from vector<1x1x1xi32>
    %eq3A_364 = vector.broadcast %reduce_min3A_353 : f32 to vector<16x144xf32>
    %eq3A_365 = arith.cmpf oeq, %select_n3A_340, %eq3A_364 : vector<16x144xf32>
    %eq3A_366 = vector.broadcast %reduce_min3A_363 : i32 to vector<16x144xi32>
    %eq3A_367 = arith.cmpi eq, %sub3A_282, %eq3A_366 : vector<16x144xi32>
    %and3A_368 = arith.andi %eq3A_365, %eq3A_367 : vector<16x144xi1>
    %jit3A_369 = arith.constant 3.000000e+38 : f32
    %broadcast_in_dim3A_370 = vector.broadcast %jit3A_369 : f32 to vector<16x144xf32>
    %select_n3A_371 = arith.select %and3A_368, %broadcast_in_dim3A_370, %select_n3A_340 : vector<16x144xi1>, vector<16x144xf32>
    %eq3A_372 = vector.broadcast %reduce_min3A_363 : i32 to vector<1x16384xi32>
    %eq3A_373 = arith.cmpi eq, %iota3A_286, %eq3A_372 : vector<1x16384xi32>
    %jit3A_374 = arith.constant 0.000000e+00 : f32
    %broadcast_in_dim3A_375 = vector.broadcast %jit3A_374 : f32 to vector<1x16384xf32>
    %select_n3A_376 = arith.select %eq3A_373, %get3A_285, %broadcast_in_dim3A_375 : vector<1x16384xi1>, vector<1x16384xf32>
    %reduce_sum3A_377 = arith.constant dense<0.000000e+00> : vector<1xf32>
    %reduce_sum3A_378 = vector.multi_reduction <add>, %select_n3A_376, %reduce_sum3A_377 [1] : vector<1x16384xf32> to vector<1xf32>
    %broadcast_in_dim3A_379 = vector.shape_cast %reduce_sum3A_378 : vector<1xf32> to vector<1x1xf32>
    %reduce_min3A_380 = vector.shape_cast %select_n3A_371 : vector<16x144xf32> to vector<1x16x144xf32>
    %reduce_min3A_381 = arith.constant dense<0x7F800000> : vector<1xf32>
    %reduce_min3A_382 = vector.multi_reduction <minimumf>, %reduce_min3A_380, %reduce_min3A_381 [1, 2] : vector<1x16x144xf32> to vector<1xf32>
    %reduce_min3A_383 = vector.shape_cast %reduce_min3A_382 : vector<1xf32> to vector<1x1x1xf32>
    %reduce_min3A_384 = vector.extract %reduce_min3A_383[0, 0, 0] : f32 from vector<1x1x1xf32>
    %eq3A_385 = vector.broadcast %reduce_min3A_384 : f32 to vector<16x144xf32>
    %eq3A_386 = arith.cmpf oeq, %select_n3A_371, %eq3A_385 : vector<16x144xf32>
    %jit3A_387 = arith.constant 1073741824 : i32
    %broadcast_in_dim3A_388 = vector.broadcast %jit3A_387 : i32 to vector<16x144xi32>
    %select_n3A_389 = arith.select %eq3A_386, %sub3A_282, %broadcast_in_dim3A_388 : vector<16x144xi1>, vector<16x144xi32>
    %reduce_min3A_390 = vector.shape_cast %select_n3A_389 : vector<16x144xi32> to vector<1x16x144xi32>
    %reduce_min3A_391 = arith.constant dense<2147483647> : vector<1xi32>
    %reduce_min3A_392 = vector.multi_reduction <minsi>, %reduce_min3A_390, %reduce_min3A_391 [1, 2] : vector<1x16x144xi32> to vector<1xi32>
    %reduce_min3A_393 = vector.shape_cast %reduce_min3A_392 : vector<1xi32> to vector<1x1x1xi32>
    %reduce_min3A_394 = vector.extract %reduce_min3A_393[0, 0, 0] : i32 from vector<1x1x1xi32>
    %eq3A_395 = vector.broadcast %reduce_min3A_384 : f32 to vector<16x144xf32>
    %eq3A_396 = arith.cmpf oeq, %select_n3A_371, %eq3A_395 : vector<16x144xf32>
    %eq3A_397 = vector.broadcast %reduce_min3A_394 : i32 to vector<16x144xi32>
    %eq3A_398 = arith.cmpi eq, %sub3A_282, %eq3A_397 : vector<16x144xi32>
    %and3A_399 = arith.andi %eq3A_396, %eq3A_398 : vector<16x144xi1>
    %jit3A_400 = arith.constant 3.000000e+38 : f32
    %broadcast_in_dim3A_401 = vector.broadcast %jit3A_400 : f32 to vector<16x144xf32>
    %select_n3A_402 = arith.select %and3A_399, %broadcast_in_dim3A_401, %select_n3A_371 : vector<16x144xi1>, vector<16x144xf32>
    %eq3A_403 = vector.broadcast %reduce_min3A_394 : i32 to vector<1x16384xi32>
    %eq3A_404 = arith.cmpi eq, %iota3A_286, %eq3A_403 : vector<1x16384xi32>
    %jit3A_405 = arith.constant 0.000000e+00 : f32
    %broadcast_in_dim3A_406 = vector.broadcast %jit3A_405 : f32 to vector<1x16384xf32>
    %select_n3A_407 = arith.select %eq3A_404, %get3A_285, %broadcast_in_dim3A_406 : vector<1x16384xi1>, vector<1x16384xf32>
    %reduce_sum3A_408 = arith.constant dense<0.000000e+00> : vector<1xf32>
    %reduce_sum3A_409 = vector.multi_reduction <add>, %select_n3A_407, %reduce_sum3A_408 [1] : vector<1x16384xf32> to vector<1xf32>
    %broadcast_in_dim3A_410 = vector.shape_cast %reduce_sum3A_409 : vector<1xf32> to vector<1x1xf32>
    %reduce_min3A_411 = vector.shape_cast %select_n3A_402 : vector<16x144xf32> to vector<1x16x144xf32>
    %reduce_min3A_412 = arith.constant dense<0x7F800000> : vector<1xf32>
    %reduce_min3A_413 = vector.multi_reduction <minimumf>, %reduce_min3A_411, %reduce_min3A_412 [1, 2] : vector<1x16x144xf32> to vector<1xf32>
    %reduce_min3A_414 = vector.shape_cast %reduce_min3A_413 : vector<1xf32> to vector<1x1x1xf32>
    %reduce_min3A_415 = vector.extract %reduce_min3A_414[0, 0, 0] : f32 from vector<1x1x1xf32>
    %eq3A_416 = vector.broadcast %reduce_min3A_415 : f32 to vector<16x144xf32>
    %eq3A_417 = arith.cmpf oeq, %select_n3A_402, %eq3A_416 : vector<16x144xf32>
    %jit3A_418 = arith.constant 1073741824 : i32
    %broadcast_in_dim3A_419 = vector.broadcast %jit3A_418 : i32 to vector<16x144xi32>
    %select_n3A_420 = arith.select %eq3A_417, %sub3A_282, %broadcast_in_dim3A_419 : vector<16x144xi1>, vector<16x144xi32>
    %reduce_min3A_421 = vector.shape_cast %select_n3A_420 : vector<16x144xi32> to vector<1x16x144xi32>
    %reduce_min3A_422 = arith.constant dense<2147483647> : vector<1xi32>
    %reduce_min3A_423 = vector.multi_reduction <minsi>, %reduce_min3A_421, %reduce_min3A_422 [1, 2] : vector<1x16x144xi32> to vector<1xi32>
    %reduce_min3A_424 = vector.shape_cast %reduce_min3A_423 : vector<1xi32> to vector<1x1x1xi32>
    %reduce_min3A_425 = vector.extract %reduce_min3A_424[0, 0, 0] : i32 from vector<1x1x1xi32>
    %eq3A_426 = vector.broadcast %reduce_min3A_415 : f32 to vector<16x144xf32>
    %eq3A_427 = arith.cmpf oeq, %select_n3A_402, %eq3A_426 : vector<16x144xf32>
    %eq3A_428 = vector.broadcast %reduce_min3A_425 : i32 to vector<16x144xi32>
    %eq3A_429 = arith.cmpi eq, %sub3A_282, %eq3A_428 : vector<16x144xi32>
    %and3A_430 = arith.andi %eq3A_427, %eq3A_429 : vector<16x144xi1>
    %jit3A_431 = arith.constant 3.000000e+38 : f32
    %broadcast_in_dim3A_432 = vector.broadcast %jit3A_431 : f32 to vector<16x144xf32>
    %select_n3A_433 = arith.select %and3A_430, %broadcast_in_dim3A_432, %select_n3A_402 : vector<16x144xi1>, vector<16x144xf32>
    %eq3A_434 = vector.broadcast %reduce_min3A_425 : i32 to vector<1x16384xi32>
    %eq3A_435 = arith.cmpi eq, %iota3A_286, %eq3A_434 : vector<1x16384xi32>
    %jit3A_436 = arith.constant 0.000000e+00 : f32
    %broadcast_in_dim3A_437 = vector.broadcast %jit3A_436 : f32 to vector<1x16384xf32>
    %select_n3A_438 = arith.select %eq3A_435, %get3A_285, %broadcast_in_dim3A_437 : vector<1x16384xi1>, vector<1x16384xf32>
    %reduce_sum3A_439 = arith.constant dense<0.000000e+00> : vector<1xf32>
    %reduce_sum3A_440 = vector.multi_reduction <add>, %select_n3A_438, %reduce_sum3A_439 [1] : vector<1x16384xf32> to vector<1xf32>
    %broadcast_in_dim3A_441 = vector.shape_cast %reduce_sum3A_440 : vector<1xf32> to vector<1x1xf32>
    %reduce_min3A_442 = vector.shape_cast %select_n3A_433 : vector<16x144xf32> to vector<1x16x144xf32>
    %reduce_min3A_443 = arith.constant dense<0x7F800000> : vector<1xf32>
    %reduce_min3A_444 = vector.multi_reduction <minimumf>, %reduce_min3A_442, %reduce_min3A_443 [1, 2] : vector<1x16x144xf32> to vector<1xf32>
    %reduce_min3A_445 = vector.shape_cast %reduce_min3A_444 : vector<1xf32> to vector<1x1x1xf32>
    %reduce_min3A_446 = vector.extract %reduce_min3A_445[0, 0, 0] : f32 from vector<1x1x1xf32>
    %eq3A_447 = vector.broadcast %reduce_min3A_446 : f32 to vector<16x144xf32>
    %eq3A_448 = arith.cmpf oeq, %select_n3A_433, %eq3A_447 : vector<16x144xf32>
    %jit3A_449 = arith.constant 1073741824 : i32
    %broadcast_in_dim3A_450 = vector.broadcast %jit3A_449 : i32 to vector<16x144xi32>
    %select_n3A_451 = arith.select %eq3A_448, %sub3A_282, %broadcast_in_dim3A_450 : vector<16x144xi1>, vector<16x144xi32>
    %reduce_min3A_452 = vector.shape_cast %select_n3A_451 : vector<16x144xi32> to vector<1x16x144xi32>
    %reduce_min3A_453 = arith.constant dense<2147483647> : vector<1xi32>
    %reduce_min3A_454 = vector.multi_reduction <minsi>, %reduce_min3A_452, %reduce_min3A_453 [1, 2] : vector<1x16x144xi32> to vector<1xi32>
    %reduce_min3A_455 = vector.shape_cast %reduce_min3A_454 : vector<1xi32> to vector<1x1x1xi32>
    %reduce_min3A_456 = vector.extract %reduce_min3A_455[0, 0, 0] : i32 from vector<1x1x1xi32>
    %eq3A_457 = vector.broadcast %reduce_min3A_446 : f32 to vector<16x144xf32>
    %eq3A_458 = arith.cmpf oeq, %select_n3A_433, %eq3A_457 : vector<16x144xf32>
    %eq3A_459 = vector.broadcast %reduce_min3A_456 : i32 to vector<16x144xi32>
    %eq3A_460 = arith.cmpi eq, %sub3A_282, %eq3A_459 : vector<16x144xi32>
    %and3A_461 = arith.andi %eq3A_458, %eq3A_460 : vector<16x144xi1>
    %jit3A_462 = arith.constant 3.000000e+38 : f32
    %broadcast_in_dim3A_463 = vector.broadcast %jit3A_462 : f32 to vector<16x144xf32>
    %select_n3A_464 = arith.select %and3A_461, %broadcast_in_dim3A_463, %select_n3A_433 : vector<16x144xi1>, vector<16x144xf32>
    %eq3A_465 = vector.broadcast %reduce_min3A_456 : i32 to vector<1x16384xi32>
    %eq3A_466 = arith.cmpi eq, %iota3A_286, %eq3A_465 : vector<1x16384xi32>
    %jit3A_467 = arith.constant 0.000000e+00 : f32
    %broadcast_in_dim3A_468 = vector.broadcast %jit3A_467 : f32 to vector<1x16384xf32>
    %select_n3A_469 = arith.select %eq3A_466, %get3A_285, %broadcast_in_dim3A_468 : vector<1x16384xi1>, vector<1x16384xf32>
    %reduce_sum3A_470 = arith.constant dense<0.000000e+00> : vector<1xf32>
    %reduce_sum3A_471 = vector.multi_reduction <add>, %select_n3A_469, %reduce_sum3A_470 [1] : vector<1x16384xf32> to vector<1xf32>
    %broadcast_in_dim3A_472 = vector.shape_cast %reduce_sum3A_471 : vector<1xf32> to vector<1x1xf32>
    %reduce_min3A_473 = vector.shape_cast %select_n3A_464 : vector<16x144xf32> to vector<1x16x144xf32>
    %reduce_min3A_474 = arith.constant dense<0x7F800000> : vector<1xf32>
    %reduce_min3A_475 = vector.multi_reduction <minimumf>, %reduce_min3A_473, %reduce_min3A_474 [1, 2] : vector<1x16x144xf32> to vector<1xf32>
    %reduce_min3A_476 = vector.shape_cast %reduce_min3A_475 : vector<1xf32> to vector<1x1x1xf32>
    %reduce_min3A_477 = vector.extract %reduce_min3A_476[0, 0, 0] : f32 from vector<1x1x1xf32>
    %eq3A_478 = vector.broadcast %reduce_min3A_477 : f32 to vector<16x144xf32>
    %eq3A_479 = arith.cmpf oeq, %select_n3A_464, %eq3A_478 : vector<16x144xf32>
    %jit3A_480 = arith.constant 1073741824 : i32
    %broadcast_in_dim3A_481 = vector.broadcast %jit3A_480 : i32 to vector<16x144xi32>
    %select_n3A_482 = arith.select %eq3A_479, %sub3A_282, %broadcast_in_dim3A_481 : vector<16x144xi1>, vector<16x144xi32>
    %reduce_min3A_483 = vector.shape_cast %select_n3A_482 : vector<16x144xi32> to vector<1x16x144xi32>
    %reduce_min3A_484 = arith.constant dense<2147483647> : vector<1xi32>
    %reduce_min3A_485 = vector.multi_reduction <minsi>, %reduce_min3A_483, %reduce_min3A_484 [1, 2] : vector<1x16x144xi32> to vector<1xi32>
    %reduce_min3A_486 = vector.shape_cast %reduce_min3A_485 : vector<1xi32> to vector<1x1x1xi32>
    %reduce_min3A_487 = vector.extract %reduce_min3A_486[0, 0, 0] : i32 from vector<1x1x1xi32>
    %eq3A_488 = vector.broadcast %reduce_min3A_477 : f32 to vector<16x144xf32>
    %eq3A_489 = arith.cmpf oeq, %select_n3A_464, %eq3A_488 : vector<16x144xf32>
    %eq3A_490 = vector.broadcast %reduce_min3A_487 : i32 to vector<16x144xi32>
    %eq3A_491 = arith.cmpi eq, %sub3A_282, %eq3A_490 : vector<16x144xi32>
    %and3A_492 = arith.andi %eq3A_489, %eq3A_491 : vector<16x144xi1>
    %jit3A_493 = arith.constant 3.000000e+38 : f32
    %broadcast_in_dim3A_494 = vector.broadcast %jit3A_493 : f32 to vector<16x144xf32>
    %select_n3A_495 = arith.select %and3A_492, %broadcast_in_dim3A_494, %select_n3A_464 : vector<16x144xi1>, vector<16x144xf32>
    %eq3A_496 = vector.broadcast %reduce_min3A_487 : i32 to vector<1x16384xi32>
    %eq3A_497 = arith.cmpi eq, %iota3A_286, %eq3A_496 : vector<1x16384xi32>
    %jit3A_498 = arith.constant 0.000000e+00 : f32
    %broadcast_in_dim3A_499 = vector.broadcast %jit3A_498 : f32 to vector<1x16384xf32>
    %select_n3A_500 = arith.select %eq3A_497, %get3A_285, %broadcast_in_dim3A_499 : vector<1x16384xi1>, vector<1x16384xf32>
    %reduce_sum3A_501 = arith.constant dense<0.000000e+00> : vector<1xf32>
    %reduce_sum3A_502 = vector.multi_reduction <add>, %select_n3A_500, %reduce_sum3A_501 [1] : vector<1x16384xf32> to vector<1xf32>
    %broadcast_in_dim3A_503 = vector.shape_cast %reduce_sum3A_502 : vector<1xf32> to vector<1x1xf32>
    %reduce_min3A_504 = vector.shape_cast %select_n3A_495 : vector<16x144xf32> to vector<1x16x144xf32>
    %reduce_min3A_505 = arith.constant dense<0x7F800000> : vector<1xf32>
    %reduce_min3A_506 = vector.multi_reduction <minimumf>, %reduce_min3A_504, %reduce_min3A_505 [1, 2] : vector<1x16x144xf32> to vector<1xf32>
    %reduce_min3A_507 = vector.shape_cast %reduce_min3A_506 : vector<1xf32> to vector<1x1x1xf32>
    %reduce_min3A_508 = vector.extract %reduce_min3A_507[0, 0, 0] : f32 from vector<1x1x1xf32>
    %eq3A_509 = vector.broadcast %reduce_min3A_508 : f32 to vector<16x144xf32>
    %eq3A_510 = arith.cmpf oeq, %select_n3A_495, %eq3A_509 : vector<16x144xf32>
    %jit3A_511 = arith.constant 1073741824 : i32
    %broadcast_in_dim3A_512 = vector.broadcast %jit3A_511 : i32 to vector<16x144xi32>
    %select_n3A_513 = arith.select %eq3A_510, %sub3A_282, %broadcast_in_dim3A_512 : vector<16x144xi1>, vector<16x144xi32>
    %reduce_min3A_514 = vector.shape_cast %select_n3A_513 : vector<16x144xi32> to vector<1x16x144xi32>
    %reduce_min3A_515 = arith.constant dense<2147483647> : vector<1xi32>
    %reduce_min3A_516 = vector.multi_reduction <minsi>, %reduce_min3A_514, %reduce_min3A_515 [1, 2] : vector<1x16x144xi32> to vector<1xi32>
    %reduce_min3A_517 = vector.shape_cast %reduce_min3A_516 : vector<1xi32> to vector<1x1x1xi32>
    %reduce_min3A_518 = vector.extract %reduce_min3A_517[0, 0, 0] : i32 from vector<1x1x1xi32>
    %eq3A_519 = vector.broadcast %reduce_min3A_508 : f32 to vector<16x144xf32>
    %eq3A_520 = arith.cmpf oeq, %select_n3A_495, %eq3A_519 : vector<16x144xf32>
    %eq3A_521 = vector.broadcast %reduce_min3A_518 : i32 to vector<16x144xi32>
    %eq3A_522 = arith.cmpi eq, %sub3A_282, %eq3A_521 : vector<16x144xi32>
    %and3A_523 = arith.andi %eq3A_520, %eq3A_522 : vector<16x144xi1>
    %jit3A_524 = arith.constant 3.000000e+38 : f32
    %broadcast_in_dim3A_525 = vector.broadcast %jit3A_524 : f32 to vector<16x144xf32>
    %select_n3A_526 = arith.select %and3A_523, %broadcast_in_dim3A_525, %select_n3A_495 : vector<16x144xi1>, vector<16x144xf32>
    %eq3A_527 = vector.broadcast %reduce_min3A_518 : i32 to vector<1x16384xi32>
    %eq3A_528 = arith.cmpi eq, %iota3A_286, %eq3A_527 : vector<1x16384xi32>
    %jit3A_529 = arith.constant 0.000000e+00 : f32
    %broadcast_in_dim3A_530 = vector.broadcast %jit3A_529 : f32 to vector<1x16384xf32>
    %select_n3A_531 = arith.select %eq3A_528, %get3A_285, %broadcast_in_dim3A_530 : vector<1x16384xi1>, vector<1x16384xf32>
    %reduce_sum3A_532 = arith.constant dense<0.000000e+00> : vector<1xf32>
    %reduce_sum3A_533 = vector.multi_reduction <add>, %select_n3A_531, %reduce_sum3A_532 [1] : vector<1x16384xf32> to vector<1xf32>
    %broadcast_in_dim3A_534 = vector.shape_cast %reduce_sum3A_533 : vector<1xf32> to vector<1x1xf32>
    %reduce_min3A_535 = vector.shape_cast %select_n3A_526 : vector<16x144xf32> to vector<1x16x144xf32>
    %reduce_min3A_536 = arith.constant dense<0x7F800000> : vector<1xf32>
    %reduce_min3A_537 = vector.multi_reduction <minimumf>, %reduce_min3A_535, %reduce_min3A_536 [1, 2] : vector<1x16x144xf32> to vector<1xf32>
    %reduce_min3A_538 = vector.shape_cast %reduce_min3A_537 : vector<1xf32> to vector<1x1x1xf32>
    %reduce_min3A_539 = vector.extract %reduce_min3A_538[0, 0, 0] : f32 from vector<1x1x1xf32>
    %eq3A_540 = vector.broadcast %reduce_min3A_539 : f32 to vector<16x144xf32>
    %eq3A_541 = arith.cmpf oeq, %select_n3A_526, %eq3A_540 : vector<16x144xf32>
    %jit3A_542 = arith.constant 1073741824 : i32
    %broadcast_in_dim3A_543 = vector.broadcast %jit3A_542 : i32 to vector<16x144xi32>
    %select_n3A_544 = arith.select %eq3A_541, %sub3A_282, %broadcast_in_dim3A_543 : vector<16x144xi1>, vector<16x144xi32>
    %reduce_min3A_545 = vector.shape_cast %select_n3A_544 : vector<16x144xi32> to vector<1x16x144xi32>
    %reduce_min3A_546 = arith.constant dense<2147483647> : vector<1xi32>
    %reduce_min3A_547 = vector.multi_reduction <minsi>, %reduce_min3A_545, %reduce_min3A_546 [1, 2] : vector<1x16x144xi32> to vector<1xi32>
    %reduce_min3A_548 = vector.shape_cast %reduce_min3A_547 : vector<1xi32> to vector<1x1x1xi32>
    %reduce_min3A_549 = vector.extract %reduce_min3A_548[0, 0, 0] : i32 from vector<1x1x1xi32>
    %eq3A_550 = vector.broadcast %reduce_min3A_549 : i32 to vector<1x16384xi32>
    %eq3A_551 = arith.cmpi eq, %iota3A_286, %eq3A_550 : vector<1x16384xi32>
    %jit3A_552 = arith.constant 0.000000e+00 : f32
    %broadcast_in_dim3A_553 = vector.broadcast %jit3A_552 : f32 to vector<1x16384xf32>
    %select_n3A_554 = arith.select %eq3A_551, %get3A_285, %broadcast_in_dim3A_553 : vector<1x16384xi1>, vector<1x16384xf32>
    %reduce_sum3A_555 = arith.constant dense<0.000000e+00> : vector<1xf32>
    %reduce_sum3A_556 = vector.multi_reduction <add>, %select_n3A_554, %reduce_sum3A_555 [1] : vector<1x16384xf32> to vector<1xf32>
    %broadcast_in_dim3A_557 = vector.shape_cast %reduce_sum3A_556 : vector<1xf32> to vector<1x1xf32>
    %concatenate3A = tpu.concatenate %broadcast_in_dim3A_33, %broadcast_in_dim3A_64, %broadcast_in_dim3A_95, %broadcast_in_dim3A_126, %broadcast_in_dim3A_157, %broadcast_in_dim3A_188, %broadcast_in_dim3A_219, %broadcast_in_dim3A_250, %broadcast_in_dim3A_273 in 1 : vector<1x1xf32>, vector<1x1xf32>, vector<1x1xf32>, vector<1x1xf32>, vector<1x1xf32>, vector<1x1xf32>, vector<1x1xf32>, vector<1x1xf32>, vector<1x1xf32> -> vector<1x9xf32>
    %concatenate3A_558 = tpu.concatenate %broadcast_in_dim3A_317, %broadcast_in_dim3A_348, %broadcast_in_dim3A_379, %broadcast_in_dim3A_410, %broadcast_in_dim3A_441, %broadcast_in_dim3A_472, %broadcast_in_dim3A_503, %broadcast_in_dim3A_534, %broadcast_in_dim3A_557 in 1 : vector<1x1xf32>, vector<1x1xf32>, vector<1x1xf32>, vector<1x1xf32>, vector<1x1xf32>, vector<1x1xf32>, vector<1x1xf32>, vector<1x1xf32>, vector<1x1xf32> -> vector<1x9xf32>
    %concatenate3A_559 = tpu.concatenate %concatenate3A, %concatenate3A_558 in 0 : vector<1x9xf32>, vector<1x9xf32> -> vector<2x9xf32>
    %reduce_max3A = arith.constant dense<0xFF800000> : vector<2xf32>
    %reduce_max3A_560 = vector.multi_reduction <maximumf>, %concatenate3A_559, %reduce_max3A [1] : vector<2x9xf32> to vector<2xf32>
    %broadcast_in_dim3A_561 = vector.shape_cast %reduce_max3A_560 : vector<2xf32> to vector<2x1xf32>
    %sub3A_562 = vector.broadcast %broadcast_in_dim3A_561 : vector<2x1xf32> to vector<2x9xf32>
    %sub3A_563 = arith.subf %concatenate3A_559, %sub3A_562 : vector<2x9xf32>
    %exp3A = math.exp %sub3A_563 : vector<2x9xf32>
    %slice3A = vector.extract_strided_slice %exp3A {offsets = [0, 0], sizes = [2, 1], strides = [1, 1]} : vector<2x9xf32> to vector<2x1xf32>
    %reduce_sum3A_564 = arith.constant dense<0.000000e+00> : vector<2xf32>
    %reduce_sum3A_565 = vector.multi_reduction <add>, %exp3A, %reduce_sum3A_564 [1] : vector<2x9xf32> to vector<2xf32>
    %broadcast_in_dim3A_566 = vector.shape_cast %reduce_sum3A_565 : vector<2xf32> to vector<2x1xf32>
    %div3A = arith.divf %slice3A, %broadcast_in_dim3A_566 : vector<2x1xf32>
    %sub3A_567 = arith.constant 1.000000e+00 : f32
    %sub3A_568 = vector.broadcast %sub3A_567 : f32 to vector<2x1xf32>
    %sub3A_569 = arith.subf %sub3A_568, %div3A : vector<2x1xf32>
    %get3A_570 = arith.constant 0 : index
    %get3A_571 = arith.constant 0 : index
    %get3A_572 = vector.load %arg3[%get3A_570, %get3A_571] : memref<2x1xf32, #tpu.memory_space<vmem>>, vector<2x1xf32>
    %mul3A = arith.mulf %sub3A_569, %get3A_572 : vector<2x1xf32>
    %swap3A = arith.constant 0 : index
    %swap3A_573 = arith.constant 0 : index
    %swap3A_574 = vector.load %arg4[%swap3A, %swap3A_573] : memref<2x1xf32, #tpu.memory_space<vmem>>, vector<2x1xf32>
    tpu.vector_store %arg4[%swap3A, %swap3A_573], %mul3A {strides = array<i32>} : memref<2x1xf32, #tpu.memory_space<vmem>>, vector<2x1xf32>,
    return
  }
}

</mosaic_0001>

<sc_bundles>
// kernel: kernel.9.cloned.1.call-start
scs
__scs_entry_jumppad:
0x0: {  	(pc) =	sbr.rel $0x88, $3  }
0x1: {  	(tag) =	ssettag $0x0;
	lr =	simm.s32 $0x1  }
0x2: {  	[smem:$0x3F9F] =	sst lr;
	_ =	strace $0xD0000000  }
0x3: {  	_ = 	snop  }
0x4: {  	_ = 	snop  }
0x5: {  	_ = 	snop  }
0x6: {  	_ = 	snop  }
0x7: {  	_ = 	snop  }
__scs_overlays_trampoline_lowered:
0x8: {  	[smem:$0x3FAE] =	sst s0  }
0x9: {  	[smem:$0x3FAF] =	sst s1  }
0xa: {  	[smem:$0x3FB0] =	sst s2  }
0xb: {  	[smem:$0x3FB1] =	sst s3  }
0xc: {  	[smem:$0x3FB2] =	sst s4  }
0xd: {  	[smem:$0x3FB3] =	sst s5  }
0xe: {  	[smem:$0x3FB4] =	sst s6  }
0xf: {  	[smem:$0x3FB5] =	sst s7  }
0x10: {  	[smem:$0x3FB6] =	sst s8  }
0x11: {  	[smem:$0x3FB7] =	sst s9;
	s0 =	simm.s32 @!p0 $0x0  }
0x12: {  	s1 =	sld [smem:$0x3F9D];
	s0 =	simm.s32 @p0 $0x1  }
0x13: {  	[smem:$0x3FB8] =	sst s0;
	s0 =	simm.s32 @!p1 $0x0  }
0x14: {  	s2 =	sld [smem:$0x3F9C];
	s0 =	simm.s32 @p1 $0x1  }
0x15: {  	[smem:$0x3FB9] =	sst s0;
	s0 =	simm.s32 @!p2 $0x0  }
0x16: {  	s3 =	sld [smem:$0x3FDB];
	s0 =	simm.s32 @p2 $0x1  }
0x17: {  	s4 =	simm.s32 $0x1BF5;
	[smem:$0x3FBB] =	sst s0  }
0x18: {  	s0 =	sld [smem:$0x3F9E];
	_ =	swait.ge [sflag:s4], $0x0  }
0x19: {  	s7 =	sld [smem:$0x3F9F]  }
0x1a: {  	s8 =	sadd.s32 $0xFFFFE003, lr  }
0x1b: {  	s9 =	sadd.s32 $0xFFFFFEF7, lr;
	s5 =	simm.s32 $0xFFFFFFFF;
	p2 =	slt.u32 s8, $0xFFFFF086  }
0x1c: {  	p1 =	slt.u32 s9, $0xF7A;
	s5 =	simm.s32 @!p2 $0x0  }
0x1d: {  	s5 =	simm.s32 @p1 $0x1;
	p0 =	seq.s32 s7, s2  }
0x1e: {  	s7 =	smul.u32 @!p0 $0xF7A, s2;
	p2 =	seq.s32 @!p0 s5, $0x0  }
0x1f: {  	s9 =	smul.u32 $0xF7A, s1;
	s8 =	simm.s32 @!p0 $0x1BF5;
	p2 =	por !p2, p0  }
0x20: {  	[sflag:s8] =	ssyncset.s32 @!p0 $0xFFFFF086;
	s6 =	sadd.s32 @!p0 s3, s7;
	s7 =	simm.s32 @!p0 $0x108  }
0x21: {  	s3 =	sadd.s32 s3, s9;
	s6 =	sadd.s32 @!p0 $0x88, s6;
	s7 =	simm.s32 @p2 $0x1082  }
0x22: {  	[simem:s7], [sflag:s8] =	dma.local @!p0 [hbm:s6], $0xF7A  }
0x23: {  	s9 =	sor.u32 $0xD0000000, s2;
	s6 =	simm.s32 $0x108;
	_ =	swait.ge @!p0 [sflag:s8], $0x0  }
0x24: {  	s3 =	sadd.s32 $0x88, s3;
	s6 =	simm.s32 @!p1 $0x1082;
	[sflag:s4] =	ssyncset.s32 $0xFFFFF086  }
0x25: {  	[simem:s6], [sflag:s4] =	dma.local [hbm:s3], $0xF7A  }
0x26: {  	[smem:$0x3F9F] =	sst s1;
	(tag) =	ssettag s2;
	_ =	strace s9  }
0x27: {  	s1 =	sld [smem:$0x3FAF]  }
0x28: {  	s2 =	sld [smem:$0x3FB0]  }
0x29: {  	s4 =	sld [smem:$0x3FB2]  }
0x2a: {  	p0 =	seq.s32 s5, $0x0;
	s5 =	sld [smem:$0x3FB3]  }
0x2b: {  	s6 =	sld [smem:$0x3FB4]  }
0x2c: {  	s7 =	sld [smem:$0x3FB5]  }
0x2d: {  	s3 =	simm.s32 $0x108;
	s8 =	sld [smem:$0x3FB6]  }
0x2e: {  	s3 =	simm.s32 @!p0 $0x1082;
	s9 =	sld [smem:$0x3FB7]  }
0x2f: {  	lr =	sadd.s32 s0, s3;
	s0 =	sld [smem:$0x3FAE]  }
0x30: {  	s3 =	sld [smem:$0x3FB1]  }
0x31: {  	[smem:$0x3FBA] =	sst s10  }
0x32: {  	s10 =	sld [smem:$0x3FB8];
	_ =	sdelay $0x3  }
0x33: {  	p0 =	seq.s32 s10, $0x1;
	s10 =	sld [smem:$0x3FBA];
	_ =	sdelay $0x3  }
0x34: {  	[smem:$0x3FBA] =	sst s10  }
0x35: {  	s10 =	sld [smem:$0x3FB9];
	_ =	sdelay $0x3  }
0x36: {  	p1 =	seq.s32 s10, $0x1;
	s10 =	sld [smem:$0x3FBA];
	_ =	sdelay $0x3  }
0x37: {  	[smem:$0x3FBA] =	sst s10  }
0x38: {  	s10 =	sld [smem:$0x3FBB]  }
0x39: {  	_ = 	snop;
	(pc) =	sbr.ind lr, $3  }
0x3a: {  	_ = 	snop  }
0x3b: {  	_ = 	snop  }
0x3c: {  	p2 =	seq.s32 s10, $0x1;
	s10 =	sld [smem:$0x3FBA]  }
0x3d: {  	_ =	shalt  }
0x3e: {  	_ =	shalt  }
0x3f: {  	_ =	shalt  }
0x40: {  	_ =	shalt  }
0x41: {  	_ =	shalt  }
0x42: {  	_ =	shalt  }
0x43: {  	_ =	shalt  }
0x44: {  	_ =	shalt  }
0x45: {  	_ =	shalt  }
0x46: {  	_ =	shalt  }
0x47: {  	_ =	shalt  }
0x48: {  	_ =	shalt  }
0x49: {  	_ =	shalt  }
0x4a: {  	_ =	shalt  }
0x4b: {  	_ =	shalt  }
0x4c: {  	_ =	shalt  }
0x4d: {  	_ =	shalt  }
0x4e: {  	_ =	shalt  }
0x4f: {  	_ =	shalt  }
0x50: {  	_ =	shalt  }
0x51: {  	_ =	shalt  }
0x52: {  	_ =	shalt  }
0x53: {  	_ =	shalt  }
0x54: {  	_ =	shalt  }
0x55: {  	_ =	shalt  }
0x56: {  	_ =	shalt  }
0x57: {  	_ =	shalt  }
0x58: {  	_ =	shalt  }
0x59: {  	_ =	shalt  }
0x5a: {  	_ =	shalt  }
0x5b: {  	_ =	shalt  }
0x5c: {  	_ =	shalt  }
0x5d: {  	_ =	shalt  }
0x5e: {  	_ =	shalt  }
0x5f: {  	_ =	shalt  }
0x60: {  	_ =	shalt  }
0x61: {  	_ =	shalt  }
0x62: {  	_ =	shalt  }
0x63: {  	_ =	shalt  }
0x64: {  	_ =	shalt  }
0x65: {  	_ =	shalt  }
0x66: {  	_ =	shalt  }
0x67: {  	_ =	shalt  }
0x68: {  	_ =	shalt  }
0x69: {  	_ =	shalt  }
0x6a: {  	_ =	shalt  }
0x6b: {  	_ =	shalt  }
0x6c: {  	_ =	shalt  }
0x6d: {  	_ =	shalt  }
0x6e: {  	_ =	shalt  }
0x6f: {  	_ =	shalt  }
0x70: {  	_ =	shalt  }
0x71: {  	_ =	shalt  }
0x72: {  	_ =	shalt  }
0x73: {  	_ =	shalt  }
0x74: {  	_ =	shalt  }
0x75: {  	_ =	shalt  }
0x76: {  	_ =	shalt  }
0x77: {  	_ =	shalt  }
0x78: {  	_ =	shalt  }
0x79: {  	_ =	shalt  }
0x7a: {  	_ =	shalt  }
0x7b: {  	_ =	shalt  }
0x7c: {  	_ =	shalt  }
0x7d: {  	_ =	shalt  }
0x7e: {  	_ =	shalt  }
0x7f: {  	_ =	shalt  }
0x80: {  	_ =	shalt  }
0x81: {  	_ =	shalt  }
0x82: {  	_ =	shalt  }
0x83: {  	_ =	shalt  }
0x84: {  	_ =	shalt  }
0x85: {  	_ =	shalt  }
0x86: {  	_ =	shalt  }
0x87: {  	_ =	shalt  }
.Lfunc_end0:
.L_simem_size_0:
called_computation_lowered:
.L_overlay_start_0:
0x88: {  	s2 =	sld [smem:$0x3FD9]  }
0x89: {  	s3 =	sld [smem:$0x3FFE];
	_ =	sdelay $0x1  }
0x8a: {  	s1 =	srdreg.scid  }
0x8b: {  	s0 =	sand.u32 $0x1, s1  }
0x8c: {  	s16 =	sshll.u32 s0, $0xA;
	s2 =	sadd.s32 s3, s2  }
0x8d: {  	s2 =	sadd.s32 s2, s16  }
0x8e: {  	[smem:$0x3FC6] =	sst s2  }
0x8f: {  	_ = 	snop  }
0x90: {  	(tm) =	ssettm $0x1  }
0x91: {  	s17 =	sld [smem:$0x3FFB];
	_ =	sdelay $0x3  }
0x92: {  	_ =	strace s17  }
0x93: {  	s2 =	sld [smem:$0x3FFC];
	_ =	sdelay $0x3  }
0x94: {  	_ =	strace s2  }
0x95: {  	s2 =	sld [smem:$0x3FFD];
	_ =	sdelay $0x3  }
0x96: {  	_ =	strace s2  }
0x97: {  	_ =	strace $0x8FFFFFFF  }
0x98: {  	s18 =	sld [smem:$0x3FDB];
	_ =	sdelay $0x1  }
0x99: {  	s19 =	simm.s32 $_scs_section_size  }
0x9a: {  	s4 =	simm.s32 $_size__tile_overlayer_lowered;
	s5 =	simm.s32 $_tile_overlayer_lowered  }
0x9b: {  	s22 =	simm.s32 $0x1BFF;
	s21 =	sshll.u32 s5, $0x1;
	s2 =	sadd.s32 s19, s18  }
0x9c: {  	s6 =	simm.s32 $0x0;
	s20 =	sshll.u32 s4, $0x1;
	s4 =	sadd.s32 s21, s2  }
0x9d: {  	[timem:s6], [sflag:s22] =	dma.local [hbm:s4], s20  }
0x9e: {  	_ =	swait.ge [sflag:s22], s20  }
0x9f: {  	s3 =	ssub.s32 $0x0, s20;
	[sflag:s22] =	ssyncset.done $0x0  }
0xa0: {  	[sflag:s22] =	ssyncadd.s32 s3;
	_ =	sdelay $0x1  }
0xa1: {  	s23 =	simm.s32 $0x1B8B  }
0xa2: {  	_ =	swait.ge [sflag:s23], $0x1  }
0xa3: {  	[sflag:s23] =	ssyncset.done $0x0  }
0xa4: {  	s25 =	simm.s32 $0x1B8E;
	s24 =	sld [smem:$0x3FFE];
	[sflag:s23] =	ssyncadd.s32 $0xFFFFFFFF  }
0xa5: {  	s26 =	simm.s32 $execute0_lowered;
	[smem:$0x3FD2] =	sst s25  }
0xa6: {  	s4 =	sshll.u32 s26, $0x1;
	_ =	strace $0x80000046;
	[dreg:$0x1] =	wrdreg $0xFFFFFFFF  }
0xa7: {  	s28 =	simm.s32 $_size_execute0_lowered;
	s2 =	sadd.s32 s2, s4;
	[dreg:$0x0] =	wrdreg $0x0  }
0xa8: {  	s4 =	sshll.u32 s28, $0x1;
	[dreg:$0x2] =	wrdreg s2  }
0xa9: {  	[dreg:$0x3] =	wrdreg s4  }
0xaa: {  	[dreg:$0x4] =	wrdreg $0xC0  }
0xab: {  	_ =	task [dreg:s6], $0x5FFFF  }
0xac: {  	[dreg:$0x1] =	wrdreg $0xFFFFFFFF  }
0xad: {  	[dreg:$0x0] =	wrdreg $0x60  }
0xae: {  	[dreg:$0x2] =	wrdreg s24  }
0xaf: {  	[dreg:$0x3] =	wrdreg $0x9  }
0xb0: {  	_ =	task.clear_ibuf [dreg:s6], $0x4FFFF;
	_ =	strace $0x90000046  }
0xb1: {  	s29 =	simm.s32 $0x9;
	_ =	strace $0x80000048  }
0xb2: {  	_ =	swait.ge [sflag:s29], $0x1  }
0xb3: {  	[sflag:s29] =	ssyncadd.s32 $0xFFFFFFFF  }
0xb4: {  	_ =	strace $0x90000048  }
0xb5: {  	_ =	sfence  }
0xb6: {  	s30 =	sld [smem:$0x0];
	_ =	sdelay $0x2  }
0xb7: {  	s31 =	sshll.u32 s1, $0xD;
	s1 =	sshrl.u32 s1, $0x2  }
0xb8: {  	s3 =	sand.u32 $0x4000, s31;
	s1 =	sadd.s32 s1, s30  }
0xb9: {  	s0 =	sor.u32 s3, s0;
	s1 =	sshll.u32 s1, $0x11  }
0xba: {  	s0 =	sor.u32 s1, s0  }
0xbb: {  	s0 =	sadd.s32 $0x8F2B, s0  }
0xbc: {  	[sflag:s0] =	ssyncadd.remote.s32 $0x1  }
0xbd: {  	_ =	sfence.sel $0xFFFF  }
0xbe: {  	[dreg:$0x0] =	wrdreg $0xFFFFFFFF;
	(pc) =	sbr.abs _section_cstart, $3  }
0xbf: {  	[dreg:$0x1] =	wrdreg $0xFFFFFFFF  }
0xc0: {  	_ =	task.clear_ibuf [dreg:s6], $0x2FFFF;
	_ =	strace $0x9FFFFFFF  }
0xc1: {  	(tm) =	ssettm $0x7FFFFFFF  }
tec
execute0_lowered:
.L_overlay_start_1:
0x0: {  	(tag) =	ssettag $0x1  }
0x1: {  	s1 =	srdreg.scid  }
0x2: {  	s0 =	stileid.u32;
	s3 =	rddreg [dreg:$0x0];
	s9 =	simm.s32 $0x80  }
0x3: {  	s10 =	simm.s32 $0x400;
	s4 =	sand.u32 $0x1, s1;
	s2 =	sshll.u32 s0, $0x1  }
0x4: {  	s11 =	simm.s32 $0x500;
	s12 =	simm.s32 $0x0;
	s5 =	sor.u32 s4, s2  }
0x5: {  	s1 =	rddreg [dreg:$0x1];
	s7 =	sshll.u32 s0, $0x9;
	s6 =	sshll.u32 s5, $0x7  }
0x6: {  	s2 =	simm.s32 $0x0;
	s7 =	sand.u32 $0x1800, s7;
	s8 =	sand.u32 $0x380, s6  }
0x7: {  	s4 =	ssub.s32 $0x2, s4;
	[smem:$0x7FF] =	sst s2;
	s7 =	sor.u32 s7, s8  }
0x8: {  	s31 =	sshrl.u32 s4, $0x1;
	_ =	strace $0x80000047;
	s7 =	sshrl.u32 s7, $0x3  }
0x9: {  	s6 =	sadd.s32 s6, s3;
	s8 =	ssub.s32 s4, s31;
	s7 =	sadd.s32 s7, s3  }
0xa: {  	s4 =	sadd.s32 $0xC00, s6;
	s3 =	sshll.u32 s5, $0xA;
	s5 =	sadd.s32 $0x1C00, s7  }
0xb: {  	v0 =	vlaneseq.u32;
	s6 =	sadd.s32 $0x2000, s7;
	s7 =	smax.u32 s8, $0x1;
	s8 =	simm.s32 $0x1  }
.LBB2_1:
0xc: {  	[tilespmem:s2], [sflag:$0x1] =	stream.linear.gather [hbm4b:s4+s2], $0x400, $0x38;
	[tilespmem:$0x600] =	vst v63  }
0xd: {  	_ =	swait.ge [sflag:s8], $0x400  }
0xe: {  	[sflag:s8] =	ssyncset.done $0x0  }
0xf: {  	[sflag:s8] =	ssyncadd.s32 $0xFFFFFC00  }
0x10: {  	v3 =	vld [tilespmem:s2+$0x0];
	_ =	sdelay $0x1  }
0x11: {  	s14 =	simm.s32 $0x10  }
0x12: {  	v13 =	vld [tilespmem:s14+$0x0]  }
0x13: {  	v1 =	vimm.f32 $3.000000010e+38  }
0x14: {  	s13 =	sor.u32 s3, s2;
	v2 =	vimm.s32 $0x40000000;
	v24 =	vimm.s32 $0x40000000;
	s31 =	sor.u32 s3, s14;
	vm0 =	vlt.f32 v3, v1  }
0x15: {  	v9 =	vor.u32 s13, v0;
	v19 =	vor.u32 s31, v0;
	v4 =	vsel vm0, v1, v3  }
0x16: {  	v11 =	vsel vm0, v2, v9;
	v3 =	vsel vm0, v3, v1;
	vm1 =	vlt.f32 v4, v1  }
0x17: {  	v17 =	vsel vm0, v9, v2;
	vm0 =	vlt.f32 v13, v3;
	v5 =	vsel vm1, v1, v4  }
0x18: {  	v14 =	vsel vm1, v2, v11;
	v12 =	vsel vm1, v4, v1;
	v18 =	vsel vm0, v13, v3  }
0x19: {  	v26 =	vsel vm0, v3, v13;
	v21 =	vsel vm0, v17, v19;
	vm2 =	vlt.f32 v5, v1  }
0x1a: {  	v13 =	vimm.s32 $0x40000000;
	v6 =	vsel vm2, v1, v5;
	v16 =	vsel vm2, v2, v14  }
0x1b: {  	v8 =	vsel vm2, v5, v1;
	v14 =	vsel vm2, v14, v2;
	vm3 =	vlt.f32 v6, v1  }
0x1c: {  	v10 =	vsel vm3, v1, v6;
	v20 =	vsel vm3, v2, v16;
	v4 =	vsel vm3, v16, v2  }
0x1d: {  	v16 =	vsel vm1, v11, v2;
	vm1 =	vlt.f32 v26, v12;
	vm4 =	vlt.f32 v10, v1  }
0x1e: {  	v7 =	vsel vm3, v6, v1;
	v27 =	vsel vm1, v12, v26;
	v15 =	vsel vm4, v1, v10  }
0x1f: {  	v5 =	vsel vm4, v10, v1;
	v6 =	vsel vm4, v20, v2;
	v23 =	vsel vm4, v2, v20  }
0x20: {  	v20 =	vsel vm1, v16, v21;
	vm2 =	vlt.f32 v27, v8;
	vm3 =	vlt.f32 v15, v1  }
0x21: {  	v30 =	vsel vm2, v8, v27;
	v3 =	vsel vm3, v1, v15;
	v28 =	vsel vm3, v2, v23  }
0x22: {  	v15 =	vsel vm3, v15, v1;
	vm6 =	vlt.f32 v30, v7;
	vm7 =	vlt.f32 v3, v1  }
0x23: {  	v31 =	vsel vm6, v7, v30;
	v9 =	vsel vm7, v3, v1;
	v10 =	vsel vm7, v1, v3  }
0x24: {  	v29 =	vsel vm7, v2, v28;
	vm4 =	vlt.f32 v31, v5;
	vm5 =	vlt.f32 v10, v1  }
0x25: {  	v25 =	vsel vm4, v5, v31;
	v3 =	vsel vm5, v29, v2;
	v32 =	vsel vm5, v1, v10  }
0x26: {  	s13 =	simm.s32 $0x20;
	s14 =	simm.s32 $0x20;
	v22 =	vmovc v6;
	v11 =	vsel vm5, v10, v1;
	v10 =	vimm.s32 $0x40000000;
	vm8 =	vlt.f32 v32, v1  }
.LBB2_2:
0x27: {  	v33 =	vld [tilespmem:s14+$0x0];
	p0 =	sne.s32 s13, $0x3F0;
	v2 =	vsel vm7, v28, v2;
	v28 =	vsel vm5, v13, v29;
	v1 =	vsel vm8, v32, v1;
	v13 =	vmovc v3;
	s15 =	smov.u32 s13;
	s13 =	sadd.s32 $0x10, s13  }
0x28: {  	v29 =	vsel vm2, v14, v20;
	v24 =	vsel vm3, v23, v24;
	v10 =	vsel vm8, v28, v10  }
0x29: {  	v12 =	vsel vm1, v26, v12;
	v8 =	vsel vm2, v27, v8;
	v23 =	vsel vm6, v4, v29  }
0x2a: {  	v7 =	vsel vm6, v30, v7;
	v5 =	vsel vm4, v31, v5;
	v4 =	vsel vm6, v29, v4  }
0x2b: {  	v17 =	vsel vm0, v19, v17;
	v16 =	vsel vm1, v21, v16;
	v6 =	vsel vm4, v23, v6  }
0x2c: {  	v14 =	vsel vm2, v20, v14;
	s15 =	sor.u32 s3, s15;
	vm0 =	vlt.f32 v33, v18  }
0x2d: {  	v19 =	vor.u32 s15, v0;
	v26 =	vsel vm0, v18, v33;
	v18 =	vsel vm0, v33, v18  }
0x2e: {  	v23 =	vsel vm4, v22, v23;
	v22 =	vmovc v6;
	v21 =	vsel vm0, v17, v19;
	vm1 =	vlt.f32 v26, v12  }
0x2f: {  	vm3 =	vlt.f32 v25, v15;
	v27 =	vsel vm1, v12, v26;
	v20 =	vsel vm1, v16, v21  }
0x30: {  	v29 =	vsel vm3, v15, v25;
	v28 =	vsel vm3, v24, v23;
	vm2 =	vlt.f32 v27, v8  }
.Ltmp0:
0x31: {  	v15 =	vsel vm3, v25, v15;
	vm7 =	vlt.f32 v29, v9;
	v30 =	vsel vm2, v8, v27;
	(pc) =	sbr.rel @p0 .LBB2_2-.Ltmp0, $4  }
0x32: {  	v33 =	vsel vm7, v9, v29;
	v9 =	vsel vm7, v29, v9;
	vm6 =	vlt.f32 v30, v7  }
0x33: {  	v29 =	vsel vm7, v2, v28;
	vm5 =	vlt.f32 v33, v11;
	v31 =	vsel vm6, v7, v30  }
0x34: {  	v3 =	vsel vm5, v29, v3;
	v32 =	vsel vm5, v11, v33;
	vm4 =	vlt.f32 v31, v5  }
0x35: {  	s14 =	sadd.s32 $0x10, s14;
	v11 =	vsel vm5, v33, v11;
	vm8 =	vlt.f32 v32, v1;
	v25 =	vsel vm4, v5, v31  }
0x36: {  	v17 =	vsel vm0, v19, v17;
	[tilespmem:$0x400] =	vst v18  }
0x37: {  	v12 =	vsel vm1, v26, v12;
	[tilespmem:$0x500] =	vst v17  }
0x38: {  	v16 =	vsel vm1, v21, v16;
	[tilespmem:$0x410] =	vst v12  }
0x39: {  	v8 =	vsel vm2, v27, v8;
	[tilespmem:$0x510] =	vst v16  }
0x3a: {  	v50 =	vsel vm2, v20, v14;
	[tilespmem:$0x420] =	vst v8  }
0x3b: {  	v7 =	vsel vm6, v30, v7;
	[tilespmem:$0x520] =	vst v50  }
0x3c: {  	v51 =	vsel vm2, v14, v20;
	v5 =	vsel vm4, v31, v5;
	[tilespmem:$0x430] =	vst v7  }
0x3d: {  	vm12 =	vlt.f32 v25, v15;
	v52 =	vsel vm6, v51, v4;
	[tilespmem:$0x440] =	vst v5  }
0x3e: {  	v54 =	vsel vm3, v23, v24;
	v53 =	vsel vm6, v4, v51;
	v56 =	vsel vm12, v25, v15;
	[tilespmem:$0x530] =	vst v52  }
0x3f: {  	v55 =	vsel vm12, v15, v25;
	v6 =	vsel vm4, v53, v6;
	v4 =	vsel vm4, v22, v53;
	[tilespmem:$0x450] =	vst v56  }
0x40: {  	v2 =	vsel vm7, v28, v2;
	vm13 =	vlt.f32 v55, v9;
	[tilespmem:$0x540] =	vst v6;
	v57 =	vsel vm12, v4, v54  }
0x41: {  	v4 =	vsel vm12, v54, v4;
	v58 =	vsel vm13, v55, v9;
	v5 =	vsel vm13, v9, v55;
	[tilespmem:$0x550] =	vst v57  }
0x42: {  	v1 =	vsel vm8, v32, v1;
	vm14 =	vlt.f32 v5, v11;
	v59 =	vsel vm13, v4, v2;
	[tilespmem:$0x460] =	vst v58  }
0x43: {  	v2 =	vsel vm13, v2, v4;
	v60 =	vsel vm14, v11, v5;
	v5 =	vsel vm14, v5, v11;
	[tilespmem:$0x560] =	vst v59  }
0x44: {  	v61 =	vsel vm5, v13, v29;
	v62 =	vsel vm14, v2, v3;
	vm15 =	vlt.f32 v60, v1;
	[tilespmem:$0x470] =	vst v5  }
0x45: {  	v63 =	vsel vm8, v61, v10;
	v2 =	vsel vm14, v3, v2;
	[tilespmem:$0x570] =	vst v62;
	v1 =	vsel vm15, v60, v1  }
0x46: {  	v2 =	vsel vm15, v2, v63;
	[tilespmem:$0x480] =	vst v1  }
0x47: {  	[tilespmem:$0x580] =	vst v2  }
0x48: {  	[hbm4b:s5+s9] =	stream.strided.scatter [tilespmem:s10], [sflag:$0x1], $0x100, s10, s9, $0x38;
	[tilespmem:$0x600] =	vst v63  }
0x49: {  	s12 =	sadd.s32 $0x1, s12;
	_ =	swait.ge [sflag:s8], $0x100  }
0x4a: {  	p0 =	sne.s32 s12, s7;
	[sflag:s8] =	ssyncset.done $0x0  }
.Ltmp1:
0x4b: {  	[sflag:s8] =	ssyncadd.s32 $0xFFFFFF00;
	(pc) =	sbr.rel @p0 .LBB2_1-.Ltmp1, $4  }
0x4c: {  	[hbm4b:s6+s9] =	stream.strided.scatter [tilespmem:s11], [sflag:$0x1], $0x100, s10, s9, $0x38;
	[tilespmem:$0x600] =	vst v63  }
0x4d: {  	_ =	swait.ge [sflag:s8], $0x100  }
0x4e: {  	[sflag:s8] =	ssyncset.done $0x0  }
0x4f: {  	[sflag:s8] =	ssyncadd.s32 $0xFFFFFF00  }
0x50: {  	_ =	sfence.sel $0x180000  }
0x51: {  	[bflag:$0x0] =	sbarrier.arrive $0xFFFF  }
0x52: {  	p0 =	sne.s32 s0, $0x0;
	_ =	strace $0x90000047  }
0x53: {  	s0 =	sadd.s32 @!p0 $0x100000, s1;
	[bflag:$0x2] =	sbarrier.arrive $0xFFFF  }
0x54: {  	[sflag:s0] =	ssyncadd.tile.s32 @!p0 $0x1;
	_ =	shalt  }
.Lfunc_end2:
_tile_overlayer_lowered:
.L_overlay_start_2:
0x55: {  	(tag) =	ssettag $0x2  }
0x56: {  	s0 =	rddreg [dreg:$0x0];
	s2 =	stileid.u32  }
0x57: {  	s1 =	rddreg [dreg:$0x1];
	p0 =	sne.s32 s2, $0x0  }
0x58: {  	s3 =	rddreg [dreg:$0x2];
	[bflag:$0x3] =	sbarrier.arrive $0xFFFF;
	s2 =	simm.s32 @!p0 $0x1C01  }
0x59: {  	[timem:s3], [sflag:s2] =	dma.local @!p0 [hbm:s0], s1  }
0x5a: {  	s0 =	simm.s32 @!p0 $0x1  }
0x5b: {  	_ =	swait.ge @!p0 [sflag:s0], s1  }
0x5c: {  	s1 =	ssub.s32 @!p0 $0x0, s1;
	[sflag:s0] =	ssyncset.done @!p0 $0x0  }
0x5d: {  	[sflag:s0] =	ssyncadd.s32 @!p0 s1  }
0x5e: {  	[bflag:$0x3] =	sbarrier.arrive $0xFFFF  }
0x5f: {  	_ =	shalt  }

</sc_bundles>
